<compile_context>
chip_gen: v7x
topology: tpu7x:2x2x1
jax: 0.10.2.dev20260603
libtpu: 0.0.44.dev20260713+nightly
codegen_flags: <defaults>
</compile_context>

<pallas_src>
import functools

import jax
import jax.numpy as jnp
from jax import lax
from jax.experimental import pallas as pl
from jax.experimental.pallas import tpu as pltpu
from jax.experimental.pallas import tpu_sc as plsc

N = 10000
E = 320000
NG = 64
VOCAB = 400
TIN = 143
H1 = 256
H2 = 256
DC = 128
KCH = 80
NT = 16
EPT = E // NT
NCH = EPT // KCH
EPT32 = E // 32
NCH32 = EPT32 // KCH
BP = 2000
PH = 5120
ACC_R = PH + 8
OUT_R = 2 * PH
ZPT_A = ACC_R // 16
ZPT_B = ACC_R - 15 * ZPT_A
CPT = PH // 16



def _zero_acc(zeros_hbm, acc, sid):
    base = pl.multiple_of(sid * ZPT_A, 8)

    @pl.when(sid < 15)
    def _():
        pltpu.sync_copy(zeros_hbm.at[pl.ds(base, ZPT_A)],
                        acc.at[pl.ds(base, ZPT_A)])

    @pl.when(sid == 15)
    def _():
        pltpu.sync_copy(zeros_hbm.at[pl.ds(15 * ZPT_A, ZPT_B)],
                        acc.at[pl.ds(15 * ZPT_A, ZPT_B)])


def _copy_out(acc, out_hbm, cid, p, sid):
    base = pl.multiple_of(sid * CPT, 8)
    pltpu.sync_copy(acc.at[pl.ds(base, CPT)],
                    out_hbm.at[cid, pl.ds(p * PH + base, CPT)])


@functools.lru_cache(maxsize=None)
def _make_deg():
    mesh = plsc.VectorSubcoreMesh(core_axis_name="c", subcore_axis_name="s")

    @functools.partial(
        pl.kernel, mesh=mesh,
        out_type=jax.ShapeDtypeStruct((2, OUT_R, DC), jnp.float32),
        scratch_types=[
            pltpu.VMEM((NCH32, KCH), jnp.int32),
            pltpu.VMEM((KCH, DC), jnp.float32),
            pltpu.VMEM_SHARED((ACC_R, DC), jnp.float32),
        ],
    )
    def _deg_kernel(dst32p_hbm, ones_hbm, zeros_hbm, out_hbm, idx_d, ones_v, acc):
        cid = lax.axis_index("c")
        sid = lax.axis_index("s")
        wid = sid * 2 + cid
        pltpu.sync_copy(ones_hbm, ones_v)
        for p in range(2):
            _zero_acc(zeros_hbm, acc, sid)
            pltpu.sync_copy(dst32p_hbm.at[p, wid], idx_d)
            plsc.subcore_barrier()

            def body(j, carry):
                pltpu.sync_copy(ones_v, acc.at[idx_d.at[j]], add=True)
                return carry

            lax.fori_loop(0, NCH32, body, 0)
            plsc.subcore_barrier()
            _copy_out(acc, out_hbm, cid, p, sid)
            plsc.subcore_barrier()

    return _deg_kernel


@functools.lru_cache(maxsize=None)
def _make_agg():
    mesh = plsc.VectorSubcoreMesh(core_axis_name="c", subcore_axis_name="s")

    @functools.partial(
        pl.kernel, mesh=mesh,
        out_type=jax.ShapeDtypeStruct((2, OUT_R, DC), jnp.float32),
        scratch_types=[
            pltpu.VMEM((NCH + 2, KCH), jnp.int32),
            pltpu.VMEM((NCH, KCH), jnp.int32),
            pltpu.VMEM((KCH, DC), jnp.float32),
            pltpu.VMEM((KCH, DC), jnp.float32),
            pltpu.VMEM_SHARED((ACC_R, DC), jnp.float32),
            pltpu.SemaphoreType.DMA,
            pltpu.SemaphoreType.DMA,
            pltpu.SemaphoreType.DMA,
            pltpu.SemaphoreType.DMA,
        ],
    )
    def agg(h_hbm, src_hbm, dstp_hbm, zeros_hbm, out_hbm,
            idx_s, idx_d, rows0, rows1, acc, gsem0, gsem1, ssem0, ssem1):
        cid = lax.axis_index("c")
        sid = lax.axis_index("s")
        rows = (rows0, rows1)
        gsem = (gsem0, gsem1)
        ssem = (ssem0, ssem1)

        def gather(j, b):
            pltpu.async_copy(h_hbm.at[idx_s.at[j]], rows[b], gsem[b])

        def gather_wait(j, b):
            pltpu.make_async_copy(h_hbm.at[idx_s.at[j]], rows[b], gsem[b]).wait()

        def scat(j, b):
            pltpu.async_copy(rows[b], acc.at[idx_d.at[j]], ssem[b], add=True)

        def scat_wait(j, b):
            pltpu.make_async_copy(rows[b], acc.at[idx_d.at[j]], ssem[b]).wait()

        pltpu.sync_copy(src_hbm.at[cid, sid], idx_s)
        for p in range(2):
            _zero_acc(zeros_hbm, acc, sid)
            pltpu.sync_copy(dstp_hbm.at[p, sid], idx_d)
            plsc.subcore_barrier()

            gather(0, 0)
            gather_wait(0, 0)
            scat(0, 0)
            gather(1, 1)

            def body(jj, carry):
                j = jj * 2 + 1
                gather_wait(j, 1)
                scat(j, 1)
                scat_wait(j - 1, 0)
                gather(j + 1, 0)
                gather_wait(j + 1, 0)
                scat(j + 1, 0)
                scat_wait(j, 1)
                gather(j + 2, 1)
                return carry

            lax.fori_loop(0, (NCH - 2) // 2, body, 0)
            gather_wait(NCH - 1, 1)
            scat(NCH - 1, 1)
            scat_wait(NCH - 2, 0)
            scat_wait(NCH - 1, 1)
            plsc.subcore_barrier()
            _copy_out(acc, out_hbm, cid, p, sid)
            plsc.subcore_barrier()

    return agg


def _deg_call(dst32p, ones_rows, z128):
    return _make_deg()(dst32p, ones_rows, z128)


def _agg_call(h_flat, srcp, dstp, z128):
    return _make_agg()(h_flat, srcp, dstp, z128)



def _prep_body(x_ref, emb_ref, deg_ref, w_ref, out_ref):
    xb = x_ref[...]
    t = jnp.clip(xb[:, 0].astype(jnp.int32), 0, VOCAB - 1)
    oh = (t[:, None] == lax.broadcasted_iota(jnp.int32, (BP, VOCAB), 1))
    embrow = jnp.dot(oh.astype(jnp.float32), emb_ref[...],
                     preferred_element_type=jnp.float32)
    deg = deg_ref[0, :, 0] + deg_ref[1, :, 0] + 1.0
    dinv = lax.rsqrt(deg)[:, None]
    h0 = jnp.concatenate([xb, embrow, jnp.zeros((BP, 16), jnp.float32)], axis=1)
    z = jnp.dot(h0, w_ref[...], preferred_element_type=jnp.float32) * dinv
    out_ref[0] = z[:, :DC]
    out_ref[1] = z[:, DC:]


def _prep_call(x, emb, deg2, W1p):
    return pl.pallas_call(
        _prep_body,
        grid=(N // BP,),
        in_specs=[
            pl.BlockSpec((BP, 128), lambda i: (i, 0)),
            pl.BlockSpec((VOCAB, 16), lambda i: (0, 0)),
            pl.BlockSpec((2, BP, DC), lambda i: (0, i, 0)),
            pl.BlockSpec((160, H1), lambda i: (0, 0)),
        ],
        out_specs=pl.BlockSpec((2, BP, DC), lambda i: (0, i, 0)),
        out_shape=jax.ShapeDtypeStruct((2, N, DC), jnp.float32),
    )(x, emb, deg2, W1p)


def _mid_body(agg_ref, z_ref, deg_ref, b_ref, g_ref, be_ref, w_ref, out_ref):
    deg = deg_ref[0, :, 0] + deg_ref[1, :, 0] + 1.0
    dinv = lax.rsqrt(deg)[:, None]
    h = jnp.concatenate([agg_ref[0] + z_ref[0], agg_ref[1] + z_ref[1]],
                        axis=1) * dinv + b_ref[...]
    mu = jnp.mean(h, axis=1, keepdims=True)
    var = jnp.mean((h - mu) * (h - mu), axis=1, keepdims=True)
    h = (h - mu) / jnp.sqrt(var + 1e-5) * g_ref[...] + be_ref[...]
    h = jnp.maximum(h, 0.0)
    z = jnp.dot(h, w_ref[...], preferred_element_type=jnp.float32) * dinv
    out_ref[0] = z[:, :DC]
    out_ref[1] = z[:, DC:]


def _mid_call(agg0, z0, deg2, b1, g1, be1, W2):
    return pl.pallas_call(
        _mid_body,
        grid=(N // BP,),
        in_specs=[
            pl.BlockSpec((2, BP, DC), lambda i: (0, i, 0)),
            pl.BlockSpec((2, BP, DC), lambda i: (0, i, 0)),
            pl.BlockSpec((2, BP, DC), lambda i: (0, i, 0)),
            pl.BlockSpec((1, H1), lambda i: (0, 0)),
            pl.BlockSpec((1, H1), lambda i: (0, 0)),
            pl.BlockSpec((1, H1), lambda i: (0, 0)),
            pl.BlockSpec((H1, H2), lambda i: (0, 0)),
        ],
        out_specs=pl.BlockSpec((2, BP, DC), lambda i: (0, i, 0)),
        out_shape=jax.ShapeDtypeStruct((2, N, DC), jnp.float32),
    )(agg0, z0, deg2, b1, g1, be1, W2)


def _h2_body(agg_ref, z_ref, deg_ref, b_ref, g_ref, be_ref,
             gw1_ref, gb1_ref, gw2_ref, gb2_ref, h2_ref, gate_ref):
    deg = deg_ref[0, :, 0] + deg_ref[1, :, 0] + 1.0
    dinv = lax.rsqrt(deg)[:, None]
    h = jnp.concatenate([agg_ref[0] + z_ref[0], agg_ref[1] + z_ref[1]],
                        axis=1) * dinv + b_ref[...]
    mu = jnp.mean(h, axis=1, keepdims=True)
    var = jnp.mean((h - mu) * (h - mu), axis=1, keepdims=True)
    h = (h - mu) / jnp.sqrt(var + 1e-5) * g_ref[...] + be_ref[...]
    h = jnp.maximum(h, 0.0)
    h2_ref[...] = h
    gmid = jnp.maximum(
        jnp.dot(h, gw1_ref[...], preferred_element_type=jnp.float32)
        + gb1_ref[...], 0.0)
    gate_ref[...] = (jnp.dot(gmid, gw2_ref[...],
                             preferred_element_type=jnp.float32) + gb2_ref[...])


def _h2_call(agg1, z1, deg2, b2, g2, be2, gW1, gb1, gW2, gb2):
    return pl.pallas_call(
        _h2_body,
        grid=(N // BP,),
        in_specs=[
            pl.BlockSpec((2, BP, DC), lambda i: (0, i, 0)),
            pl.BlockSpec((2, BP, DC), lambda i: (0, i, 0)),
            pl.BlockSpec((2, BP, DC), lambda i: (0, i, 0)),
            pl.BlockSpec((1, H2), lambda i: (0, 0)),
            pl.BlockSpec((1, H2), lambda i: (0, 0)),
            pl.BlockSpec((1, H2), lambda i: (0, 0)),
            pl.BlockSpec((H2, 128), lambda i: (0, 0)),
            pl.BlockSpec((1, 128), lambda i: (0, 0)),
            pl.BlockSpec((128, 1), lambda i: (0, 0)),
            pl.BlockSpec((1, 1), lambda i: (0, 0)),
        ],
        out_specs=[
            pl.BlockSpec((BP, H2), lambda i: (i, 0)),
            pl.BlockSpec((BP, 1), lambda i: (i, 0)),
        ],
        out_shape=[
            jax.ShapeDtypeStruct((N, H2), jnp.float32),
            jax.ShapeDtypeStruct((N, 1), jnp.float32),
        ],
    )(agg1, z1, deg2, b2, g2, be2, gW1, gb1, gW2, gb2)


def _pool_body(h2_ref, gate_ref, batch_ref, gf_ref, cw1_ref, cb1_ref,
               cw2_ref, cb2_ref, out_ref):
    h2 = h2_ref[...]
    gate = gate_ref[...][:, 0]
    b = batch_ref[...][0]
    pm = b[None, :] == lax.broadcasted_iota(jnp.int32, (NG, N), 0)
    pf = pm.astype(jnp.float32)
    m = jnp.max(jnp.where(pm, gate[None, :], -1e30), axis=1)
    mn = jnp.sum(pf * m[:, None], axis=0)
    e = jnp.exp(gate - mn)
    s = jnp.sum(pf * e[None, :], axis=1)
    sn = jnp.sum(pf * s[:, None], axis=0)
    alpha = e / (sn + 1e-16)
    pooled = jnp.dot(pf, h2 * alpha[:, None], preferred_element_type=jnp.float32)
    comb = jnp.concatenate([pooled, gf_ref[...]], axis=1)
    c1 = jnp.maximum(
        jnp.dot(comb, cw1_ref[...], preferred_element_type=jnp.float32)
        + cb1_ref[...], 0.0)
    out_ref[...] = (jnp.dot(c1, cw2_ref[...], preferred_element_type=jnp.float32)
                    + cb2_ref[...])


def _pool_call(h2, gate, batch2, gf, cW1, cb1, cW2, cb2):
    return pl.pallas_call(
        _pool_body,
        in_specs=[
            pl.BlockSpec((N, H2), lambda: (0, 0)),
            pl.BlockSpec((N, 1), lambda: (0, 0)),
            pl.BlockSpec((1, N), lambda: (0, 0)),
            pl.BlockSpec((NG, 16), lambda: (0, 0)),
            pl.BlockSpec((H2 + 16, 128), lambda: (0, 0)),
            pl.BlockSpec((1, 128), lambda: (0, 0)),
            pl.BlockSpec((128, 2), lambda: (0, 0)),
            pl.BlockSpec((1, 2), lambda: (0, 0)),
        ],
        out_specs=pl.BlockSpec((NG, 2), lambda: (0, 0)),
        out_shape=jax.ShapeDtypeStruct((NG, 2), jnp.float32),
    )(h2, gate, batch2, gf, cW1, cb1, cW2, cb2)



def kernel(x, edge_index, batch, global_features, emb, W1, b1, ln1_g, ln1_b,
           W2, b2, ln2_g, ln2_b, gW1, gb1, gW2, gb2, cW1, cb1, cW2, cb2):
    src = edge_index[0]
    dst = edge_index[1]
    dl0 = jnp.where(dst < PH, dst, PH)
    dl1 = jnp.where(dst >= PH, dst - PH, PH)
    dst32p = jnp.stack([dl0.reshape(32, NCH32, KCH),
                        dl1.reshape(32, NCH32, KCH)])
    dstp = jnp.stack([dl0.reshape(NT, NCH, KCH),
                      dl1.reshape(NT, NCH, KCH)])
    srcr = src.reshape(NT, NCH, KCH)
    srcp = jnp.stack([srcr, srcr + N])
    srcp = jnp.concatenate([srcp, srcp[:, :, :2]], axis=2)
    ones_rows = jnp.ones((KCH, DC), jnp.float32)
    z128 = jnp.zeros((ACC_R, DC), jnp.float32)

    deg2 = _deg_call(dst32p, ones_rows, z128)

    W1p = jnp.concatenate(
        [jnp.zeros((1, H1), jnp.float32), W1,
         jnp.zeros((160 - TIN - 1, H1), jnp.float32)], axis=0)

    z0 = _prep_call(x, emb, deg2, W1p)
    agg0 = _agg_call(z0.reshape(2 * N, DC), srcp, dstp, z128)
    z1 = _mid_call(agg0, z0, deg2, b1.reshape(1, -1),
                   ln1_g.reshape(1, -1), ln1_b.reshape(1, -1), W2)
    agg1 = _agg_call(z1.reshape(2 * N, DC), srcp, dstp, z128)
    h2, gate = _h2_call(agg1, z1, deg2, b2.reshape(1, -1),
                        ln2_g.reshape(1, -1), ln2_b.reshape(1, -1),
                        gW1, gb1.reshape(1, -1), gW2.reshape(-1, 1),
                        gb2.reshape(1, 1))
    return _pool_call(h2, gate, batch.reshape(1, N), global_features,
                      cW1, cb1.reshape(1, -1), cW2, cb2.reshape(1, 2))

# --- scband reference (transcript-rebuilt; emitter-appended) ---
"""Pipeline reference for scband-dynamic-gnn-embedding-global-features-13262859010605 (READ-ONLY COPY).

The authoritative reference and input builder live on the scoring server;
editing this copy changes nothing except your own understanding.
"""

import jax, jax.numpy as jnp
import numpy as np

N = 10000
E = 320000
F_IN = 128
EMB_DIM = 16
GDIM = 16
NG = 64
H1 = 256
H2 = 256
PH = 128
VOCAB = 400
TIN = F_IN - 1 + EMB_DIM


def _layernorm(h, g, b):
    mu = jnp.mean(h, axis=-1, keepdims=True)
    var = jnp.var(h, axis=-1, keepdims=True)
    return (h - mu) / jnp.sqrt(var + 1e-5) * g + b


def _gcn(h, edge_index, W, b, n):
    # PyG GCNConv: add self-loops, symmetric D^-1/2 A_hat D^-1/2 normalization
    loop = jnp.arange(n, dtype=edge_index.dtype)
    src = jnp.concatenate([edge_index[0], loop])
    dst = jnp.concatenate([edge_index[1], loop])
    deg = jax.ops.segment_sum(jnp.ones_like(dst, dtype=h.dtype), dst, num_segments=n)
    dinv = jnp.where(deg > 0, jax.lax.rsqrt(jnp.maximum(deg, 1e-12)), 0.0)
    norm = dinv[src] * dinv[dst]
    hw = h @ W
    msg = hw[src] * norm[:, None]
    out = jax.ops.segment_sum(msg, dst, num_segments=n)
    return out + b


def setup_inputs(seed: int = 0) -> dict:
    key = jax.random.key(seed)
    ks = jax.random.split(key, 24)
    inp = {}
    inp['x'] = jax.random.uniform(ks[0], (N, F_IN), dtype=jnp.float32)
    inp['edge_index'] = jax.random.randint(ks[1], (2, E), 0, N, dtype=jnp.int32)
    inp['batch'] = jnp.sort(jax.random.randint(ks[2], (N,), 0, NG, dtype=jnp.int32))
    inp['global_features'] = jax.random.normal(ks[3], (NG, GDIM), dtype=jnp.float32)
    inp['emb'] = 0.05 * jax.random.normal(ks[4], (VOCAB, EMB_DIM), dtype=jnp.float32)
    inp['W1'] = 0.05 * jax.random.normal(ks[5], (TIN, H1), dtype=jnp.float32)
    inp['b1'] = jnp.zeros((H1,), dtype=jnp.float32)
    inp['ln1_g'] = jnp.ones((H1,), dtype=jnp.float32)
    inp['ln1_b'] = jnp.zeros((H1,), dtype=jnp.float32)
    inp['W2'] = 0.05 * jax.random.normal(ks[6], (H1, H2), dtype=jnp.float32)
    inp['b2'] = jnp.zeros((H2,), dtype=jnp.float32)
    inp['ln2_g'] = jnp.ones((H2,), dtype=jnp.float32)
    inp['ln2_b'] = jnp.zeros((H2,), dtype=jnp.float32)
    inp['gW1'] = 0.05 * jax.random.normal(ks[7], (H2, PH), dtype=jnp.float32)
    inp['gb1'] = jnp.zeros((PH,), dtype=jnp.float32)
    inp['gW2'] = 0.05 * jax.random.normal(ks[8], (PH, 1), dtype=jnp.float32)
    inp['gb2'] = jnp.zeros((1,), dtype=jnp.float32)
    inp['cW1'] = 0.05 * jax.random.normal(ks[9], (H2 + GDIM, PH), dtype=jnp.float32)
    inp['cb1'] = jnp.zeros((PH,), dtype=jnp.float32)
    inp['cW2'] = 0.05 * jax.random.normal(ks[10], (PH, 2), dtype=jnp.float32)
    inp['cb2'] = jnp.zeros((2,), dtype=jnp.float32)
    return inp


def reference(x, edge_index, batch, global_features, emb, W1, b1, ln1_g, ln1_b, W2, b2, ln2_g, ln2_b, gW1, gb1, gW2, gb2, cW1, cb1, cW2, cb2):
    node_types = x[:, 0].astype(jnp.int32)
    feats = x[:, 1:]
    h = jnp.concatenate([feats, emb[node_types]], axis=1)
    h = _gcn(h, edge_index, W1, b1, N)
    h = _layernorm(h, ln1_g, ln1_b)
    h = jax.nn.relu(h)
    h = _gcn(h, edge_index, W2, b2, N)
    h = _layernorm(h, ln2_g, ln2_b)
    h = jax.nn.relu(h)
    # AttentionalAggregation: gate_nn -> segment softmax -> weighted segment sum
    gate = (jax.nn.relu(h @ gW1 + gb1) @ gW2 + gb2)[:, 0]
    m = jax.ops.segment_max(gate, batch, num_segments=NG)
    m = jnp.where(jnp.isfinite(m), m, 0.0)
    e = jnp.exp(gate - m[batch])
    s = jax.ops.segment_sum(e, batch, num_segments=NG)
    alpha = e / (s[batch] + 1e-16)
    pooled = jax.ops.segment_sum(h * alpha[:, None], batch, num_segments=NG)
    comb = jnp.concatenate([pooled, global_features], axis=1)
    out = jax.nn.relu(comb @ cW1 + cb1) @ cW2 + cb2
    return out

if __name__ == "__main__":
    import jax
    _d = setup_inputs()
    print(jax.jit(kernel)(*tuple(_d.values())))

</pallas_src>

<mosaic_0001>
#map = affine_map<(d0, d1) -> (0, 0)>
#map1 = affine_map<(d0, d1) -> (0, 0, 0, 0)>
#map2 = affine_map<(d0, d1) -> (0, 0, 0)>
module attributes {stable_mosaic.version = 14 : i64} {
  func.func @agg(%arg0: i32, %arg1: i32, %arg2: memref<20000x128xf32, #tpu.memory_space<hbm>>, %arg3: memref<2x16x252x80xi32, #tpu.memory_space<hbm>>, %arg4: memref<2x16x250x80xi32, #tpu.memory_space<hbm>>, %arg5: memref<5128x128xf32, #tpu.memory_space<hbm>>, %arg6: memref<2x10240x128xf32, #tpu.memory_space<hbm>>, %arg7: memref<252x80xi32, #tpu.memory_space<vmem>>, %arg8: memref<250x80xi32, #tpu.memory_space<vmem>>, %arg9: memref<80x128xf32, #tpu.memory_space<vmem>>, %arg10: memref<80x128xf32, #tpu.memory_space<vmem>>, %arg11: memref<5128x128xf32, #tpu.memory_space<vmem_shared>>, %arg12: memref<!tpu.dma_semaphore, #tpu.memory_space<semaphore_mem>>, %arg13: memref<!tpu.dma_semaphore, #tpu.memory_space<semaphore_mem>>, %arg14: memref<!tpu.dma_semaphore, #tpu.memory_space<semaphore_mem>>, %arg15: memref<!tpu.dma_semaphore, #tpu.memory_space<semaphore_mem>>) attributes {dimension_semantics = [#tpu.dimension_semantics<core_parallel>, #tpu.dimension_semantics<subcore_parallel>], iteration_bounds = array<i64: 2, 16>, scalar_prefetch = 0 : i64, scratch_operands = 9 : i64, tpu.core_type = #tpu.core_type<sc_vector_subcore>, window_params = [{transform_indices = #map}, {transform_indices = #map1}, {transform_indices = #map1}, {transform_indices = #map}, {transform_indices = #map2}]} {
    "tpu.region"() ({
      %run_scoped3A_156 = tpu.sem_alloc : memref<!tpu.dma_semaphore, #tpu.memory_space<semaphore_mem>>
      %dma_start3A_157 = arith.constant 0 : i32
      %dma_start3A_158 = arith.constant 0 : i32
      %dma_start3A_159 = tpu.memref_slice %arg3[%arg0, %arg1, %dma_start3A_157, %dma_start3A_158] : memref<2x16x252x80xi32, #tpu.memory_space<hbm>> -> memref<1x1x252x80xi32, #tpu.memory_space<hbm>>
      %dma_start3A_160 = tpu.memref_squeeze %dma_start3A_159 : memref<1x1x252x80xi32, #tpu.memory_space<hbm>> -> memref<252x80xi32, #tpu.memory_space<hbm>>
      %dma_start3A_161 = arith.constant 0 : i32
      %dma_start3A_162 = arith.constant 0 : i32
      %dma_start3A_163 = tpu.memref_slice %arg3[%arg0, %arg1, %dma_start3A_161, %dma_start3A_162] : memref<2x16x252x80xi32, #tpu.memory_space<hbm>> -> memref<1x1x252x80xi32, #tpu.memory_space<hbm>>
      %dma_start3A_164 = tpu.memref_squeeze %dma_start3A_163 : memref<1x1x252x80xi32, #tpu.memory_space<hbm>> -> memref<252x80xi32, #tpu.memory_space<hbm>>
      tpu.enqueue_dma source(%dma_start3A_164 : memref<252x80xi32, #tpu.memory_space<hbm>>) target(%arg7 : memref<252x80xi32, #tpu.memory_space<vmem>>) target_semaphore(%run_scoped3A_156 : memref<!tpu.dma_semaphore, #tpu.memory_space<semaphore_mem>>)
      %dma_wait3A_165 = arith.constant 0 : i32
      %dma_wait3A_166 = arith.constant 0 : i32
      %dma_wait3A_167 = tpu.memref_slice %arg3[%arg0, %arg1, %dma_wait3A_165, %dma_wait3A_166] : memref<2x16x252x80xi32, #tpu.memory_space<hbm>> -> memref<1x1x252x80xi32, #tpu.memory_space<hbm>>
      %dma_wait3A_168 = tpu.memref_squeeze %dma_wait3A_167 : memref<1x1x252x80xi32, #tpu.memory_space<hbm>> -> memref<252x80xi32, #tpu.memory_space<hbm>>
      %dma_wait3A_169 = arith.constant 0 : i32
      %dma_wait3A_170 = arith.constant 0 : i32
      %dma_wait3A_171 = tpu.memref_slice %arg3[%arg0, %arg1, %dma_wait3A_169, %dma_wait3A_170] : memref<2x16x252x80xi32, #tpu.memory_space<hbm>> -> memref<1x1x252x80xi32, #tpu.memory_space<hbm>>
      %dma_wait3A_172 = tpu.memref_squeeze %dma_wait3A_171 : memref<1x1x252x80xi32, #tpu.memory_space<hbm>> -> memref<252x80xi32, #tpu.memory_space<hbm>>
      tpu.wait_dma2 semaphore(%run_scoped3A_156 : memref<!tpu.dma_semaphore, #tpu.memory_space<semaphore_mem>>) src(%dma_wait3A_172 : memref<252x80xi32, #tpu.memory_space<hbm>>) dst(%arg7 : memref<252x80xi32, #tpu.memory_space<vmem>>)
      tpu.yield
    }) : () -> ()
    %mul3A = arith.constant 320 : i32
    %mul3A_0 = arith.muli %arg1, %mul3A : i32
    %multiple_of3A = tpu.assume_multiple %mul3A_0, 8 : i32
    %lt3A = arith.constant 15 : i32
    %lt3A_1 = arith.cmpi slt, %arg1, %lt3A : i32
    %convert_element_type3A = arith.extui %lt3A_1 : i1 to i32
    %cond3A = arith.constant 0 : i32
    %cond3A_2 = arith.cmpi ne, %convert_element_type3A, %cond3A : i32
    scf.if %cond3A_2 {
      "tpu.region"() ({
        %run_scoped3A_156 = tpu.sem_alloc : memref<!tpu.dma_semaphore, #tpu.memory_space<semaphore_mem>>
        %dma_start3A_157 = arith.constant 0 : i32
        %dma_start3A_158 = tpu.memref_slice %arg11[%multiple_of3A, %dma_start3A_157] : memref<5128x128xf32, #tpu.memory_space<vmem_shared>> -> memref<320x128xf32, #tpu.memory_space<vmem_shared>>
        %dma_start3A_159 = arith.constant 0 : i32
        %dma_start3A_160 = tpu.memref_slice %arg5[%multiple_of3A, %dma_start3A_159] : memref<5128x128xf32, #tpu.memory_space<hbm>> -> memref<320x128xf32, #tpu.memory_space<hbm>>
        tpu.enqueue_dma source(%dma_start3A_160 : memref<320x128xf32, #tpu.memory_space<hbm>>) target(%dma_start3A_158 : memref<320x128xf32, #tpu.memory_space<vmem_shared>>) target_semaphore(%run_scoped3A_156 : memref<!tpu.dma_semaphore, #tpu.memory_space<semaphore_mem>>)
        %dma_wait3A_161 = arith.constant 0 : i32
        %dma_wait3A_162 = tpu.memref_slice %arg11[%multiple_of3A, %dma_wait3A_161] : memref<5128x128xf32, #tpu.memory_space<vmem_shared>> -> memref<320x128xf32, #tpu.memory_space<vmem_shared>>
        %dma_wait3A_163 = arith.constant 0 : i32
        %dma_wait3A_164 = tpu.memref_slice %arg5[%multiple_of3A, %dma_wait3A_163] : memref<5128x128xf32, #tpu.memory_space<hbm>> -> memref<320x128xf32, #tpu.memory_space<hbm>>
        tpu.wait_dma2 semaphore(%run_scoped3A_156 : memref<!tpu.dma_semaphore, #tpu.memory_space<semaphore_mem>>) src(%dma_wait3A_164 : memref<320x128xf32, #tpu.memory_space<hbm>>) dst(%dma_wait3A_162 : memref<320x128xf32, #tpu.memory_space<vmem_shared>>)
        tpu.yield
      }) : () -> ()
    } else {
    }
    %eq3A = arith.constant 15 : i32
    %eq3A_3 = arith.cmpi eq, %arg1, %eq3A : i32
    %convert_element_type3A_4 = arith.extui %eq3A_3 : i1 to i32
    %cond3A_5 = arith.constant 0 : i32
    %cond3A_6 = arith.cmpi ne, %convert_element_type3A_4, %cond3A_5 : i32
    scf.if %cond3A_6 {
      "tpu.region"() ({
        %run_scoped3A_156 = tpu.sem_alloc : memref<!tpu.dma_semaphore, #tpu.memory_space<semaphore_mem>>
        %dma_start3A_157 = arith.constant 4800 : i32
        %dma_start3A_158 = arith.constant 0 : i32
        %dma_start3A_159 = tpu.memref_slice %arg11[%dma_start3A_157, %dma_start3A_158] : memref<5128x128xf32, #tpu.memory_space<vmem_shared>> -> memref<328x128xf32, #tpu.memory_space<vmem_shared>>
        %dma_start3A_160 = arith.constant 4800 : i32
        %dma_start3A_161 = arith.constant 0 : i32
        %dma_start3A_162 = tpu.memref_slice %arg5[%dma_start3A_160, %dma_start3A_161] : memref<5128x128xf32, #tpu.memory_space<hbm>> -> memref<328x128xf32, #tpu.memory_space<hbm>>
        tpu.enqueue_dma source(%dma_start3A_162 : memref<328x128xf32, #tpu.memory_space<hbm>>) target(%dma_start3A_159 : memref<328x128xf32, #tpu.memory_space<vmem_shared>>) target_semaphore(%run_scoped3A_156 : memref<!tpu.dma_semaphore, #tpu.memory_space<semaphore_mem>>)
        %dma_wait3A_163 = arith.constant 4800 : i32
        %dma_wait3A_164 = arith.constant 0 : i32
        %dma_wait3A_165 = tpu.memref_slice %arg11[%dma_wait3A_163, %dma_wait3A_164] : memref<5128x128xf32, #tpu.memory_space<vmem_shared>> -> memref<328x128xf32, #tpu.memory_space<vmem_shared>>
        %dma_wait3A_166 = arith.constant 4800 : i32
        %dma_wait3A_167 = arith.constant 0 : i32
        %dma_wait3A_168 = tpu.memref_slice %arg5[%dma_wait3A_166, %dma_wait3A_167] : memref<5128x128xf32, #tpu.memory_space<hbm>> -> memref<328x128xf32, #tpu.memory_space<hbm>>
        tpu.wait_dma2 semaphore(%run_scoped3A_156 : memref<!tpu.dma_semaphore, #tpu.memory_space<semaphore_mem>>) src(%dma_wait3A_168 : memref<328x128xf32, #tpu.memory_space<hbm>>) dst(%dma_wait3A_165 : memref<328x128xf32, #tpu.memory_space<vmem_shared>>)
        tpu.yield
      }) : () -> ()
    } else {
    }
    %run_scoped3A = arith.constant 0 : i32
    "tpu.region"() ({
      %run_scoped3A_156 = tpu.sem_alloc : memref<!tpu.dma_semaphore, #tpu.memory_space<semaphore_mem>>
      %dma_start3A_157 = arith.constant 0 : i32
      %dma_start3A_158 = arith.constant 0 : i32
      %dma_start3A_159 = tpu.memref_slice %arg4[%run_scoped3A, %arg1, %dma_start3A_157, %dma_start3A_158] : memref<2x16x250x80xi32, #tpu.memory_space<hbm>> -> memref<1x1x250x80xi32, #tpu.memory_space<hbm>>
      %dma_start3A_160 = tpu.memref_squeeze %dma_start3A_159 : memref<1x1x250x80xi32, #tpu.memory_space<hbm>> -> memref<250x80xi32, #tpu.memory_space<hbm>>
      %dma_start3A_161 = arith.constant 0 : i32
      %dma_start3A_162 = arith.constant 0 : i32
      %dma_start3A_163 = tpu.memref_slice %arg4[%run_scoped3A, %arg1, %dma_start3A_161, %dma_start3A_162] : memref<2x16x250x80xi32, #tpu.memory_space<hbm>> -> memref<1x1x250x80xi32, #tpu.memory_space<hbm>>
      %dma_start3A_164 = tpu.memref_squeeze %dma_start3A_163 : memref<1x1x250x80xi32, #tpu.memory_space<hbm>> -> memref<250x80xi32, #tpu.memory_space<hbm>>
      tpu.enqueue_dma source(%dma_start3A_164 : memref<250x80xi32, #tpu.memory_space<hbm>>) target(%arg8 : memref<250x80xi32, #tpu.memory_space<vmem>>) target_semaphore(%run_scoped3A_156 : memref<!tpu.dma_semaphore, #tpu.memory_space<semaphore_mem>>)
      %dma_wait3A_165 = arith.constant 0 : i32
      %dma_wait3A_166 = arith.constant 0 : i32
      %dma_wait3A_167 = tpu.memref_slice %arg4[%run_scoped3A, %arg1, %dma_wait3A_165, %dma_wait3A_166] : memref<2x16x250x80xi32, #tpu.memory_space<hbm>> -> memref<1x1x250x80xi32, #tpu.memory_space<hbm>>
      %dma_wait3A_168 = tpu.memref_squeeze %dma_wait3A_167 : memref<1x1x250x80xi32, #tpu.memory_space<hbm>> -> memref<250x80xi32, #tpu.memory_space<hbm>>
      %dma_wait3A_169 = arith.constant 0 : i32
      %dma_wait3A_170 = arith.constant 0 : i32
      %dma_wait3A_171 = tpu.memref_slice %arg4[%run_scoped3A, %arg1, %dma_wait3A_169, %dma_wait3A_170] : memref<2x16x250x80xi32, #tpu.memory_space<hbm>> -> memref<1x1x250x80xi32, #tpu.memory_space<hbm>>
      %dma_wait3A_172 = tpu.memref_squeeze %dma_wait3A_171 : memref<1x1x250x80xi32, #tpu.memory_space<hbm>> -> memref<250x80xi32, #tpu.memory_space<hbm>>
      tpu.wait_dma2 semaphore(%run_scoped3A_156 : memref<!tpu.dma_semaphore, #tpu.memory_space<semaphore_mem>>) src(%dma_wait3A_172 : memref<250x80xi32, #tpu.memory_space<hbm>>) dst(%arg8 : memref<250x80xi32, #tpu.memory_space<vmem>>)
      tpu.yield
    }) : () -> ()
    %barrier3A = arith.constant 0 : index
    tpu.barrier barrier_id(%barrier3A)
    %dma_start3A = arith.constant 0 : i32
    %dma_start3A_7 = arith.constant 0 : i32
    %dma_start3A_8 = tpu.memref_slice %arg7[%dma_start3A, %dma_start3A_7] : memref<252x80xi32, #tpu.memory_space<vmem>> -> memref<1x80xi32, #tpu.memory_space<vmem>>
    %dma_start3A_9 = tpu.memref_squeeze %dma_start3A_8 : memref<1x80xi32, #tpu.memory_space<vmem>> -> memref<80xi32, #tpu.memory_space<vmem>>
    %dma_start3A_10 = arith.constant 0 : i32
    %dma_start3A_11 = arith.constant 0 : i32
    %dma_start3A_12 = tpu.memref_slice %arg2[%dma_start3A_10, %dma_start3A_11] : memref<20000x128xf32, #tpu.memory_space<hbm>> -> memref<20000x128xf32, #tpu.memory_space<hbm>>
    tpu.enqueue_indirect_dma source(%dma_start3A_12 : memref<20000x128xf32, #tpu.memory_space<hbm>>) target(%arg9 : memref<80x128xf32, #tpu.memory_space<vmem>>) offsets(%dma_start3A_9 : memref<80xi32, #tpu.memory_space<vmem>>) semaphore(%arg12 : memref<!tpu.dma_semaphore, #tpu.memory_space<semaphore_mem>>)
    %dma_wait3A = arith.constant 0 : i32
    %dma_wait3A_13 = arith.constant 0 : i32
    %dma_wait3A_14 = tpu.memref_slice %arg7[%dma_wait3A, %dma_wait3A_13] : memref<252x80xi32, #tpu.memory_space<vmem>> -> memref<1x80xi32, #tpu.memory_space<vmem>>
    %dma_wait3A_15 = tpu.memref_squeeze %dma_wait3A_14 : memref<1x80xi32, #tpu.memory_space<vmem>> -> memref<80xi32, #tpu.memory_space<vmem>>
    %dma_wait3A_16 = arith.constant 0 : i32
    %dma_wait3A_17 = arith.constant 0 : i32
    %dma_wait3A_18 = tpu.memref_slice %arg2[%dma_wait3A_16, %dma_wait3A_17] : memref<20000x128xf32, #tpu.memory_space<hbm>> -> memref<20000x128xf32, #tpu.memory_space<hbm>>
    tpu.wait_indirect_dma semaphore(%arg12 : memref<!tpu.dma_semaphore, #tpu.memory_space<semaphore_mem>>) src(%dma_wait3A_18 : memref<20000x128xf32, #tpu.memory_space<hbm>>) dst(%arg9 : memref<80x128xf32, #tpu.memory_space<vmem>>)
    %dma_start3A_19 = arith.constant 0 : i32
    %dma_start3A_20 = arith.constant 0 : i32
    %dma_start3A_21 = tpu.memref_slice %arg8[%dma_start3A_19, %dma_start3A_20] : memref<250x80xi32, #tpu.memory_space<vmem>> -> memref<1x80xi32, #tpu.memory_space<vmem>>
    %dma_start3A_22 = tpu.memref_squeeze %dma_start3A_21 : memref<1x80xi32, #tpu.memory_space<vmem>> -> memref<80xi32, #tpu.memory_space<vmem>>
    %dma_start3A_23 = arith.constant 0 : i32
    %dma_start3A_24 = arith.constant 0 : i32
    %dma_start3A_25 = tpu.memref_slice %arg11[%dma_start3A_23, %dma_start3A_24] : memref<5128x128xf32, #tpu.memory_space<vmem_shared>> -> memref<5128x128xf32, #tpu.memory_space<vmem_shared>>
    tpu.enqueue_indirect_dma source(%arg9 : memref<80x128xf32, #tpu.memory_space<vmem>>) target(%dma_start3A_25 : memref<5128x128xf32, #tpu.memory_space<vmem_shared>>) offsets(%dma_start3A_22 : memref<80xi32, #tpu.memory_space<vmem>>) semaphore(%arg14 : memref<!tpu.dma_semaphore, #tpu.memory_space<semaphore_mem>>) {add = true}
    %dma_start3A_26 = arith.constant 1 : i32
    %dma_start3A_27 = arith.constant 0 : i32
    %dma_start3A_28 = tpu.memref_slice %arg7[%dma_start3A_26, %dma_start3A_27] : memref<252x80xi32, #tpu.memory_space<vmem>> -> memref<1x80xi32, #tpu.memory_space<vmem>>
    %dma_start3A_29 = tpu.memref_squeeze %dma_start3A_28 : memref<1x80xi32, #tpu.memory_space<vmem>> -> memref<80xi32, #tpu.memory_space<vmem>>
    %dma_start3A_30 = arith.constant 0 : i32
    %dma_start3A_31 = arith.constant 0 : i32
    %dma_start3A_32 = tpu.memref_slice %arg2[%dma_start3A_30, %dma_start3A_31] : memref<20000x128xf32, #tpu.memory_space<hbm>> -> memref<20000x128xf32, #tpu.memory_space<hbm>>
    tpu.enqueue_indirect_dma source(%dma_start3A_32 : memref<20000x128xf32, #tpu.memory_space<hbm>>) target(%arg10 : memref<80x128xf32, #tpu.memory_space<vmem>>) offsets(%dma_start3A_29 : memref<80xi32, #tpu.memory_space<vmem>>) semaphore(%arg13 : memref<!tpu.dma_semaphore, #tpu.memory_space<semaphore_mem>>)
    %scan3A = arith.constant 0 : i32
    %scan3A_33 = arith.constant 0 : i32
    %scan3A_34 = arith.constant 124 : i32
    %scan3A_35 = arith.addi %scan3A_33, %scan3A_34 : i32
    %scan3A_36 = arith.constant 1 : i32
    scf.for %scan3A_156 = %scan3A_33 to %scan3A_35 step %scan3A_36  : i32 {
      %mul3A_157 = arith.constant 2 : i32
      %mul3A_158 = arith.muli %scan3A_156, %mul3A_157 : i32
      %add3A_159 = arith.constant 1 : i32
      %add3A_160 = arith.addi %mul3A_158, %add3A_159 : i32
      %dma_wait3A_161 = arith.constant 0 : i32
      %dma_wait3A_162 = tpu.memref_slice %arg7[%add3A_160, %dma_wait3A_161] : memref<252x80xi32, #tpu.memory_space<vmem>> -> memref<1x80xi32, #tpu.memory_space<vmem>>
      %dma_wait3A_163 = tpu.memref_squeeze %dma_wait3A_162 : memref<1x80xi32, #tpu.memory_space<vmem>> -> memref<80xi32, #tpu.memory_space<vmem>>
      %dma_wait3A_164 = arith.constant 0 : i32
      %dma_wait3A_165 = arith.constant 0 : i32
      %dma_wait3A_166 = tpu.memref_slice %arg2[%dma_wait3A_164, %dma_wait3A_165] : memref<20000x128xf32, #tpu.memory_space<hbm>> -> memref<20000x128xf32, #tpu.memory_space<hbm>>
      tpu.wait_indirect_dma semaphore(%arg13 : memref<!tpu.dma_semaphore, #tpu.memory_space<semaphore_mem>>) src(%dma_wait3A_166 : memref<20000x128xf32, #tpu.memory_space<hbm>>) dst(%arg10 : memref<80x128xf32, #tpu.memory_space<vmem>>)
      %dma_start3A_167 = arith.constant 0 : i32
      %dma_start3A_168 = tpu.memref_slice %arg8[%add3A_160, %dma_start3A_167] : memref<250x80xi32, #tpu.memory_space<vmem>> -> memref<1x80xi32, #tpu.memory_space<vmem>>
      %dma_start3A_169 = tpu.memref_squeeze %dma_start3A_168 : memref<1x80xi32, #tpu.memory_space<vmem>> -> memref<80xi32, #tpu.memory_space<vmem>>
      %dma_start3A_170 = arith.constant 0 : i32
      %dma_start3A_171 = arith.constant 0 : i32
      %dma_start3A_172 = tpu.memref_slice %arg11[%dma_start3A_170, %dma_start3A_171] : memref<5128x128xf32, #tpu.memory_space<vmem_shared>> -> memref<5128x128xf32, #tpu.memory_space<vmem_shared>>
      tpu.enqueue_indirect_dma source(%arg10 : memref<80x128xf32, #tpu.memory_space<vmem>>) target(%dma_start3A_172 : memref<5128x128xf32, #tpu.memory_space<vmem_shared>>) offsets(%dma_start3A_169 : memref<80xi32, #tpu.memory_space<vmem>>) semaphore(%arg15 : memref<!tpu.dma_semaphore, #tpu.memory_space<semaphore_mem>>) {add = true}
      %sub3A = arith.constant 1 : i32
      %sub3A_173 = arith.subi %add3A_160, %sub3A : i32
      %dma_wait3A_174 = arith.constant 0 : i32
      %dma_wait3A_175 = tpu.memref_slice %arg8[%sub3A_173, %dma_wait3A_174] : memref<250x80xi32, #tpu.memory_space<vmem>> -> memref<1x80xi32, #tpu.memory_space<vmem>>
      %dma_wait3A_176 = tpu.memref_squeeze %dma_wait3A_175 : memref<1x80xi32, #tpu.memory_space<vmem>> -> memref<80xi32, #tpu.memory_space<vmem>>
      %dma_wait3A_177 = arith.constant 0 : i32
      %dma_wait3A_178 = arith.constant 0 : i32
      %dma_wait3A_179 = tpu.memref_slice %arg11[%dma_wait3A_177, %dma_wait3A_178] : memref<5128x128xf32, #tpu.memory_space<vmem_shared>> -> memref<5128x128xf32, #tpu.memory_space<vmem_shared>>
      tpu.wait_indirect_dma semaphore(%arg14 : memref<!tpu.dma_semaphore, #tpu.memory_space<semaphore_mem>>) src(%arg9 : memref<80x128xf32, #tpu.memory_space<vmem>>) dst(%dma_wait3A_179 : memref<5128x128xf32, #tpu.memory_space<vmem_shared>>)
      %add3A_180 = arith.constant 1 : i32
      %add3A_181 = arith.addi %add3A_160, %add3A_180 : i32
      %dma_start3A_182 = arith.constant 0 : i32
      %dma_start3A_183 = tpu.memref_slice %arg7[%add3A_181, %dma_start3A_182] : memref<252x80xi32, #tpu.memory_space<vmem>> -> memref<1x80xi32, #tpu.memory_space<vmem>>
      %dma_start3A_184 = tpu.memref_squeeze %dma_start3A_183 : memref<1x80xi32, #tpu.memory_space<vmem>> -> memref<80xi32, #tpu.memory_space<vmem>>
      %dma_start3A_185 = arith.constant 0 : i32
      %dma_start3A_186 = arith.constant 0 : i32
      %dma_start3A_187 = tpu.memref_slice %arg2[%dma_start3A_185, %dma_start3A_186] : memref<20000x128xf32, #tpu.memory_space<hbm>> -> memref<20000x128xf32, #tpu.memory_space<hbm>>
      tpu.enqueue_indirect_dma source(%dma_start3A_187 : memref<20000x128xf32, #tpu.memory_space<hbm>>) target(%arg9 : memref<80x128xf32, #tpu.memory_space<vmem>>) offsets(%dma_start3A_184 : memref<80xi32, #tpu.memory_space<vmem>>) semaphore(%arg12 : memref<!tpu.dma_semaphore, #tpu.memory_space<semaphore_mem>>)
      %add3A_188 = arith.constant 1 : i32
      %add3A_189 = arith.addi %add3A_160, %add3A_188 : i32
      %dma_wait3A_190 = arith.constant 0 : i32
      %dma_wait3A_191 = tpu.memref_slice %arg7[%add3A_189, %dma_wait3A_190] : memref<252x80xi32, #tpu.memory_space<vmem>> -> memref<1x80xi32, #tpu.memory_space<vmem>>
      %dma_wait3A_192 = tpu.memref_squeeze %dma_wait3A_191 : memref<1x80xi32, #tpu.memory_space<vmem>> -> memref<80xi32, #tpu.memory_space<vmem>>
      %dma_wait3A_193 = arith.constant 0 : i32
      %dma_wait3A_194 = arith.constant 0 : i32
      %dma_wait3A_195 = tpu.memref_slice %arg2[%dma_wait3A_193, %dma_wait3A_194] : memref<20000x128xf32, #tpu.memory_space<hbm>> -> memref<20000x128xf32, #tpu.memory_space<hbm>>
      tpu.wait_indirect_dma semaphore(%arg12 : memref<!tpu.dma_semaphore, #tpu.memory_space<semaphore_mem>>) src(%dma_wait3A_195 : memref<20000x128xf32, #tpu.memory_space<hbm>>) dst(%arg9 : memref<80x128xf32, #tpu.memory_space<vmem>>)
      %add3A_196 = arith.constant 1 : i32
      %add3A_197 = arith.addi %add3A_160, %add3A_196 : i32
      %dma_start3A_198 = arith.constant 0 : i32
      %dma_start3A_199 = tpu.memref_slice %arg8[%add3A_197, %dma_start3A_198] : memref<250x80xi32, #tpu.memory_space<vmem>> -> memref<1x80xi32, #tpu.memory_space<vmem>>
      %dma_start3A_200 = tpu.memref_squeeze %dma_start3A_199 : memref<1x80xi32, #tpu.memory_space<vmem>> -> memref<80xi32, #tpu.memory_space<vmem>>
      %dma_start3A_201 = arith.constant 0 : i32
      %dma_start3A_202 = arith.constant 0 : i32
      %dma_start3A_203 = tpu.memref_slice %arg11[%dma_start3A_201, %dma_start3A_202] : memref<5128x128xf32, #tpu.memory_space<vmem_shared>> -> memref<5128x128xf32, #tpu.memory_space<vmem_shared>>
      tpu.enqueue_indirect_dma source(%arg9 : memref<80x128xf32, #tpu.memory_space<vmem>>) target(%dma_start3A_203 : memref<5128x128xf32, #tpu.memory_space<vmem_shared>>) offsets(%dma_start3A_200 : memref<80xi32, #tpu.memory_space<vmem>>) semaphore(%arg14 : memref<!tpu.dma_semaphore, #tpu.memory_space<semaphore_mem>>) {add = true}
      %dma_wait3A_204 = arith.constant 0 : i32
      %dma_wait3A_205 = tpu.memref_slice %arg8[%add3A_160, %dma_wait3A_204] : memref<250x80xi32, #tpu.memory_space<vmem>> -> memref<1x80xi32, #tpu.memory_space<vmem>>
      %dma_wait3A_206 = tpu.memref_squeeze %dma_wait3A_205 : memref<1x80xi32, #tpu.memory_space<vmem>> -> memref<80xi32, #tpu.memory_space<vmem>>
      %dma_wait3A_207 = arith.constant 0 : i32
      %dma_wait3A_208 = arith.constant 0 : i32
      %dma_wait3A_209 = tpu.memref_slice %arg11[%dma_wait3A_207, %dma_wait3A_208] : memref<5128x128xf32, #tpu.memory_space<vmem_shared>> -> memref<5128x128xf32, #tpu.memory_space<vmem_shared>>
      tpu.wait_indirect_dma semaphore(%arg15 : memref<!tpu.dma_semaphore, #tpu.memory_space<semaphore_mem>>) src(%arg10 : memref<80x128xf32, #tpu.memory_space<vmem>>) dst(%dma_wait3A_209 : memref<5128x128xf32, #tpu.memory_space<vmem_shared>>)
      %add3A_210 = arith.constant 2 : i32
      %add3A_211 = arith.addi %add3A_160, %add3A_210 : i32
      %dma_start3A_212 = arith.constant 0 : i32
      %dma_start3A_213 = tpu.memref_slice %arg7[%add3A_211, %dma_start3A_212] : memref<252x80xi32, #tpu.memory_space<vmem>> -> memref<1x80xi32, #tpu.memory_space<vmem>>
      %dma_start3A_214 = tpu.memref_squeeze %dma_start3A_213 : memref<1x80xi32, #tpu.memory_space<vmem>> -> memref<80xi32, #tpu.memory_space<vmem>>
      %dma_start3A_215 = arith.constant 0 : i32
      %dma_start3A_216 = arith.constant 0 : i32
      %dma_start3A_217 = tpu.memref_slice %arg2[%dma_start3A_215, %dma_start3A_216] : memref<20000x128xf32, #tpu.memory_space<hbm>> -> memref<20000x128xf32, #tpu.memory_space<hbm>>
      tpu.enqueue_indirect_dma source(%dma_start3A_217 : memref<20000x128xf32, #tpu.memory_space<hbm>>) target(%arg10 : memref<80x128xf32, #tpu.memory_space<vmem>>) offsets(%dma_start3A_214 : memref<80xi32, #tpu.memory_space<vmem>>) semaphore(%arg13 : memref<!tpu.dma_semaphore, #tpu.memory_space<semaphore_mem>>)
    }
    %scan3A_37 = arith.constant 124 : i32
    %dma_wait3A_38 = arith.constant 249 : i32
    %dma_wait3A_39 = arith.constant 0 : i32
    %dma_wait3A_40 = tpu.memref_slice %arg7[%dma_wait3A_38, %dma_wait3A_39] : memref<252x80xi32, #tpu.memory_space<vmem>> -> memref<1x80xi32, #tpu.memory_space<vmem>>
    %dma_wait3A_41 = tpu.memref_squeeze %dma_wait3A_40 : memref<1x80xi32, #tpu.memory_space<vmem>> -> memref<80xi32, #tpu.memory_space<vmem>>
    %dma_wait3A_42 = arith.constant 0 : i32
    %dma_wait3A_43 = arith.constant 0 : i32
    %dma_wait3A_44 = tpu.memref_slice %arg2[%dma_wait3A_42, %dma_wait3A_43] : memref<20000x128xf32, #tpu.memory_space<hbm>> -> memref<20000x128xf32, #tpu.memory_space<hbm>>
    tpu.wait_indirect_dma semaphore(%arg13 : memref<!tpu.dma_semaphore, #tpu.memory_space<semaphore_mem>>) src(%dma_wait3A_44 : memref<20000x128xf32, #tpu.memory_space<hbm>>) dst(%arg10 : memref<80x128xf32, #tpu.memory_space<vmem>>)
    %dma_start3A_45 = arith.constant 249 : i32
    %dma_start3A_46 = arith.constant 0 : i32
    %dma_start3A_47 = tpu.memref_slice %arg8[%dma_start3A_45, %dma_start3A_46] : memref<250x80xi32, #tpu.memory_space<vmem>> -> memref<1x80xi32, #tpu.memory_space<vmem>>
    %dma_start3A_48 = tpu.memref_squeeze %dma_start3A_47 : memref<1x80xi32, #tpu.memory_space<vmem>> -> memref<80xi32, #tpu.memory_space<vmem>>
    %dma_start3A_49 = arith.constant 0 : i32
    %dma_start3A_50 = arith.constant 0 : i32
    %dma_start3A_51 = tpu.memref_slice %arg11[%dma_start3A_49, %dma_start3A_50] : memref<5128x128xf32, #tpu.memory_space<vmem_shared>> -> memref<5128x128xf32, #tpu.memory_space<vmem_shared>>
    tpu.enqueue_indirect_dma source(%arg10 : memref<80x128xf32, #tpu.memory_space<vmem>>) target(%dma_start3A_51 : memref<5128x128xf32, #tpu.memory_space<vmem_shared>>) offsets(%dma_start3A_48 : memref<80xi32, #tpu.memory_space<vmem>>) semaphore(%arg15 : memref<!tpu.dma_semaphore, #tpu.memory_space<semaphore_mem>>) {add = true}
    %dma_wait3A_52 = arith.constant 248 : i32
    %dma_wait3A_53 = arith.constant 0 : i32
    %dma_wait3A_54 = tpu.memref_slice %arg8[%dma_wait3A_52, %dma_wait3A_53] : memref<250x80xi32, #tpu.memory_space<vmem>> -> memref<1x80xi32, #tpu.memory_space<vmem>>
    %dma_wait3A_55 = tpu.memref_squeeze %dma_wait3A_54 : memref<1x80xi32, #tpu.memory_space<vmem>> -> memref<80xi32, #tpu.memory_space<vmem>>
    %dma_wait3A_56 = arith.constant 0 : i32
    %dma_wait3A_57 = arith.constant 0 : i32
    %dma_wait3A_58 = tpu.memref_slice %arg11[%dma_wait3A_56, %dma_wait3A_57] : memref<5128x128xf32, #tpu.memory_space<vmem_shared>> -> memref<5128x128xf32, #tpu.memory_space<vmem_shared>>
    tpu.wait_indirect_dma semaphore(%arg14 : memref<!tpu.dma_semaphore, #tpu.memory_space<semaphore_mem>>) src(%arg9 : memref<80x128xf32, #tpu.memory_space<vmem>>) dst(%dma_wait3A_58 : memref<5128x128xf32, #tpu.memory_space<vmem_shared>>)
    %dma_wait3A_59 = arith.constant 249 : i32
    %dma_wait3A_60 = arith.constant 0 : i32
    %dma_wait3A_61 = tpu.memref_slice %arg8[%dma_wait3A_59, %dma_wait3A_60] : memref<250x80xi32, #tpu.memory_space<vmem>> -> memref<1x80xi32, #tpu.memory_space<vmem>>
    %dma_wait3A_62 = tpu.memref_squeeze %dma_wait3A_61 : memref<1x80xi32, #tpu.memory_space<vmem>> -> memref<80xi32, #tpu.memory_space<vmem>>
    %dma_wait3A_63 = arith.constant 0 : i32
    %dma_wait3A_64 = arith.constant 0 : i32
    %dma_wait3A_65 = tpu.memref_slice %arg11[%dma_wait3A_63, %dma_wait3A_64] : memref<5128x128xf32, #tpu.memory_space<vmem_shared>> -> memref<5128x128xf32, #tpu.memory_space<vmem_shared>>
    tpu.wait_indirect_dma semaphore(%arg15 : memref<!tpu.dma_semaphore, #tpu.memory_space<semaphore_mem>>) src(%arg10 : memref<80x128xf32, #tpu.memory_space<vmem>>) dst(%dma_wait3A_65 : memref<5128x128xf32, #tpu.memory_space<vmem_shared>>)
    %barrier3A_66 = arith.constant 0 : index
    tpu.barrier barrier_id(%barrier3A_66)
    %mul3A_67 = arith.constant 320 : i32
    %mul3A_68 = arith.muli %arg1, %mul3A_67 : i32
    %multiple_of3A_69 = tpu.assume_multiple %mul3A_68, 8 : i32
    %add3A = arith.constant 0 : i32
    %add3A_70 = arith.addi %add3A, %multiple_of3A_69 : i32
    "tpu.region"() ({
      %run_scoped3A_156 = tpu.sem_alloc : memref<!tpu.dma_semaphore, #tpu.memory_space<semaphore_mem>>
      %dma_start3A_157 = arith.constant 0 : i32
      %dma_start3A_158 = tpu.memref_slice %arg6[%arg0, %add3A_70, %dma_start3A_157] : memref<2x10240x128xf32, #tpu.memory_space<hbm>> -> memref<1x320x128xf32, #tpu.memory_space<hbm>>
      %dma_start3A_159 = tpu.memref_squeeze %dma_start3A_158 : memref<1x320x128xf32, #tpu.memory_space<hbm>> -> memref<320x128xf32, #tpu.memory_space<hbm>>
      %dma_start3A_160 = arith.constant 0 : i32
      %dma_start3A_161 = tpu.memref_slice %arg11[%multiple_of3A_69, %dma_start3A_160] : memref<5128x128xf32, #tpu.memory_space<vmem_shared>> -> memref<320x128xf32, #tpu.memory_space<vmem_shared>>
      tpu.enqueue_dma source(%dma_start3A_161 : memref<320x128xf32, #tpu.memory_space<vmem_shared>>) target(%dma_start3A_159 : memref<320x128xf32, #tpu.memory_space<hbm>>) target_semaphore(%run_scoped3A_156 : memref<!tpu.dma_semaphore, #tpu.memory_space<semaphore_mem>>)
      %dma_wait3A_162 = arith.constant 0 : i32
      %dma_wait3A_163 = tpu.memref_slice %arg6[%arg0, %add3A_70, %dma_wait3A_162] : memref<2x10240x128xf32, #tpu.memory_space<hbm>> -> memref<1x320x128xf32, #tpu.memory_space<hbm>>
      %dma_wait3A_164 = tpu.memref_squeeze %dma_wait3A_163 : memref<1x320x128xf32, #tpu.memory_space<hbm>> -> memref<320x128xf32, #tpu.memory_space<hbm>>
      %dma_wait3A_165 = arith.constant 0 : i32
      %dma_wait3A_166 = tpu.memref_slice %arg11[%multiple_of3A_69, %dma_wait3A_165] : memref<5128x128xf32, #tpu.memory_space<vmem_shared>> -> memref<320x128xf32, #tpu.memory_space<vmem_shared>>
      tpu.wait_dma2 semaphore(%run_scoped3A_156 : memref<!tpu.dma_semaphore, #tpu.memory_space<semaphore_mem>>) src(%dma_wait3A_166 : memref<320x128xf32, #tpu.memory_space<vmem_shared>>) dst(%dma_wait3A_164 : memref<320x128xf32, #tpu.memory_space<hbm>>)
      tpu.yield
    }) : () -> ()
    %barrier3A_71 = arith.constant 0 : index
    tpu.barrier barrier_id(%barrier3A_71)
    %mul3A_72 = arith.constant 320 : i32
    %mul3A_73 = arith.muli %arg1, %mul3A_72 : i32
    %multiple_of3A_74 = tpu.assume_multiple %mul3A_73, 8 : i32
    %lt3A_75 = arith.constant 15 : i32
    %lt3A_76 = arith.cmpi slt, %arg1, %lt3A_75 : i32
    %convert_element_type3A_77 = arith.extui %lt3A_76 : i1 to i32
    %cond3A_78 = arith.constant 0 : i32
    %cond3A_79 = arith.cmpi ne, %convert_element_type3A_77, %cond3A_78 : i32
    scf.if %cond3A_79 {
      "tpu.region"() ({
        %run_scoped3A_156 = tpu.sem_alloc : memref<!tpu.dma_semaphore, #tpu.memory_space<semaphore_mem>>
        %dma_start3A_157 = arith.constant 0 : i32
        %dma_start3A_158 = tpu.memref_slice %arg11[%multiple_of3A_74, %dma_start3A_157] : memref<5128x128xf32, #tpu.memory_space<vmem_shared>> -> memref<320x128xf32, #tpu.memory_space<vmem_shared>>
        %dma_start3A_159 = arith.constant 0 : i32
        %dma_start3A_160 = tpu.memref_slice %arg5[%multiple_of3A_74, %dma_start3A_159] : memref<5128x128xf32, #tpu.memory_space<hbm>> -> memref<320x128xf32, #tpu.memory_space<hbm>>
        tpu.enqueue_dma source(%dma_start3A_160 : memref<320x128xf32, #tpu.memory_space<hbm>>) target(%dma_start3A_158 : memref<320x128xf32, #tpu.memory_space<vmem_shared>>) target_semaphore(%run_scoped3A_156 : memref<!tpu.dma_semaphore, #tpu.memory_space<semaphore_mem>>)
        %dma_wait3A_161 = arith.constant 0 : i32
        %dma_wait3A_162 = tpu.memref_slice %arg11[%multiple_of3A_74, %dma_wait3A_161] : memref<5128x128xf32, #tpu.memory_space<vmem_shared>> -> memref<320x128xf32, #tpu.memory_space<vmem_shared>>
        %dma_wait3A_163 = arith.constant 0 : i32
        %dma_wait3A_164 = tpu.memref_slice %arg5[%multiple_of3A_74, %dma_wait3A_163] : memref<5128x128xf32, #tpu.memory_space<hbm>> -> memref<320x128xf32, #tpu.memory_space<hbm>>
        tpu.wait_dma2 semaphore(%run_scoped3A_156 : memref<!tpu.dma_semaphore, #tpu.memory_space<semaphore_mem>>) src(%dma_wait3A_164 : memref<320x128xf32, #tpu.memory_space<hbm>>) dst(%dma_wait3A_162 : memref<320x128xf32, #tpu.memory_space<vmem_shared>>)
        tpu.yield
      }) : () -> ()
    } else {
    }
    %eq3A_80 = arith.constant 15 : i32
    %eq3A_81 = arith.cmpi eq, %arg1, %eq3A_80 : i32
    %convert_element_type3A_82 = arith.extui %eq3A_81 : i1 to i32
    %cond3A_83 = arith.constant 0 : i32
    %cond3A_84 = arith.cmpi ne, %convert_element_type3A_82, %cond3A_83 : i32
    scf.if %cond3A_84 {
      "tpu.region"() ({
        %run_scoped3A_156 = tpu.sem_alloc : memref<!tpu.dma_semaphore, #tpu.memory_space<semaphore_mem>>
        %dma_start3A_157 = arith.constant 4800 : i32
        %dma_start3A_158 = arith.constant 0 : i32
        %dma_start3A_159 = tpu.memref_slice %arg11[%dma_start3A_157, %dma_start3A_158] : memref<5128x128xf32, #tpu.memory_space<vmem_shared>> -> memref<328x128xf32, #tpu.memory_space<vmem_shared>>
        %dma_start3A_160 = arith.constant 4800 : i32
        %dma_start3A_161 = arith.constant 0 : i32
        %dma_start3A_162 = tpu.memref_slice %arg5[%dma_start3A_160, %dma_start3A_161] : memref<5128x128xf32, #tpu.memory_space<hbm>> -> memref<328x128xf32, #tpu.memory_space<hbm>>
        tpu.enqueue_dma source(%dma_start3A_162 : memref<328x128xf32, #tpu.memory_space<hbm>>) target(%dma_start3A_159 : memref<328x128xf32, #tpu.memory_space<vmem_shared>>) target_semaphore(%run_scoped3A_156 : memref<!tpu.dma_semaphore, #tpu.memory_space<semaphore_mem>>)
        %dma_wait3A_163 = arith.constant 4800 : i32
        %dma_wait3A_164 = arith.constant 0 : i32
        %dma_wait3A_165 = tpu.memref_slice %arg11[%dma_wait3A_163, %dma_wait3A_164] : memref<5128x128xf32, #tpu.memory_space<vmem_shared>> -> memref<328x128xf32, #tpu.memory_space<vmem_shared>>
        %dma_wait3A_166 = arith.constant 4800 : i32
        %dma_wait3A_167 = arith.constant 0 : i32
        %dma_wait3A_168 = tpu.memref_slice %arg5[%dma_wait3A_166, %dma_wait3A_167] : memref<5128x128xf32, #tpu.memory_space<hbm>> -> memref<328x128xf32, #tpu.memory_space<hbm>>
        tpu.wait_dma2 semaphore(%run_scoped3A_156 : memref<!tpu.dma_semaphore, #tpu.memory_space<semaphore_mem>>) src(%dma_wait3A_168 : memref<328x128xf32, #tpu.memory_space<hbm>>) dst(%dma_wait3A_165 : memref<328x128xf32, #tpu.memory_space<vmem_shared>>)
        tpu.yield
      }) : () -> ()
    } else {
    }
    %run_scoped3A_85 = arith.constant 1 : i32
    "tpu.region"() ({
      %run_scoped3A_156 = tpu.sem_alloc : memref<!tpu.dma_semaphore, #tpu.memory_space<semaphore_mem>>
      %dma_start3A_157 = arith.constant 0 : i32
      %dma_start3A_158 = arith.constant 0 : i32
      %dma_start3A_159 = tpu.memref_slice %arg4[%run_scoped3A_85, %arg1, %dma_start3A_157, %dma_start3A_158] : memref<2x16x250x80xi32, #tpu.memory_space<hbm>> -> memref<1x1x250x80xi32, #tpu.memory_space<hbm>>
      %dma_start3A_160 = tpu.memref_squeeze %dma_start3A_159 : memref<1x1x250x80xi32, #tpu.memory_space<hbm>> -> memref<250x80xi32, #tpu.memory_space<hbm>>
      %dma_start3A_161 = arith.constant 0 : i32
      %dma_start3A_162 = arith.constant 0 : i32
      %dma_start3A_163 = tpu.memref_slice %arg4[%run_scoped3A_85, %arg1, %dma_start3A_161, %dma_start3A_162] : memref<2x16x250x80xi32, #tpu.memory_space<hbm>> -> memref<1x1x250x80xi32, #tpu.memory_space<hbm>>
      %dma_start3A_164 = tpu.memref_squeeze %dma_start3A_163 : memref<1x1x250x80xi32, #tpu.memory_space<hbm>> -> memref<250x80xi32, #tpu.memory_space<hbm>>
      tpu.enqueue_dma source(%dma_start3A_164 : memref<250x80xi32, #tpu.memory_space<hbm>>) target(%arg8 : memref<250x80xi32, #tpu.memory_space<vmem>>) target_semaphore(%run_scoped3A_156 : memref<!tpu.dma_semaphore, #tpu.memory_space<semaphore_mem>>)
      %dma_wait3A_165 = arith.constant 0 : i32
      %dma_wait3A_166 = arith.constant 0 : i32
      %dma_wait3A_167 = tpu.memref_slice %arg4[%run_scoped3A_85, %arg1, %dma_wait3A_165, %dma_wait3A_166] : memref<2x16x250x80xi32, #tpu.memory_space<hbm>> -> memref<1x1x250x80xi32, #tpu.memory_space<hbm>>
      %dma_wait3A_168 = tpu.memref_squeeze %dma_wait3A_167 : memref<1x1x250x80xi32, #tpu.memory_space<hbm>> -> memref<250x80xi32, #tpu.memory_space<hbm>>
      %dma_wait3A_169 = arith.constant 0 : i32
      %dma_wait3A_170 = arith.constant 0 : i32
      %dma_wait3A_171 = tpu.memref_slice %arg4[%run_scoped3A_85, %arg1, %dma_wait3A_169, %dma_wait3A_170] : memref<2x16x250x80xi32, #tpu.memory_space<hbm>> -> memref<1x1x250x80xi32, #tpu.memory_space<hbm>>
      %dma_wait3A_172 = tpu.memref_squeeze %dma_wait3A_171 : memref<1x1x250x80xi32, #tpu.memory_space<hbm>> -> memref<250x80xi32, #tpu.memory_space<hbm>>
      tpu.wait_dma2 semaphore(%run_scoped3A_156 : memref<!tpu.dma_semaphore, #tpu.memory_space<semaphore_mem>>) src(%dma_wait3A_172 : memref<250x80xi32, #tpu.memory_space<hbm>>) dst(%arg8 : memref<250x80xi32, #tpu.memory_space<vmem>>)
      tpu.yield
    }) : () -> ()
    %barrier3A_86 = arith.constant 0 : index
    tpu.barrier barrier_id(%barrier3A_86)
    %dma_start3A_87 = arith.constant 0 : i32
    %dma_start3A_88 = arith.constant 0 : i32
    %dma_start3A_89 = tpu.memref_slice %arg7[%dma_start3A_87, %dma_start3A_88] : memref<252x80xi32, #tpu.memory_space<vmem>> -> memref<1x80xi32, #tpu.memory_space<vmem>>
    %dma_start3A_90 = tpu.memref_squeeze %dma_start3A_89 : memref<1x80xi32, #tpu.memory_space<vmem>> -> memref<80xi32, #tpu.memory_space<vmem>>
    %dma_start3A_91 = arith.constant 0 : i32
    %dma_start3A_92 = arith.constant 0 : i32
    %dma_start3A_93 = tpu.memref_slice %arg2[%dma_start3A_91, %dma_start3A_92] : memref<20000x128xf32, #tpu.memory_space<hbm>> -> memref<20000x128xf32, #tpu.memory_space<hbm>>
    tpu.enqueue_indirect_dma source(%dma_start3A_93 : memref<20000x128xf32, #tpu.memory_space<hbm>>) target(%arg9 : memref<80x128xf32, #tpu.memory_space<vmem>>) offsets(%dma_start3A_90 : memref<80xi32, #tpu.memory_space<vmem>>) semaphore(%arg12 : memref<!tpu.dma_semaphore, #tpu.memory_space<semaphore_mem>>)
    %dma_wait3A_94 = arith.constant 0 : i32
    %dma_wait3A_95 = arith.constant 0 : i32
    %dma_wait3A_96 = tpu.memref_slice %arg7[%dma_wait3A_94, %dma_wait3A_95] : memref<252x80xi32, #tpu.memory_space<vmem>> -> memref<1x80xi32, #tpu.memory_space<vmem>>
    %dma_wait3A_97 = tpu.memref_squeeze %dma_wait3A_96 : memref<1x80xi32, #tpu.memory_space<vmem>> -> memref<80xi32, #tpu.memory_space<vmem>>
    %dma_wait3A_98 = arith.constant 0 : i32
    %dma_wait3A_99 = arith.constant 0 : i32
    %dma_wait3A_100 = tpu.memref_slice %arg2[%dma_wait3A_98, %dma_wait3A_99] : memref<20000x128xf32, #tpu.memory_space<hbm>> -> memref<20000x128xf32, #tpu.memory_space<hbm>>
    tpu.wait_indirect_dma semaphore(%arg12 : memref<!tpu.dma_semaphore, #tpu.memory_space<semaphore_mem>>) src(%dma_wait3A_100 : memref<20000x128xf32, #tpu.memory_space<hbm>>) dst(%arg9 : memref<80x128xf32, #tpu.memory_space<vmem>>)
    %dma_start3A_101 = arith.constant 0 : i32
    %dma_start3A_102 = arith.constant 0 : i32
    %dma_start3A_103 = tpu.memref_slice %arg8[%dma_start3A_101, %dma_start3A_102] : memref<250x80xi32, #tpu.memory_space<vmem>> -> memref<1x80xi32, #tpu.memory_space<vmem>>
    %dma_start3A_104 = tpu.memref_squeeze %dma_start3A_103 : memref<1x80xi32, #tpu.memory_space<vmem>> -> memref<80xi32, #tpu.memory_space<vmem>>
    %dma_start3A_105 = arith.constant 0 : i32
    %dma_start3A_106 = arith.constant 0 : i32
    %dma_start3A_107 = tpu.memref_slice %arg11[%dma_start3A_105, %dma_start3A_106] : memref<5128x128xf32, #tpu.memory_space<vmem_shared>> -> memref<5128x128xf32, #tpu.memory_space<vmem_shared>>
    tpu.enqueue_indirect_dma source(%arg9 : memref<80x128xf32, #tpu.memory_space<vmem>>) target(%dma_start3A_107 : memref<5128x128xf32, #tpu.memory_space<vmem_shared>>) offsets(%dma_start3A_104 : memref<80xi32, #tpu.memory_space<vmem>>) semaphore(%arg14 : memref<!tpu.dma_semaphore, #tpu.memory_space<semaphore_mem>>) {add = true}
    %dma_start3A_108 = arith.constant 1 : i32
    %dma_start3A_109 = arith.constant 0 : i32
    %dma_start3A_110 = tpu.memref_slice %arg7[%dma_start3A_108, %dma_start3A_109] : memref<252x80xi32, #tpu.memory_space<vmem>> -> memref<1x80xi32, #tpu.memory_space<vmem>>
    %dma_start3A_111 = tpu.memref_squeeze %dma_start3A_110 : memref<1x80xi32, #tpu.memory_space<vmem>> -> memref<80xi32, #tpu.memory_space<vmem>>
    %dma_start3A_112 = arith.constant 0 : i32
    %dma_start3A_113 = arith.constant 0 : i32
    %dma_start3A_114 = tpu.memref_slice %arg2[%dma_start3A_112, %dma_start3A_113] : memref<20000x128xf32, #tpu.memory_space<hbm>> -> memref<20000x128xf32, #tpu.memory_space<hbm>>
    tpu.enqueue_indirect_dma source(%dma_start3A_114 : memref<20000x128xf32, #tpu.memory_space<hbm>>) target(%arg10 : memref<80x128xf32, #tpu.memory_space<vmem>>) offsets(%dma_start3A_111 : memref<80xi32, #tpu.memory_space<vmem>>) semaphore(%arg13 : memref<!tpu.dma_semaphore, #tpu.memory_space<semaphore_mem>>)
    %scan3A_115 = arith.constant 0 : i32
    %scan3A_116 = arith.constant 0 : i32
    %scan3A_117 = arith.constant 124 : i32
    %scan3A_118 = arith.addi %scan3A_116, %scan3A_117 : i32
    %scan3A_119 = arith.constant 1 : i32
    scf.for %scan3A_156 = %scan3A_116 to %scan3A_118 step %scan3A_119  : i32 {
      %mul3A_157 = arith.constant 2 : i32
      %mul3A_158 = arith.muli %scan3A_156, %mul3A_157 : i32
      %add3A_159 = arith.constant 1 : i32
      %add3A_160 = arith.addi %mul3A_158, %add3A_159 : i32
      %dma_wait3A_161 = arith.constant 0 : i32
      %dma_wait3A_162 = tpu.memref_slice %arg7[%add3A_160, %dma_wait3A_161] : memref<252x80xi32, #tpu.memory_space<vmem>> -> memref<1x80xi32, #tpu.memory_space<vmem>>
      %dma_wait3A_163 = tpu.memref_squeeze %dma_wait3A_162 : memref<1x80xi32, #tpu.memory_space<vmem>> -> memref<80xi32, #tpu.memory_space<vmem>>
      %dma_wait3A_164 = arith.constant 0 : i32
      %dma_wait3A_165 = arith.constant 0 : i32
      %dma_wait3A_166 = tpu.memref_slice %arg2[%dma_wait3A_164, %dma_wait3A_165] : memref<20000x128xf32, #tpu.memory_space<hbm>> -> memref<20000x128xf32, #tpu.memory_space<hbm>>
      tpu.wait_indirect_dma semaphore(%arg13 : memref<!tpu.dma_semaphore, #tpu.memory_space<semaphore_mem>>) src(%dma_wait3A_166 : memref<20000x128xf32, #tpu.memory_space<hbm>>) dst(%arg10 : memref<80x128xf32, #tpu.memory_space<vmem>>)
      %dma_start3A_167 = arith.constant 0 : i32
      %dma_start3A_168 = tpu.memref_slice %arg8[%add3A_160, %dma_start3A_167] : memref<250x80xi32, #tpu.memory_space<vmem>> -> memref<1x80xi32, #tpu.memory_space<vmem>>
      %dma_start3A_169 = tpu.memref_squeeze %dma_start3A_168 : memref<1x80xi32, #tpu.memory_space<vmem>> -> memref<80xi32, #tpu.memory_space<vmem>>
      %dma_start3A_170 = arith.constant 0 : i32
      %dma_start3A_171 = arith.constant 0 : i32
      %dma_start3A_172 = tpu.memref_slice %arg11[%dma_start3A_170, %dma_start3A_171] : memref<5128x128xf32, #tpu.memory_space<vmem_shared>> -> memref<5128x128xf32, #tpu.memory_space<vmem_shared>>
      tpu.enqueue_indirect_dma source(%arg10 : memref<80x128xf32, #tpu.memory_space<vmem>>) target(%dma_start3A_172 : memref<5128x128xf32, #tpu.memory_space<vmem_shared>>) offsets(%dma_start3A_169 : memref<80xi32, #tpu.memory_space<vmem>>) semaphore(%arg15 : memref<!tpu.dma_semaphore, #tpu.memory_space<semaphore_mem>>) {add = true}
      %sub3A = arith.constant 1 : i32
      %sub3A_173 = arith.subi %add3A_160, %sub3A : i32
      %dma_wait3A_174 = arith.constant 0 : i32
      %dma_wait3A_175 = tpu.memref_slice %arg8[%sub3A_173, %dma_wait3A_174] : memref<250x80xi32, #tpu.memory_space<vmem>> -> memref<1x80xi32, #tpu.memory_space<vmem>>
      %dma_wait3A_176 = tpu.memref_squeeze %dma_wait3A_175 : memref<1x80xi32, #tpu.memory_space<vmem>> -> memref<80xi32, #tpu.memory_space<vmem>>
      %dma_wait3A_177 = arith.constant 0 : i32
      %dma_wait3A_178 = arith.constant 0 : i32
      %dma_wait3A_179 = tpu.memref_slice %arg11[%dma_wait3A_177, %dma_wait3A_178] : memref<5128x128xf32, #tpu.memory_space<vmem_shared>> -> memref<5128x128xf32, #tpu.memory_space<vmem_shared>>
      tpu.wait_indirect_dma semaphore(%arg14 : memref<!tpu.dma_semaphore, #tpu.memory_space<semaphore_mem>>) src(%arg9 : memref<80x128xf32, #tpu.memory_space<vmem>>) dst(%dma_wait3A_179 : memref<5128x128xf32, #tpu.memory_space<vmem_shared>>)
      %add3A_180 = arith.constant 1 : i32
      %add3A_181 = arith.addi %add3A_160, %add3A_180 : i32
      %dma_start3A_182 = arith.constant 0 : i32
      %dma_start3A_183 = tpu.memref_slice %arg7[%add3A_181, %dma_start3A_182] : memref<252x80xi32, #tpu.memory_space<vmem>> -> memref<1x80xi32, #tpu.memory_space<vmem>>
      %dma_start3A_184 = tpu.memref_squeeze %dma_start3A_183 : memref<1x80xi32, #tpu.memory_space<vmem>> -> memref<80xi32, #tpu.memory_space<vmem>>
      %dma_start3A_185 = arith.constant 0 : i32
      %dma_start3A_186 = arith.constant 0 : i32
      %dma_start3A_187 = tpu.memref_slice %arg2[%dma_start3A_185, %dma_start3A_186] : memref<20000x128xf32, #tpu.memory_space<hbm>> -> memref<20000x128xf32, #tpu.memory_space<hbm>>
      tpu.enqueue_indirect_dma source(%dma_start3A_187 : memref<20000x128xf32, #tpu.memory_space<hbm>>) target(%arg9 : memref<80x128xf32, #tpu.memory_space<vmem>>) offsets(%dma_start3A_184 : memref<80xi32, #tpu.memory_space<vmem>>) semaphore(%arg12 : memref<!tpu.dma_semaphore, #tpu.memory_space<semaphore_mem>>)
      %add3A_188 = arith.constant 1 : i32
      %add3A_189 = arith.addi %add3A_160, %add3A_188 : i32
      %dma_wait3A_190 = arith.constant 0 : i32
      %dma_wait3A_191 = tpu.memref_slice %arg7[%add3A_189, %dma_wait3A_190] : memref<252x80xi32, #tpu.memory_space<vmem>> -> memref<1x80xi32, #tpu.memory_space<vmem>>
      %dma_wait3A_192 = tpu.memref_squeeze %dma_wait3A_191 : memref<1x80xi32, #tpu.memory_space<vmem>> -> memref<80xi32, #tpu.memory_space<vmem>>
      %dma_wait3A_193 = arith.constant 0 : i32
      %dma_wait3A_194 = arith.constant 0 : i32
      %dma_wait3A_195 = tpu.memref_slice %arg2[%dma_wait3A_193, %dma_wait3A_194] : memref<20000x128xf32, #tpu.memory_space<hbm>> -> memref<20000x128xf32, #tpu.memory_space<hbm>>
      tpu.wait_indirect_dma semaphore(%arg12 : memref<!tpu.dma_semaphore, #tpu.memory_space<semaphore_mem>>) src(%dma_wait3A_195 : memref<20000x128xf32, #tpu.memory_space<hbm>>) dst(%arg9 : memref<80x128xf32, #tpu.memory_space<vmem>>)
      %add3A_196 = arith.constant 1 : i32
      %add3A_197 = arith.addi %add3A_160, %add3A_196 : i32
      %dma_start3A_198 = arith.constant 0 : i32
      %dma_start3A_199 = tpu.memref_slice %arg8[%add3A_197, %dma_start3A_198] : memref<250x80xi32, #tpu.memory_space<vmem>> -> memref<1x80xi32, #tpu.memory_space<vmem>>
      %dma_start3A_200 = tpu.memref_squeeze %dma_start3A_199 : memref<1x80xi32, #tpu.memory_space<vmem>> -> memref<80xi32, #tpu.memory_space<vmem>>
      %dma_start3A_201 = arith.constant 0 : i32
      %dma_start3A_202 = arith.constant 0 : i32
      %dma_start3A_203 = tpu.memref_slice %arg11[%dma_start3A_201, %dma_start3A_202] : memref<5128x128xf32, #tpu.memory_space<vmem_shared>> -> memref<5128x128xf32, #tpu.memory_space<vmem_shared>>
      tpu.enqueue_indirect_dma source(%arg9 : memref<80x128xf32, #tpu.memory_space<vmem>>) target(%dma_start3A_203 : memref<5128x128xf32, #tpu.memory_space<vmem_shared>>) offsets(%dma_start3A_200 : memref<80xi32, #tpu.memory_space<vmem>>) semaphore(%arg14 : memref<!tpu.dma_semaphore, #tpu.memory_space<semaphore_mem>>) {add = true}
      %dma_wait3A_204 = arith.constant 0 : i32
      %dma_wait3A_205 = tpu.memref_slice %arg8[%add3A_160, %dma_wait3A_204] : memref<250x80xi32, #tpu.memory_space<vmem>> -> memref<1x80xi32, #tpu.memory_space<vmem>>
      %dma_wait3A_206 = tpu.memref_squeeze %dma_wait3A_205 : memref<1x80xi32, #tpu.memory_space<vmem>> -> memref<80xi32, #tpu.memory_space<vmem>>
      %dma_wait3A_207 = arith.constant 0 : i32
      %dma_wait3A_208 = arith.constant 0 : i32
      %dma_wait3A_209 = tpu.memref_slice %arg11[%dma_wait3A_207, %dma_wait3A_208] : memref<5128x128xf32, #tpu.memory_space<vmem_shared>> -> memref<5128x128xf32, #tpu.memory_space<vmem_shared>>
      tpu.wait_indirect_dma semaphore(%arg15 : memref<!tpu.dma_semaphore, #tpu.memory_space<semaphore_mem>>) src(%arg10 : memref<80x128xf32, #tpu.memory_space<vmem>>) dst(%dma_wait3A_209 : memref<5128x128xf32, #tpu.memory_space<vmem_shared>>)
      %add3A_210 = arith.constant 2 : i32
      %add3A_211 = arith.addi %add3A_160, %add3A_210 : i32
      %dma_start3A_212 = arith.constant 0 : i32
      %dma_start3A_213 = tpu.memref_slice %arg7[%add3A_211, %dma_start3A_212] : memref<252x80xi32, #tpu.memory_space<vmem>> -> memref<1x80xi32, #tpu.memory_space<vmem>>
      %dma_start3A_214 = tpu.memref_squeeze %dma_start3A_213 : memref<1x80xi32, #tpu.memory_space<vmem>> -> memref<80xi32, #tpu.memory_space<vmem>>
      %dma_start3A_215 = arith.constant 0 : i32
      %dma_start3A_216 = arith.constant 0 : i32
      %dma_start3A_217 = tpu.memref_slice %arg2[%dma_start3A_215, %dma_start3A_216] : memref<20000x128xf32, #tpu.memory_space<hbm>> -> memref<20000x128xf32, #tpu.memory_space<hbm>>
      tpu.enqueue_indirect_dma source(%dma_start3A_217 : memref<20000x128xf32, #tpu.memory_space<hbm>>) target(%arg10 : memref<80x128xf32, #tpu.memory_space<vmem>>) offsets(%dma_start3A_214 : memref<80xi32, #tpu.memory_space<vmem>>) semaphore(%arg13 : memref<!tpu.dma_semaphore, #tpu.memory_space<semaphore_mem>>)
    }
    %scan3A_120 = arith.constant 124 : i32
    %dma_wait3A_121 = arith.constant 249 : i32
    %dma_wait3A_122 = arith.constant 0 : i32
    %dma_wait3A_123 = tpu.memref_slice %arg7[%dma_wait3A_121, %dma_wait3A_122] : memref<252x80xi32, #tpu.memory_space<vmem>> -> memref<1x80xi32, #tpu.memory_space<vmem>>
    %dma_wait3A_124 = tpu.memref_squeeze %dma_wait3A_123 : memref<1x80xi32, #tpu.memory_space<vmem>> -> memref<80xi32, #tpu.memory_space<vmem>>
    %dma_wait3A_125 = arith.constant 0 : i32
    %dma_wait3A_126 = arith.constant 0 : i32
    %dma_wait3A_127 = tpu.memref_slice %arg2[%dma_wait3A_125, %dma_wait3A_126] : memref<20000x128xf32, #tpu.memory_space<hbm>> -> memref<20000x128xf32, #tpu.memory_space<hbm>>
    tpu.wait_indirect_dma semaphore(%arg13 : memref<!tpu.dma_semaphore, #tpu.memory_space<semaphore_mem>>) src(%dma_wait3A_127 : memref<20000x128xf32, #tpu.memory_space<hbm>>) dst(%arg10 : memref<80x128xf32, #tpu.memory_space<vmem>>)
    %dma_start3A_128 = arith.constant 249 : i32
    %dma_start3A_129 = arith.constant 0 : i32
    %dma_start3A_130 = tpu.memref_slice %arg8[%dma_start3A_128, %dma_start3A_129] : memref<250x80xi32, #tpu.memory_space<vmem>> -> memref<1x80xi32, #tpu.memory_space<vmem>>
    %dma_start3A_131 = tpu.memref_squeeze %dma_start3A_130 : memref<1x80xi32, #tpu.memory_space<vmem>> -> memref<80xi32, #tpu.memory_space<vmem>>
    %dma_start3A_132 = arith.constant 0 : i32
    %dma_start3A_133 = arith.constant 0 : i32
    %dma_start3A_134 = tpu.memref_slice %arg11[%dma_start3A_132, %dma_start3A_133] : memref<5128x128xf32, #tpu.memory_space<vmem_shared>> -> memref<5128x128xf32, #tpu.memory_space<vmem_shared>>
    tpu.enqueue_indirect_dma source(%arg10 : memref<80x128xf32, #tpu.memory_space<vmem>>) target(%dma_start3A_134 : memref<5128x128xf32, #tpu.memory_space<vmem_shared>>) offsets(%dma_start3A_131 : memref<80xi32, #tpu.memory_space<vmem>>) semaphore(%arg15 : memref<!tpu.dma_semaphore, #tpu.memory_space<semaphore_mem>>) {add = true}
    %dma_wait3A_135 = arith.constant 248 : i32
    %dma_wait3A_136 = arith.constant 0 : i32
    %dma_wait3A_137 = tpu.memref_slice %arg8[%dma_wait3A_135, %dma_wait3A_136] : memref<250x80xi32, #tpu.memory_space<vmem>> -> memref<1x80xi32, #tpu.memory_space<vmem>>
    %dma_wait3A_138 = tpu.memref_squeeze %dma_wait3A_137 : memref<1x80xi32, #tpu.memory_space<vmem>> -> memref<80xi32, #tpu.memory_space<vmem>>
    %dma_wait3A_139 = arith.constant 0 : i32
    %dma_wait3A_140 = arith.constant 0 : i32
    %dma_wait3A_141 = tpu.memref_slice %arg11[%dma_wait3A_139, %dma_wait3A_140] : memref<5128x128xf32, #tpu.memory_space<vmem_shared>> -> memref<5128x128xf32, #tpu.memory_space<vmem_shared>>
    tpu.wait_indirect_dma semaphore(%arg14 : memref<!tpu.dma_semaphore, #tpu.memory_space<semaphore_mem>>) src(%arg9 : memref<80x128xf32, #tpu.memory_space<vmem>>) dst(%dma_wait3A_141 : memref<5128x128xf32, #tpu.memory_space<vmem_shared>>)
    %dma_wait3A_142 = arith.constant 249 : i32
    %dma_wait3A_143 = arith.constant 0 : i32
    %dma_wait3A_144 = tpu.memref_slice %arg8[%dma_wait3A_142, %dma_wait3A_143] : memref<250x80xi32, #tpu.memory_space<vmem>> -> memref<1x80xi32, #tpu.memory_space<vmem>>
    %dma_wait3A_145 = tpu.memref_squeeze %dma_wait3A_144 : memref<1x80xi32, #tpu.memory_space<vmem>> -> memref<80xi32, #tpu.memory_space<vmem>>
    %dma_wait3A_146 = arith.constant 0 : i32
    %dma_wait3A_147 = arith.constant 0 : i32
    %dma_wait3A_148 = tpu.memref_slice %arg11[%dma_wait3A_146, %dma_wait3A_147] : memref<5128x128xf32, #tpu.memory_space<vmem_shared>> -> memref<5128x128xf32, #tpu.memory_space<vmem_shared>>
    tpu.wait_indirect_dma semaphore(%arg15 : memref<!tpu.dma_semaphore, #tpu.memory_space<semaphore_mem>>) src(%arg10 : memref<80x128xf32, #tpu.memory_space<vmem>>) dst(%dma_wait3A_148 : memref<5128x128xf32, #tpu.memory_space<vmem_shared>>)
    %barrier3A_149 = arith.constant 0 : index
    tpu.barrier barrier_id(%barrier3A_149)
    %mul3A_150 = arith.constant 320 : i32
    %mul3A_151 = arith.muli %arg1, %mul3A_150 : i32
    %multiple_of3A_152 = tpu.assume_multiple %mul3A_151, 8 : i32
    %add3A_153 = arith.constant 128 : i32
    %add3A_154 = arith.addi %add3A_153, %multiple_of3A_152 : i32
    "tpu.region"() ({
      %run_scoped3A_156 = tpu.sem_alloc : memref<!tpu.dma_semaphore, #tpu.memory_space<semaphore_mem>>
      %dma_start3A_157 = arith.constant 0 : i32
      %dma_start3A_158 = tpu.memref_slice %arg6[%arg0, %add3A_154, %dma_start3A_157] : memref<2x10240x128xf32, #tpu.memory_space<hbm>> -> memref<1x320x128xf32, #tpu.memory_space<hbm>>
      %dma_start3A_159 = tpu.memref_squeeze %dma_start3A_158 : memref<1x320x128xf32, #tpu.memory_space<hbm>> -> memref<320x128xf32, #tpu.memory_space<hbm>>
      %dma_start3A_160 = arith.constant 0 : i32
      %dma_start3A_161 = tpu.memref_slice %arg11[%multiple_of3A_152, %dma_start3A_160] : memref<5128x128xf32, #tpu.memory_space<vmem_shared>> -> memref<320x128xf32, #tpu.memory_space<vmem_shared>>
      tpu.enqueue_dma source(%dma_start3A_161 : memref<320x128xf32, #tpu.memory_space<vmem_shared>>) target(%dma_start3A_159 : memref<320x128xf32, #tpu.memory_space<hbm>>) target_semaphore(%run_scoped3A_156 : memref<!tpu.dma_semaphore, #tpu.memory_space<semaphore_mem>>)
      %dma_wait3A_162 = arith.constant 0 : i32
      %dma_wait3A_163 = tpu.memref_slice %arg6[%arg0, %add3A_154, %dma_wait3A_162] : memref<2x10240x128xf32, #tpu.memory_space<hbm>> -> memref<1x320x128xf32, #tpu.memory_space<hbm>>
      %dma_wait3A_164 = tpu.memref_squeeze %dma_wait3A_163 : memref<1x320x128xf32, #tpu.memory_space<hbm>> -> memref<320x128xf32, #tpu.memory_space<hbm>>
      %dma_wait3A_165 = arith.constant 0 : i32
      %dma_wait3A_166 = tpu.memref_slice %arg11[%multiple_of3A_152, %dma_wait3A_165] : memref<5128x128xf32, #tpu.memory_space<vmem_shared>> -> memref<320x128xf32, #tpu.memory_space<vmem_shared>>
      tpu.wait_dma2 semaphore(%run_scoped3A_156 : memref<!tpu.dma_semaphore, #tpu.memory_space<semaphore_mem>>) src(%dma_wait3A_166 : memref<320x128xf32, #tpu.memory_space<vmem_shared>>) dst(%dma_wait3A_164 : memref<320x128xf32, #tpu.memory_space<hbm>>)
      tpu.yield
    }) : () -> ()
    %barrier3A_155 = arith.constant 0 : index
    tpu.barrier barrier_id(%barrier3A_155)
    return
  }
}

#map = affine_map<(d0, d1) -> (0, 0, 0, 0)>
#map1 = affine_map<(d0, d1) -> (0, 0)>
#map2 = affine_map<(d0, d1) -> (0, 0, 0)>
module attributes {stable_mosaic.version = 14 : i64} {
  func.func @_deg_kernel(%arg0: i32, %arg1: i32, %arg2: memref<2x32x125x80xi32, #tpu.memory_space<hbm>>, %arg3: memref<80x128xf32, #tpu.memory_space<hbm>>, %arg4: memref<5128x128xf32, #tpu.memory_space<hbm>>, %arg5: memref<2x10240x128xf32, #tpu.memory_space<hbm>>, %arg6: memref<125x80xi32, #tpu.memory_space<vmem>>, %arg7: memref<80x128xf32, #tpu.memory_space<vmem>>, %arg8: memref<5128x128xf32, #tpu.memory_space<vmem_shared>>) attributes {dimension_semantics = [#tpu.dimension_semantics<core_parallel>, #tpu.dimension_semantics<subcore_parallel>], iteration_bounds = array<i64: 2, 16>, scalar_prefetch = 0 : i64, scratch_operands = 3 : i64, tpu.core_type = #tpu.core_type<sc_vector_subcore>, window_params = [{transform_indices = #map}, {transform_indices = #map1}, {transform_indices = #map1}, {transform_indices = #map2}]} {
    %mul3A = arith.constant 2 : i32
    %mul3A_0 = arith.muli %arg1, %mul3A : i32
    %add3A = arith.addi %mul3A_0, %arg0 : i32
    "tpu.region"() ({
      %run_scoped3A_49 = tpu.sem_alloc : memref<!tpu.dma_semaphore, #tpu.memory_space<semaphore_mem>>
      tpu.enqueue_dma source(%arg3 : memref<80x128xf32, #tpu.memory_space<hbm>>) target(%arg7 : memref<80x128xf32, #tpu.memory_space<vmem>>) target_semaphore(%run_scoped3A_49 : memref<!tpu.dma_semaphore, #tpu.memory_space<semaphore_mem>>)
      tpu.wait_dma2 semaphore(%run_scoped3A_49 : memref<!tpu.dma_semaphore, #tpu.memory_space<semaphore_mem>>) src(%arg3 : memref<80x128xf32, #tpu.memory_space<hbm>>) dst(%arg7 : memref<80x128xf32, #tpu.memory_space<vmem>>)
      tpu.yield
    }) : () -> ()
    %mul3A_1 = arith.constant 320 : i32
    %mul3A_2 = arith.muli %arg1, %mul3A_1 : i32
    %multiple_of3A = tpu.assume_multiple %mul3A_2, 8 : i32
    %lt3A = arith.constant 15 : i32
    %lt3A_3 = arith.cmpi slt, %arg1, %lt3A : i32
    %convert_element_type3A = arith.extui %lt3A_3 : i1 to i32
    %cond3A = arith.constant 0 : i32
    %cond3A_4 = arith.cmpi ne, %convert_element_type3A, %cond3A : i32
    scf.if %cond3A_4 {
      "tpu.region"() ({
        %run_scoped3A_49 = tpu.sem_alloc : memref<!tpu.dma_semaphore, #tpu.memory_space<semaphore_mem>>
        %dma_start3A = arith.constant 0 : i32
        %dma_start3A_50 = tpu.memref_slice %arg8[%multiple_of3A, %dma_start3A] : memref<5128x128xf32, #tpu.memory_space<vmem_shared>> -> memref<320x128xf32, #tpu.memory_space<vmem_shared>>
        %dma_start3A_51 = arith.constant 0 : i32
        %dma_start3A_52 = tpu.memref_slice %arg4[%multiple_of3A, %dma_start3A_51] : memref<5128x128xf32, #tpu.memory_space<hbm>> -> memref<320x128xf32, #tpu.memory_space<hbm>>
        tpu.enqueue_dma source(%dma_start3A_52 : memref<320x128xf32, #tpu.memory_space<hbm>>) target(%dma_start3A_50 : memref<320x128xf32, #tpu.memory_space<vmem_shared>>) target_semaphore(%run_scoped3A_49 : memref<!tpu.dma_semaphore, #tpu.memory_space<semaphore_mem>>)
        %dma_wait3A = arith.constant 0 : i32
        %dma_wait3A_53 = tpu.memref_slice %arg8[%multiple_of3A, %dma_wait3A] : memref<5128x128xf32, #tpu.memory_space<vmem_shared>> -> memref<320x128xf32, #tpu.memory_space<vmem_shared>>
        %dma_wait3A_54 = arith.constant 0 : i32
        %dma_wait3A_55 = tpu.memref_slice %arg4[%multiple_of3A, %dma_wait3A_54] : memref<5128x128xf32, #tpu.memory_space<hbm>> -> memref<320x128xf32, #tpu.memory_space<hbm>>
        tpu.wait_dma2 semaphore(%run_scoped3A_49 : memref<!tpu.dma_semaphore, #tpu.memory_space<semaphore_mem>>) src(%dma_wait3A_55 : memref<320x128xf32, #tpu.memory_space<hbm>>) dst(%dma_wait3A_53 : memref<320x128xf32, #tpu.memory_space<vmem_shared>>)
        tpu.yield
      }) : () -> ()
    } else {
    }
    %eq3A = arith.constant 15 : i32
    %eq3A_5 = arith.cmpi eq, %arg1, %eq3A : i32
    %convert_element_type3A_6 = arith.extui %eq3A_5 : i1 to i32
    %cond3A_7 = arith.constant 0 : i32
    %cond3A_8 = arith.cmpi ne, %convert_element_type3A_6, %cond3A_7 : i32
    scf.if %cond3A_8 {
      "tpu.region"() ({
        %run_scoped3A_49 = tpu.sem_alloc : memref<!tpu.dma_semaphore, #tpu.memory_space<semaphore_mem>>
        %dma_start3A = arith.constant 4800 : i32
        %dma_start3A_50 = arith.constant 0 : i32
        %dma_start3A_51 = tpu.memref_slice %arg8[%dma_start3A, %dma_start3A_50] : memref<5128x128xf32, #tpu.memory_space<vmem_shared>> -> memref<328x128xf32, #tpu.memory_space<vmem_shared>>
        %dma_start3A_52 = arith.constant 4800 : i32
        %dma_start3A_53 = arith.constant 0 : i32
        %dma_start3A_54 = tpu.memref_slice %arg4[%dma_start3A_52, %dma_start3A_53] : memref<5128x128xf32, #tpu.memory_space<hbm>> -> memref<328x128xf32, #tpu.memory_space<hbm>>
        tpu.enqueue_dma source(%dma_start3A_54 : memref<328x128xf32, #tpu.memory_space<hbm>>) target(%dma_start3A_51 : memref<328x128xf32, #tpu.memory_space<vmem_shared>>) target_semaphore(%run_scoped3A_49 : memref<!tpu.dma_semaphore, #tpu.memory_space<semaphore_mem>>)
        %dma_wait3A = arith.constant 4800 : i32
        %dma_wait3A_55 = arith.constant 0 : i32
        %dma_wait3A_56 = tpu.memref_slice %arg8[%dma_wait3A, %dma_wait3A_55] : memref<5128x128xf32, #tpu.memory_space<vmem_shared>> -> memref<328x128xf32, #tpu.memory_space<vmem_shared>>
        %dma_wait3A_57 = arith.constant 4800 : i32
        %dma_wait3A_58 = arith.constant 0 : i32
        %dma_wait3A_59 = tpu.memref_slice %arg4[%dma_wait3A_57, %dma_wait3A_58] : memref<5128x128xf32, #tpu.memory_space<hbm>> -> memref<328x128xf32, #tpu.memory_space<hbm>>
        tpu.wait_dma2 semaphore(%run_scoped3A_49 : memref<!tpu.dma_semaphore, #tpu.memory_space<semaphore_mem>>) src(%dma_wait3A_59 : memref<328x128xf32, #tpu.memory_space<hbm>>) dst(%dma_wait3A_56 : memref<328x128xf32, #tpu.memory_space<vmem_shared>>)
        tpu.yield
      }) : () -> ()
    } else {
    }
    %run_scoped3A = arith.constant 0 : i32
    "tpu.region"() ({
      %run_scoped3A_49 = tpu.sem_alloc : memref<!tpu.dma_semaphore, #tpu.memory_space<semaphore_mem>>
      %dma_start3A = arith.constant 0 : i32
      %dma_start3A_50 = arith.constant 0 : i32
      %dma_start3A_51 = tpu.memref_slice %arg2[%run_scoped3A, %add3A, %dma_start3A, %dma_start3A_50] : memref<2x32x125x80xi32, #tpu.memory_space<hbm>> -> memref<1x1x125x80xi32, #tpu.memory_space<hbm>>
      %dma_start3A_52 = tpu.memref_squeeze %dma_start3A_51 : memref<1x1x125x80xi32, #tpu.memory_space<hbm>> -> memref<125x80xi32, #tpu.memory_space<hbm>>
      %dma_start3A_53 = arith.constant 0 : i32
      %dma_start3A_54 = arith.constant 0 : i32
      %dma_start3A_55 = tpu.memref_slice %arg2[%run_scoped3A, %add3A, %dma_start3A_53, %dma_start3A_54] : memref<2x32x125x80xi32, #tpu.memory_space<hbm>> -> memref<1x1x125x80xi32, #tpu.memory_space<hbm>>
      %dma_start3A_56 = tpu.memref_squeeze %dma_start3A_55 : memref<1x1x125x80xi32, #tpu.memory_space<hbm>> -> memref<125x80xi32, #tpu.memory_space<hbm>>
      tpu.enqueue_dma source(%dma_start3A_56 : memref<125x80xi32, #tpu.memory_space<hbm>>) target(%arg6 : memref<125x80xi32, #tpu.memory_space<vmem>>) target_semaphore(%run_scoped3A_49 : memref<!tpu.dma_semaphore, #tpu.memory_space<semaphore_mem>>)
      %dma_wait3A = arith.constant 0 : i32
      %dma_wait3A_57 = arith.constant 0 : i32
      %dma_wait3A_58 = tpu.memref_slice %arg2[%run_scoped3A, %add3A, %dma_wait3A, %dma_wait3A_57] : memref<2x32x125x80xi32, #tpu.memory_space<hbm>> -> memref<1x1x125x80xi32, #tpu.memory_space<hbm>>
      %dma_wait3A_59 = tpu.memref_squeeze %dma_wait3A_58 : memref<1x1x125x80xi32, #tpu.memory_space<hbm>> -> memref<125x80xi32, #tpu.memory_space<hbm>>
      %dma_wait3A_60 = arith.constant 0 : i32
      %dma_wait3A_61 = arith.constant 0 : i32
      %dma_wait3A_62 = tpu.memref_slice %arg2[%run_scoped3A, %add3A, %dma_wait3A_60, %dma_wait3A_61] : memref<2x32x125x80xi32, #tpu.memory_space<hbm>> -> memref<1x1x125x80xi32, #tpu.memory_space<hbm>>
      %dma_wait3A_63 = tpu.memref_squeeze %dma_wait3A_62 : memref<1x1x125x80xi32, #tpu.memory_space<hbm>> -> memref<125x80xi32, #tpu.memory_space<hbm>>
      tpu.wait_dma2 semaphore(%run_scoped3A_49 : memref<!tpu.dma_semaphore, #tpu.memory_space<semaphore_mem>>) src(%dma_wait3A_63 : memref<125x80xi32, #tpu.memory_space<hbm>>) dst(%arg6 : memref<125x80xi32, #tpu.memory_space<vmem>>)
      tpu.yield
    }) : () -> ()
    %barrier3A = arith.constant 0 : index
    tpu.barrier barrier_id(%barrier3A)
    %scan3A = arith.constant 0 : i32
    %scan3A_9 = arith.constant 0 : i32
    %scan3A_10 = arith.constant 125 : i32
    %scan3A_11 = arith.addi %scan3A_9, %scan3A_10 : i32
    %scan3A_12 = arith.constant 1 : i32
    scf.for %scan3A_49 = %scan3A_9 to %scan3A_11 step %scan3A_12  : i32 {
      "tpu.region"() ({
        %run_scoped3A_50 = tpu.sem_alloc : memref<!tpu.dma_semaphore, #tpu.memory_space<semaphore_mem>>
        %dma_start3A = arith.constant 0 : i32
        %dma_start3A_51 = tpu.memref_slice %arg6[%scan3A_49, %dma_start3A] : memref<125x80xi32, #tpu.memory_space<vmem>> -> memref<1x80xi32, #tpu.memory_space<vmem>>
        %dma_start3A_52 = tpu.memref_squeeze %dma_start3A_51 : memref<1x80xi32, #tpu.memory_space<vmem>> -> memref<80xi32, #tpu.memory_space<vmem>>
        %dma_start3A_53 = arith.constant 0 : i32
        %dma_start3A_54 = arith.constant 0 : i32
        %dma_start3A_55 = tpu.memref_slice %arg8[%dma_start3A_53, %dma_start3A_54] : memref<5128x128xf32, #tpu.memory_space<vmem_shared>> -> memref<5128x128xf32, #tpu.memory_space<vmem_shared>>
        tpu.enqueue_indirect_dma source(%arg7 : memref<80x128xf32, #tpu.memory_space<vmem>>) target(%dma_start3A_55 : memref<5128x128xf32, #tpu.memory_space<vmem_shared>>) offsets(%dma_start3A_52 : memref<80xi32, #tpu.memory_space<vmem>>) semaphore(%run_scoped3A_50 : memref<!tpu.dma_semaphore, #tpu.memory_space<semaphore_mem>>) {add = true}
        %dma_wait3A = arith.constant 0 : i32
        %dma_wait3A_56 = tpu.memref_slice %arg6[%scan3A_49, %dma_wait3A] : memref<125x80xi32, #tpu.memory_space<vmem>> -> memref<1x80xi32, #tpu.memory_space<vmem>>
        %dma_wait3A_57 = tpu.memref_squeeze %dma_wait3A_56 : memref<1x80xi32, #tpu.memory_space<vmem>> -> memref<80xi32, #tpu.memory_space<vmem>>
        %dma_wait3A_58 = arith.constant 0 : i32
        %dma_wait3A_59 = arith.constant 0 : i32
        %dma_wait3A_60 = tpu.memref_slice %arg8[%dma_wait3A_58, %dma_wait3A_59] : memref<5128x128xf32, #tpu.memory_space<vmem_shared>> -> memref<5128x128xf32, #tpu.memory_space<vmem_shared>>
        tpu.wait_indirect_dma semaphore(%run_scoped3A_50 : memref<!tpu.dma_semaphore, #tpu.memory_space<semaphore_mem>>) src(%arg7 : memref<80x128xf32, #tpu.memory_space<vmem>>) dst(%dma_wait3A_60 : memref<5128x128xf32, #tpu.memory_space<vmem_shared>>)
        tpu.yield
      }) : () -> ()
    }
    %scan3A_13 = arith.constant 125 : i32
    %barrier3A_14 = arith.constant 0 : index
    tpu.barrier barrier_id(%barrier3A_14)
    %mul3A_15 = arith.constant 320 : i32
    %mul3A_16 = arith.muli %arg1, %mul3A_15 : i32
    %multiple_of3A_17 = tpu.assume_multiple %mul3A_16, 8 : i32
    %add3A_18 = arith.constant 0 : i32
    %add3A_19 = arith.addi %add3A_18, %multiple_of3A_17 : i32
    "tpu.region"() ({
      %run_scoped3A_49 = tpu.sem_alloc : memref<!tpu.dma_semaphore, #tpu.memory_space<semaphore_mem>>
      %dma_start3A = arith.constant 0 : i32
      %dma_start3A_50 = tpu.memref_slice %arg5[%arg0, %add3A_19, %dma_start3A] : memref<2x10240x128xf32, #tpu.memory_space<hbm>> -> memref<1x320x128xf32, #tpu.memory_space<hbm>>
      %dma_start3A_51 = tpu.memref_squeeze %dma_start3A_50 : memref<1x320x128xf32, #tpu.memory_space<hbm>> -> memref<320x128xf32, #tpu.memory_space<hbm>>
      %dma_start3A_52 = arith.constant 0 : i32
      %dma_start3A_53 = tpu.memref_slice %arg8[%multiple_of3A_17, %dma_start3A_52] : memref<5128x128xf32, #tpu.memory_space<vmem_shared>> -> memref<320x128xf32, #tpu.memory_space<vmem_shared>>
      tpu.enqueue_dma source(%dma_start3A_53 : memref<320x128xf32, #tpu.memory_space<vmem_shared>>) target(%dma_start3A_51 : memref<320x128xf32, #tpu.memory_space<hbm>>) target_semaphore(%run_scoped3A_49 : memref<!tpu.dma_semaphore, #tpu.memory_space<semaphore_mem>>)
      %dma_wait3A = arith.constant 0 : i32
      %dma_wait3A_54 = tpu.memref_slice %arg5[%arg0, %add3A_19, %dma_wait3A] : memref<2x10240x128xf32, #tpu.memory_space<hbm>> -> memref<1x320x128xf32, #tpu.memory_space<hbm>>
      %dma_wait3A_55 = tpu.memref_squeeze %dma_wait3A_54 : memref<1x320x128xf32, #tpu.memory_space<hbm>> -> memref<320x128xf32, #tpu.memory_space<hbm>>
      %dma_wait3A_56 = arith.constant 0 : i32
      %dma_wait3A_57 = tpu.memref_slice %arg8[%multiple_of3A_17, %dma_wait3A_56] : memref<5128x128xf32, #tpu.memory_space<vmem_shared>> -> memref<320x128xf32, #tpu.memory_space<vmem_shared>>
      tpu.wait_dma2 semaphore(%run_scoped3A_49 : memref<!tpu.dma_semaphore, #tpu.memory_space<semaphore_mem>>) src(%dma_wait3A_57 : memref<320x128xf32, #tpu.memory_space<vmem_shared>>) dst(%dma_wait3A_55 : memref<320x128xf32, #tpu.memory_space<hbm>>)
      tpu.yield
    }) : () -> ()
    %barrier3A_20 = arith.constant 0 : index
    tpu.barrier barrier_id(%barrier3A_20)
    %mul3A_21 = arith.constant 320 : i32
    %mul3A_22 = arith.muli %arg1, %mul3A_21 : i32
    %multiple_of3A_23 = tpu.assume_multiple %mul3A_22, 8 : i32
    %lt3A_24 = arith.constant 15 : i32
    %lt3A_25 = arith.cmpi slt, %arg1, %lt3A_24 : i32
    %convert_element_type3A_26 = arith.extui %lt3A_25 : i1 to i32
    %cond3A_27 = arith.constant 0 : i32
    %cond3A_28 = arith.cmpi ne, %convert_element_type3A_26, %cond3A_27 : i32
    scf.if %cond3A_28 {
      "tpu.region"() ({
        %run_scoped3A_49 = tpu.sem_alloc : memref<!tpu.dma_semaphore, #tpu.memory_space<semaphore_mem>>
        %dma_start3A = arith.constant 0 : i32
        %dma_start3A_50 = tpu.memref_slice %arg8[%multiple_of3A_23, %dma_start3A] : memref<5128x128xf32, #tpu.memory_space<vmem_shared>> -> memref<320x128xf32, #tpu.memory_space<vmem_shared>>
        %dma_start3A_51 = arith.constant 0 : i32
        %dma_start3A_52 = tpu.memref_slice %arg4[%multiple_of3A_23, %dma_start3A_51] : memref<5128x128xf32, #tpu.memory_space<hbm>> -> memref<320x128xf32, #tpu.memory_space<hbm>>
        tpu.enqueue_dma source(%dma_start3A_52 : memref<320x128xf32, #tpu.memory_space<hbm>>) target(%dma_start3A_50 : memref<320x128xf32, #tpu.memory_space<vmem_shared>>) target_semaphore(%run_scoped3A_49 : memref<!tpu.dma_semaphore, #tpu.memory_space<semaphore_mem>>)
        %dma_wait3A = arith.constant 0 : i32
        %dma_wait3A_53 = tpu.memref_slice %arg8[%multiple_of3A_23, %dma_wait3A] : memref<5128x128xf32, #tpu.memory_space<vmem_shared>> -> memref<320x128xf32, #tpu.memory_space<vmem_shared>>
        %dma_wait3A_54 = arith.constant 0 : i32
        %dma_wait3A_55 = tpu.memref_slice %arg4[%multiple_of3A_23, %dma_wait3A_54] : memref<5128x128xf32, #tpu.memory_space<hbm>> -> memref<320x128xf32, #tpu.memory_space<hbm>>
        tpu.wait_dma2 semaphore(%run_scoped3A_49 : memref<!tpu.dma_semaphore, #tpu.memory_space<semaphore_mem>>) src(%dma_wait3A_55 : memref<320x128xf32, #tpu.memory_space<hbm>>) dst(%dma_wait3A_53 : memref<320x128xf32, #tpu.memory_space<vmem_shared>>)
        tpu.yield
      }) : () -> ()
    } else {
    }
    %eq3A_29 = arith.constant 15 : i32
    %eq3A_30 = arith.cmpi eq, %arg1, %eq3A_29 : i32
    %convert_element_type3A_31 = arith.extui %eq3A_30 : i1 to i32
    %cond3A_32 = arith.constant 0 : i32
    %cond3A_33 = arith.cmpi ne, %convert_element_type3A_31, %cond3A_32 : i32
    scf.if %cond3A_33 {
      "tpu.region"() ({
        %run_scoped3A_49 = tpu.sem_alloc : memref<!tpu.dma_semaphore, #tpu.memory_space<semaphore_mem>>
        %dma_start3A = arith.constant 4800 : i32
        %dma_start3A_50 = arith.constant 0 : i32
        %dma_start3A_51 = tpu.memref_slice %arg8[%dma_start3A, %dma_start3A_50] : memref<5128x128xf32, #tpu.memory_space<vmem_shared>> -> memref<328x128xf32, #tpu.memory_space<vmem_shared>>
        %dma_start3A_52 = arith.constant 4800 : i32
        %dma_start3A_53 = arith.constant 0 : i32
        %dma_start3A_54 = tpu.memref_slice %arg4[%dma_start3A_52, %dma_start3A_53] : memref<5128x128xf32, #tpu.memory_space<hbm>> -> memref<328x128xf32, #tpu.memory_space<hbm>>
        tpu.enqueue_dma source(%dma_start3A_54 : memref<328x128xf32, #tpu.memory_space<hbm>>) target(%dma_start3A_51 : memref<328x128xf32, #tpu.memory_space<vmem_shared>>) target_semaphore(%run_scoped3A_49 : memref<!tpu.dma_semaphore, #tpu.memory_space<semaphore_mem>>)
        %dma_wait3A = arith.constant 4800 : i32
        %dma_wait3A_55 = arith.constant 0 : i32
        %dma_wait3A_56 = tpu.memref_slice %arg8[%dma_wait3A, %dma_wait3A_55] : memref<5128x128xf32, #tpu.memory_space<vmem_shared>> -> memref<328x128xf32, #tpu.memory_space<vmem_shared>>
        %dma_wait3A_57 = arith.constant 4800 : i32
        %dma_wait3A_58 = arith.constant 0 : i32
        %dma_wait3A_59 = tpu.memref_slice %arg4[%dma_wait3A_57, %dma_wait3A_58] : memref<5128x128xf32, #tpu.memory_space<hbm>> -> memref<328x128xf32, #tpu.memory_space<hbm>>
        tpu.wait_dma2 semaphore(%run_scoped3A_49 : memref<!tpu.dma_semaphore, #tpu.memory_space<semaphore_mem>>) src(%dma_wait3A_59 : memref<328x128xf32, #tpu.memory_space<hbm>>) dst(%dma_wait3A_56 : memref<328x128xf32, #tpu.memory_space<vmem_shared>>)
        tpu.yield
      }) : () -> ()
    } else {
    }
    %run_scoped3A_34 = arith.constant 1 : i32
    "tpu.region"() ({
      %run_scoped3A_49 = tpu.sem_alloc : memref<!tpu.dma_semaphore, #tpu.memory_space<semaphore_mem>>
      %dma_start3A = arith.constant 0 : i32
      %dma_start3A_50 = arith.constant 0 : i32
      %dma_start3A_51 = tpu.memref_slice %arg2[%run_scoped3A_34, %add3A, %dma_start3A, %dma_start3A_50] : memref<2x32x125x80xi32, #tpu.memory_space<hbm>> -> memref<1x1x125x80xi32, #tpu.memory_space<hbm>>
      %dma_start3A_52 = tpu.memref_squeeze %dma_start3A_51 : memref<1x1x125x80xi32, #tpu.memory_space<hbm>> -> memref<125x80xi32, #tpu.memory_space<hbm>>
      %dma_start3A_53 = arith.constant 0 : i32
      %dma_start3A_54 = arith.constant 0 : i32
      %dma_start3A_55 = tpu.memref_slice %arg2[%run_scoped3A_34, %add3A, %dma_start3A_53, %dma_start3A_54] : memref<2x32x125x80xi32, #tpu.memory_space<hbm>> -> memref<1x1x125x80xi32, #tpu.memory_space<hbm>>
      %dma_start3A_56 = tpu.memref_squeeze %dma_start3A_55 : memref<1x1x125x80xi32, #tpu.memory_space<hbm>> -> memref<125x80xi32, #tpu.memory_space<hbm>>
      tpu.enqueue_dma source(%dma_start3A_56 : memref<125x80xi32, #tpu.memory_space<hbm>>) target(%arg6 : memref<125x80xi32, #tpu.memory_space<vmem>>) target_semaphore(%run_scoped3A_49 : memref<!tpu.dma_semaphore, #tpu.memory_space<semaphore_mem>>)
      %dma_wait3A = arith.constant 0 : i32
      %dma_wait3A_57 = arith.constant 0 : i32
      %dma_wait3A_58 = tpu.memref_slice %arg2[%run_scoped3A_34, %add3A, %dma_wait3A, %dma_wait3A_57] : memref<2x32x125x80xi32, #tpu.memory_space<hbm>> -> memref<1x1x125x80xi32, #tpu.memory_space<hbm>>
      %dma_wait3A_59 = tpu.memref_squeeze %dma_wait3A_58 : memref<1x1x125x80xi32, #tpu.memory_space<hbm>> -> memref<125x80xi32, #tpu.memory_space<hbm>>
      %dma_wait3A_60 = arith.constant 0 : i32
      %dma_wait3A_61 = arith.constant 0 : i32
      %dma_wait3A_62 = tpu.memref_slice %arg2[%run_scoped3A_34, %add3A, %dma_wait3A_60, %dma_wait3A_61] : memref<2x32x125x80xi32, #tpu.memory_space<hbm>> -> memref<1x1x125x80xi32, #tpu.memory_space<hbm>>
      %dma_wait3A_63 = tpu.memref_squeeze %dma_wait3A_62 : memref<1x1x125x80xi32, #tpu.memory_space<hbm>> -> memref<125x80xi32, #tpu.memory_space<hbm>>
      tpu.wait_dma2 semaphore(%run_scoped3A_49 : memref<!tpu.dma_semaphore, #tpu.memory_space<semaphore_mem>>) src(%dma_wait3A_63 : memref<125x80xi32, #tpu.memory_space<hbm>>) dst(%arg6 : memref<125x80xi32, #tpu.memory_space<vmem>>)
      tpu.yield
    }) : () -> ()
    %barrier3A_35 = arith.constant 0 : index
    tpu.barrier barrier_id(%barrier3A_35)
    %scan3A_36 = arith.constant 0 : i32
    %scan3A_37 = arith.constant 0 : i32
    %scan3A_38 = arith.constant 125 : i32
    %scan3A_39 = arith.addi %scan3A_37, %scan3A_38 : i32
    %scan3A_40 = arith.constant 1 : i32
    scf.for %scan3A_49 = %scan3A_37 to %scan3A_39 step %scan3A_40  : i32 {
      "tpu.region"() ({
        %run_scoped3A_50 = tpu.sem_alloc : memref<!tpu.dma_semaphore, #tpu.memory_space<semaphore_mem>>
        %dma_start3A = arith.constant 0 : i32
        %dma_start3A_51 = tpu.memref_slice %arg6[%scan3A_49, %dma_start3A] : memref<125x80xi32, #tpu.memory_space<vmem>> -> memref<1x80xi32, #tpu.memory_space<vmem>>
        %dma_start3A_52 = tpu.memref_squeeze %dma_start3A_51 : memref<1x80xi32, #tpu.memory_space<vmem>> -> memref<80xi32, #tpu.memory_space<vmem>>
        %dma_start3A_53 = arith.constant 0 : i32
        %dma_start3A_54 = arith.constant 0 : i32
        %dma_start3A_55 = tpu.memref_slice %arg8[%dma_start3A_53, %dma_start3A_54] : memref<5128x128xf32, #tpu.memory_space<vmem_shared>> -> memref<5128x128xf32, #tpu.memory_space<vmem_shared>>
        tpu.enqueue_indirect_dma source(%arg7 : memref<80x128xf32, #tpu.memory_space<vmem>>) target(%dma_start3A_55 : memref<5128x128xf32, #tpu.memory_space<vmem_shared>>) offsets(%dma_start3A_52 : memref<80xi32, #tpu.memory_space<vmem>>) semaphore(%run_scoped3A_50 : memref<!tpu.dma_semaphore, #tpu.memory_space<semaphore_mem>>) {add = true}
        %dma_wait3A = arith.constant 0 : i32
        %dma_wait3A_56 = tpu.memref_slice %arg6[%scan3A_49, %dma_wait3A] : memref<125x80xi32, #tpu.memory_space<vmem>> -> memref<1x80xi32, #tpu.memory_space<vmem>>
        %dma_wait3A_57 = tpu.memref_squeeze %dma_wait3A_56 : memref<1x80xi32, #tpu.memory_space<vmem>> -> memref<80xi32, #tpu.memory_space<vmem>>
        %dma_wait3A_58 = arith.constant 0 : i32
        %dma_wait3A_59 = arith.constant 0 : i32
        %dma_wait3A_60 = tpu.memref_slice %arg8[%dma_wait3A_58, %dma_wait3A_59] : memref<5128x128xf32, #tpu.memory_space<vmem_shared>> -> memref<5128x128xf32, #tpu.memory_space<vmem_shared>>
        tpu.wait_indirect_dma semaphore(%run_scoped3A_50 : memref<!tpu.dma_semaphore, #tpu.memory_space<semaphore_mem>>) src(%arg7 : memref<80x128xf32, #tpu.memory_space<vmem>>) dst(%dma_wait3A_60 : memref<5128x128xf32, #tpu.memory_space<vmem_shared>>)
        tpu.yield
      }) : () -> ()
    }
    %scan3A_41 = arith.constant 125 : i32
    %barrier3A_42 = arith.constant 0 : index
    tpu.barrier barrier_id(%barrier3A_42)
    %mul3A_43 = arith.constant 320 : i32
    %mul3A_44 = arith.muli %arg1, %mul3A_43 : i32
    %multiple_of3A_45 = tpu.assume_multiple %mul3A_44, 8 : i32
    %add3A_46 = arith.constant 128 : i32
    %add3A_47 = arith.addi %add3A_46, %multiple_of3A_45 : i32
    "tpu.region"() ({
      %run_scoped3A_49 = tpu.sem_alloc : memref<!tpu.dma_semaphore, #tpu.memory_space<semaphore_mem>>
      %dma_start3A = arith.constant 0 : i32
      %dma_start3A_50 = tpu.memref_slice %arg5[%arg0, %add3A_47, %dma_start3A] : memref<2x10240x128xf32, #tpu.memory_space<hbm>> -> memref<1x320x128xf32, #tpu.memory_space<hbm>>
      %dma_start3A_51 = tpu.memref_squeeze %dma_start3A_50 : memref<1x320x128xf32, #tpu.memory_space<hbm>> -> memref<320x128xf32, #tpu.memory_space<hbm>>
      %dma_start3A_52 = arith.constant 0 : i32
      %dma_start3A_53 = tpu.memref_slice %arg8[%multiple_of3A_45, %dma_start3A_52] : memref<5128x128xf32, #tpu.memory_space<vmem_shared>> -> memref<320x128xf32, #tpu.memory_space<vmem_shared>>
      tpu.enqueue_dma source(%dma_start3A_53 : memref<320x128xf32, #tpu.memory_space<vmem_shared>>) target(%dma_start3A_51 : memref<320x128xf32, #tpu.memory_space<hbm>>) target_semaphore(%run_scoped3A_49 : memref<!tpu.dma_semaphore, #tpu.memory_space<semaphore_mem>>)
      %dma_wait3A = arith.constant 0 : i32
      %dma_wait3A_54 = tpu.memref_slice %arg5[%arg0, %add3A_47, %dma_wait3A] : memref<2x10240x128xf32, #tpu.memory_space<hbm>> -> memref<1x320x128xf32, #tpu.memory_space<hbm>>
      %dma_wait3A_55 = tpu.memref_squeeze %dma_wait3A_54 : memref<1x320x128xf32, #tpu.memory_space<hbm>> -> memref<320x128xf32, #tpu.memory_space<hbm>>
      %dma_wait3A_56 = arith.constant 0 : i32
      %dma_wait3A_57 = tpu.memref_slice %arg8[%multiple_of3A_45, %dma_wait3A_56] : memref<5128x128xf32, #tpu.memory_space<vmem_shared>> -> memref<320x128xf32, #tpu.memory_space<vmem_shared>>
      tpu.wait_dma2 semaphore(%run_scoped3A_49 : memref<!tpu.dma_semaphore, #tpu.memory_space<semaphore_mem>>) src(%dma_wait3A_57 : memref<320x128xf32, #tpu.memory_space<vmem_shared>>) dst(%dma_wait3A_55 : memref<320x128xf32, #tpu.memory_space<hbm>>)
      tpu.yield
    }) : () -> ()
    %barrier3A_48 = arith.constant 0 : index
    tpu.barrier barrier_id(%barrier3A_48)
    return
  }
}

#map = affine_map<(d0, d1) -> (0, 0)>
#map1 = affine_map<(d0, d1) -> (0, 0, 0, 0)>
#map2 = affine_map<(d0, d1) -> (0, 0, 0)>
module attributes {stable_mosaic.version = 14 : i64} {
  func.func @agg(%arg0: i32, %arg1: i32, %arg2: memref<20000x128xf32, #tpu.memory_space<hbm>>, %arg3: memref<2x16x252x80xi32, #tpu.memory_space<hbm>>, %arg4: memref<2x16x250x80xi32, #tpu.memory_space<hbm>>, %arg5: memref<5128x128xf32, #tpu.memory_space<hbm>>, %arg6: memref<2x10240x128xf32, #tpu.memory_space<hbm>>, %arg7: memref<252x80xi32, #tpu.memory_space<vmem>>, %arg8: memref<250x80xi32, #tpu.memory_space<vmem>>, %arg9: memref<80x128xf32, #tpu.memory_space<vmem>>, %arg10: memref<80x128xf32, #tpu.memory_space<vmem>>, %arg11: memref<5128x128xf32, #tpu.memory_space<vmem_shared>>, %arg12: memref<!tpu.dma_semaphore, #tpu.memory_space<semaphore_mem>>, %arg13: memref<!tpu.dma_semaphore, #tpu.memory_space<semaphore_mem>>, %arg14: memref<!tpu.dma_semaphore, #tpu.memory_space<semaphore_mem>>, %arg15: memref<!tpu.dma_semaphore, #tpu.memory_space<semaphore_mem>>) attributes {dimension_semantics = [#tpu.dimension_semantics<core_parallel>, #tpu.dimension_semantics<subcore_parallel>], iteration_bounds = array<i64: 2, 16>, scalar_prefetch = 0 : i64, scratch_operands = 9 : i64, tpu.core_type = #tpu.core_type<sc_vector_subcore>, window_params = [{transform_indices = #map}, {transform_indices = #map1}, {transform_indices = #map1}, {transform_indices = #map}, {transform_indices = #map2}]} {
    "tpu.region"() ({
      %run_scoped3A_156 = tpu.sem_alloc : memref<!tpu.dma_semaphore, #tpu.memory_space<semaphore_mem>>
      %dma_start3A_157 = arith.constant 0 : i32
      %dma_start3A_158 = arith.constant 0 : i32
      %dma_start3A_159 = tpu.memref_slice %arg3[%arg0, %arg1, %dma_start3A_157, %dma_start3A_158] : memref<2x16x252x80xi32, #tpu.memory_space<hbm>> -> memref<1x1x252x80xi32, #tpu.memory_space<hbm>>
      %dma_start3A_160 = tpu.memref_squeeze %dma_start3A_159 : memref<1x1x252x80xi32, #tpu.memory_space<hbm>> -> memref<252x80xi32, #tpu.memory_space<hbm>>
      %dma_start3A_161 = arith.constant 0 : i32
      %dma_start3A_162 = arith.constant 0 : i32
      %dma_start3A_163 = tpu.memref_slice %arg3[%arg0, %arg1, %dma_start3A_161, %dma_start3A_162] : memref<2x16x252x80xi32, #tpu.memory_space<hbm>> -> memref<1x1x252x80xi32, #tpu.memory_space<hbm>>
      %dma_start3A_164 = tpu.memref_squeeze %dma_start3A_163 : memref<1x1x252x80xi32, #tpu.memory_space<hbm>> -> memref<252x80xi32, #tpu.memory_space<hbm>>
      tpu.enqueue_dma source(%dma_start3A_164 : memref<252x80xi32, #tpu.memory_space<hbm>>) target(%arg7 : memref<252x80xi32, #tpu.memory_space<vmem>>) target_semaphore(%run_scoped3A_156 : memref<!tpu.dma_semaphore, #tpu.memory_space<semaphore_mem>>)
      %dma_wait3A_165 = arith.constant 0 : i32
      %dma_wait3A_166 = arith.constant 0 : i32
      %dma_wait3A_167 = tpu.memref_slice %arg3[%arg0, %arg1, %dma_wait3A_165, %dma_wait3A_166] : memref<2x16x252x80xi32, #tpu.memory_space<hbm>> -> memref<1x1x252x80xi32, #tpu.memory_space<hbm>>
      %dma_wait3A_168 = tpu.memref_squeeze %dma_wait3A_167 : memref<1x1x252x80xi32, #tpu.memory_space<hbm>> -> memref<252x80xi32, #tpu.memory_space<hbm>>
      %dma_wait3A_169 = arith.constant 0 : i32
      %dma_wait3A_170 = arith.constant 0 : i32
      %dma_wait3A_171 = tpu.memref_slice %arg3[%arg0, %arg1, %dma_wait3A_169, %dma_wait3A_170] : memref<2x16x252x80xi32, #tpu.memory_space<hbm>> -> memref<1x1x252x80xi32, #tpu.memory_space<hbm>>
      %dma_wait3A_172 = tpu.memref_squeeze %dma_wait3A_171 : memref<1x1x252x80xi32, #tpu.memory_space<hbm>> -> memref<252x80xi32, #tpu.memory_space<hbm>>
      tpu.wait_dma2 semaphore(%run_scoped3A_156 : memref<!tpu.dma_semaphore, #tpu.memory_space<semaphore_mem>>) src(%dma_wait3A_172 : memref<252x80xi32, #tpu.memory_space<hbm>>) dst(%arg7 : memref<252x80xi32, #tpu.memory_space<vmem>>)
      tpu.yield
    }) : () -> ()
    %mul3A = arith.constant 320 : i32
    %mul3A_0 = arith.muli %arg1, %mul3A : i32
    %multiple_of3A = tpu.assume_multiple %mul3A_0, 8 : i32
    %lt3A = arith.constant 15 : i32
    %lt3A_1 = arith.cmpi slt, %arg1, %lt3A : i32
    %convert_element_type3A = arith.extui %lt3A_1 : i1 to i32
    %cond3A = arith.constant 0 : i32
    %cond3A_2 = arith.cmpi ne, %convert_element_type3A, %cond3A : i32
    scf.if %cond3A_2 {
      "tpu.region"() ({
        %run_scoped3A_156 = tpu.sem_alloc : memref<!tpu.dma_semaphore, #tpu.memory_space<semaphore_mem>>
        %dma_start3A_157 = arith.constant 0 : i32
        %dma_start3A_158 = tpu.memref_slice %arg11[%multiple_of3A, %dma_start3A_157] : memref<5128x128xf32, #tpu.memory_space<vmem_shared>> -> memref<320x128xf32, #tpu.memory_space<vmem_shared>>
        %dma_start3A_159 = arith.constant 0 : i32
        %dma_start3A_160 = tpu.memref_slice %arg5[%multiple_of3A, %dma_start3A_159] : memref<5128x128xf32, #tpu.memory_space<hbm>> -> memref<320x128xf32, #tpu.memory_space<hbm>>
        tpu.enqueue_dma source(%dma_start3A_160 : memref<320x128xf32, #tpu.memory_space<hbm>>) target(%dma_start3A_158 : memref<320x128xf32, #tpu.memory_space<vmem_shared>>) target_semaphore(%run_scoped3A_156 : memref<!tpu.dma_semaphore, #tpu.memory_space<semaphore_mem>>)
        %dma_wait3A_161 = arith.constant 0 : i32
        %dma_wait3A_162 = tpu.memref_slice %arg11[%multiple_of3A, %dma_wait3A_161] : memref<5128x128xf32, #tpu.memory_space<vmem_shared>> -> memref<320x128xf32, #tpu.memory_space<vmem_shared>>
        %dma_wait3A_163 = arith.constant 0 : i32
        %dma_wait3A_164 = tpu.memref_slice %arg5[%multiple_of3A, %dma_wait3A_163] : memref<5128x128xf32, #tpu.memory_space<hbm>> -> memref<320x128xf32, #tpu.memory_space<hbm>>
        tpu.wait_dma2 semaphore(%run_scoped3A_156 : memref<!tpu.dma_semaphore, #tpu.memory_space<semaphore_mem>>) src(%dma_wait3A_164 : memref<320x128xf32, #tpu.memory_space<hbm>>) dst(%dma_wait3A_162 : memref<320x128xf32, #tpu.memory_space<vmem_shared>>)
        tpu.yield
      }) : () -> ()
    } else {
    }
    %eq3A = arith.constant 15 : i32
    %eq3A_3 = arith.cmpi eq, %arg1, %eq3A : i32
    %convert_element_type3A_4 = arith.extui %eq3A_3 : i1 to i32
    %cond3A_5 = arith.constant 0 : i32
    %cond3A_6 = arith.cmpi ne, %convert_element_type3A_4, %cond3A_5 : i32
    scf.if %cond3A_6 {
      "tpu.region"() ({
        %run_scoped3A_156 = tpu.sem_alloc : memref<!tpu.dma_semaphore, #tpu.memory_space<semaphore_mem>>
        %dma_start3A_157 = arith.constant 4800 : i32
        %dma_start3A_158 = arith.constant 0 : i32
        %dma_start3A_159 = tpu.memref_slice %arg11[%dma_start3A_157, %dma_start3A_158] : memref<5128x128xf32, #tpu.memory_space<vmem_shared>> -> memref<328x128xf32, #tpu.memory_space<vmem_shared>>
        %dma_start3A_160 = arith.constant 4800 : i32
        %dma_start3A_161 = arith.constant 0 : i32
        %dma_start3A_162 = tpu.memref_slice %arg5[%dma_start3A_160, %dma_start3A_161] : memref<5128x128xf32, #tpu.memory_space<hbm>> -> memref<328x128xf32, #tpu.memory_space<hbm>>
        tpu.enqueue_dma source(%dma_start3A_162 : memref<328x128xf32, #tpu.memory_space<hbm>>) target(%dma_start3A_159 : memref<328x128xf32, #tpu.memory_space<vmem_shared>>) target_semaphore(%run_scoped3A_156 : memref<!tpu.dma_semaphore, #tpu.memory_space<semaphore_mem>>)
        %dma_wait3A_163 = arith.constant 4800 : i32
        %dma_wait3A_164 = arith.constant 0 : i32
        %dma_wait3A_165 = tpu.memref_slice %arg11[%dma_wait3A_163, %dma_wait3A_164] : memref<5128x128xf32, #tpu.memory_space<vmem_shared>> -> memref<328x128xf32, #tpu.memory_space<vmem_shared>>
        %dma_wait3A_166 = arith.constant 4800 : i32
        %dma_wait3A_167 = arith.constant 0 : i32
        %dma_wait3A_168 = tpu.memref_slice %arg5[%dma_wait3A_166, %dma_wait3A_167] : memref<5128x128xf32, #tpu.memory_space<hbm>> -> memref<328x128xf32, #tpu.memory_space<hbm>>
        tpu.wait_dma2 semaphore(%run_scoped3A_156 : memref<!tpu.dma_semaphore, #tpu.memory_space<semaphore_mem>>) src(%dma_wait3A_168 : memref<328x128xf32, #tpu.memory_space<hbm>>) dst(%dma_wait3A_165 : memref<328x128xf32, #tpu.memory_space<vmem_shared>>)
        tpu.yield
      }) : () -> ()
    } else {
    }
    %run_scoped3A = arith.constant 0 : i32
    "tpu.region"() ({
      %run_scoped3A_156 = tpu.sem_alloc : memref<!tpu.dma_semaphore, #tpu.memory_space<semaphore_mem>>
      %dma_start3A_157 = arith.constant 0 : i32
      %dma_start3A_158 = arith.constant 0 : i32
      %dma_start3A_159 = tpu.memref_slice %arg4[%run_scoped3A, %arg1, %dma_start3A_157, %dma_start3A_158] : memref<2x16x250x80xi32, #tpu.memory_space<hbm>> -> memref<1x1x250x80xi32, #tpu.memory_space<hbm>>
      %dma_start3A_160 = tpu.memref_squeeze %dma_start3A_159 : memref<1x1x250x80xi32, #tpu.memory_space<hbm>> -> memref<250x80xi32, #tpu.memory_space<hbm>>
      %dma_start3A_161 = arith.constant 0 : i32
      %dma_start3A_162 = arith.constant 0 : i32
      %dma_start3A_163 = tpu.memref_slice %arg4[%run_scoped3A, %arg1, %dma_start3A_161, %dma_start3A_162] : memref<2x16x250x80xi32, #tpu.memory_space<hbm>> -> memref<1x1x250x80xi32, #tpu.memory_space<hbm>>
      %dma_start3A_164 = tpu.memref_squeeze %dma_start3A_163 : memref<1x1x250x80xi32, #tpu.memory_space<hbm>> -> memref<250x80xi32, #tpu.memory_space<hbm>>
      tpu.enqueue_dma source(%dma_start3A_164 : memref<250x80xi32, #tpu.memory_space<hbm>>) target(%arg8 : memref<250x80xi32, #tpu.memory_space<vmem>>) target_semaphore(%run_scoped3A_156 : memref<!tpu.dma_semaphore, #tpu.memory_space<semaphore_mem>>)
      %dma_wait3A_165 = arith.constant 0 : i32
      %dma_wait3A_166 = arith.constant 0 : i32
      %dma_wait3A_167 = tpu.memref_slice %arg4[%run_scoped3A, %arg1, %dma_wait3A_165, %dma_wait3A_166] : memref<2x16x250x80xi32, #tpu.memory_space<hbm>> -> memref<1x1x250x80xi32, #tpu.memory_space<hbm>>
      %dma_wait3A_168 = tpu.memref_squeeze %dma_wait3A_167 : memref<1x1x250x80xi32, #tpu.memory_space<hbm>> -> memref<250x80xi32, #tpu.memory_space<hbm>>
      %dma_wait3A_169 = arith.constant 0 : i32
      %dma_wait3A_170 = arith.constant 0 : i32
      %dma_wait3A_171 = tpu.memref_slice %arg4[%run_scoped3A, %arg1, %dma_wait3A_169, %dma_wait3A_170] : memref<2x16x250x80xi32, #tpu.memory_space<hbm>> -> memref<1x1x250x80xi32, #tpu.memory_space<hbm>>
      %dma_wait3A_172 = tpu.memref_squeeze %dma_wait3A_171 : memref<1x1x250x80xi32, #tpu.memory_space<hbm>> -> memref<250x80xi32, #tpu.memory_space<hbm>>
      tpu.wait_dma2 semaphore(%run_scoped3A_156 : memref<!tpu.dma_semaphore, #tpu.memory_space<semaphore_mem>>) src(%dma_wait3A_172 : memref<250x80xi32, #tpu.memory_space<hbm>>) dst(%arg8 : memref<250x80xi32, #tpu.memory_space<vmem>>)
      tpu.yield
    }) : () -> ()
    %barrier3A = arith.constant 0 : index
    tpu.barrier barrier_id(%barrier3A)
    %dma_start3A = arith.constant 0 : i32
    %dma_start3A_7 = arith.constant 0 : i32
    %dma_start3A_8 = tpu.memref_slice %arg7[%dma_start3A, %dma_start3A_7] : memref<252x80xi32, #tpu.memory_space<vmem>> -> memref<1x80xi32, #tpu.memory_space<vmem>>
    %dma_start3A_9 = tpu.memref_squeeze %dma_start3A_8 : memref<1x80xi32, #tpu.memory_space<vmem>> -> memref<80xi32, #tpu.memory_space<vmem>>
    %dma_start3A_10 = arith.constant 0 : i32
    %dma_start3A_11 = arith.constant 0 : i32
    %dma_start3A_12 = tpu.memref_slice %arg2[%dma_start3A_10, %dma_start3A_11] : memref<20000x128xf32, #tpu.memory_space<hbm>> -> memref<20000x128xf32, #tpu.memory_space<hbm>>
    tpu.enqueue_indirect_dma source(%dma_start3A_12 : memref<20000x128xf32, #tpu.memory_space<hbm>>) target(%arg9 : memref<80x128xf32, #tpu.memory_space<vmem>>) offsets(%dma_start3A_9 : memref<80xi32, #tpu.memory_space<vmem>>) semaphore(%arg12 : memref<!tpu.dma_semaphore, #tpu.memory_space<semaphore_mem>>)
    %dma_wait3A = arith.constant 0 : i32
    %dma_wait3A_13 = arith.constant 0 : i32
    %dma_wait3A_14 = tpu.memref_slice %arg7[%dma_wait3A, %dma_wait3A_13] : memref<252x80xi32, #tpu.memory_space<vmem>> -> memref<1x80xi32, #tpu.memory_space<vmem>>
    %dma_wait3A_15 = tpu.memref_squeeze %dma_wait3A_14 : memref<1x80xi32, #tpu.memory_space<vmem>> -> memref<80xi32, #tpu.memory_space<vmem>>
    %dma_wait3A_16 = arith.constant 0 : i32
    %dma_wait3A_17 = arith.constant 0 : i32
    %dma_wait3A_18 = tpu.memref_slice %arg2[%dma_wait3A_16, %dma_wait3A_17] : memref<20000x128xf32, #tpu.memory_space<hbm>> -> memref<20000x128xf32, #tpu.memory_space<hbm>>
    tpu.wait_indirect_dma semaphore(%arg12 : memref<!tpu.dma_semaphore, #tpu.memory_space<semaphore_mem>>) src(%dma_wait3A_18 : memref<20000x128xf32, #tpu.memory_space<hbm>>) dst(%arg9 : memref<80x128xf32, #tpu.memory_space<vmem>>)
    %dma_start3A_19 = arith.constant 0 : i32
    %dma_start3A_20 = arith.constant 0 : i32
    %dma_start3A_21 = tpu.memref_slice %arg8[%dma_start3A_19, %dma_start3A_20] : memref<250x80xi32, #tpu.memory_space<vmem>> -> memref<1x80xi32, #tpu.memory_space<vmem>>
    %dma_start3A_22 = tpu.memref_squeeze %dma_start3A_21 : memref<1x80xi32, #tpu.memory_space<vmem>> -> memref<80xi32, #tpu.memory_space<vmem>>
    %dma_start3A_23 = arith.constant 0 : i32
    %dma_start3A_24 = arith.constant 0 : i32
    %dma_start3A_25 = tpu.memref_slice %arg11[%dma_start3A_23, %dma_start3A_24] : memref<5128x128xf32, #tpu.memory_space<vmem_shared>> -> memref<5128x128xf32, #tpu.memory_space<vmem_shared>>
    tpu.enqueue_indirect_dma source(%arg9 : memref<80x128xf32, #tpu.memory_space<vmem>>) target(%dma_start3A_25 : memref<5128x128xf32, #tpu.memory_space<vmem_shared>>) offsets(%dma_start3A_22 : memref<80xi32, #tpu.memory_space<vmem>>) semaphore(%arg14 : memref<!tpu.dma_semaphore, #tpu.memory_space<semaphore_mem>>) {add = true}
    %dma_start3A_26 = arith.constant 1 : i32
    %dma_start3A_27 = arith.constant 0 : i32
    %dma_start3A_28 = tpu.memref_slice %arg7[%dma_start3A_26, %dma_start3A_27] : memref<252x80xi32, #tpu.memory_space<vmem>> -> memref<1x80xi32, #tpu.memory_space<vmem>>
    %dma_start3A_29 = tpu.memref_squeeze %dma_start3A_28 : memref<1x80xi32, #tpu.memory_space<vmem>> -> memref<80xi32, #tpu.memory_space<vmem>>
    %dma_start3A_30 = arith.constant 0 : i32
    %dma_start3A_31 = arith.constant 0 : i32
    %dma_start3A_32 = tpu.memref_slice %arg2[%dma_start3A_30, %dma_start3A_31] : memref<20000x128xf32, #tpu.memory_space<hbm>> -> memref<20000x128xf32, #tpu.memory_space<hbm>>
    tpu.enqueue_indirect_dma source(%dma_start3A_32 : memref<20000x128xf32, #tpu.memory_space<hbm>>) target(%arg10 : memref<80x128xf32, #tpu.memory_space<vmem>>) offsets(%dma_start3A_29 : memref<80xi32, #tpu.memory_space<vmem>>) semaphore(%arg13 : memref<!tpu.dma_semaphore, #tpu.memory_space<semaphore_mem>>)
    %scan3A = arith.constant 0 : i32
    %scan3A_33 = arith.constant 0 : i32
    %scan3A_34 = arith.constant 124 : i32
    %scan3A_35 = arith.addi %scan3A_33, %scan3A_34 : i32
    %scan3A_36 = arith.constant 1 : i32
    scf.for %scan3A_156 = %scan3A_33 to %scan3A_35 step %scan3A_36  : i32 {
      %mul3A_157 = arith.constant 2 : i32
      %mul3A_158 = arith.muli %scan3A_156, %mul3A_157 : i32
      %add3A_159 = arith.constant 1 : i32
      %add3A_160 = arith.addi %mul3A_158, %add3A_159 : i32
      %dma_wait3A_161 = arith.constant 0 : i32
      %dma_wait3A_162 = tpu.memref_slice %arg7[%add3A_160, %dma_wait3A_161] : memref<252x80xi32, #tpu.memory_space<vmem>> -> memref<1x80xi32, #tpu.memory_space<vmem>>
      %dma_wait3A_163 = tpu.memref_squeeze %dma_wait3A_162 : memref<1x80xi32, #tpu.memory_space<vmem>> -> memref<80xi32, #tpu.memory_space<vmem>>
      %dma_wait3A_164 = arith.constant 0 : i32
      %dma_wait3A_165 = arith.constant 0 : i32
      %dma_wait3A_166 = tpu.memref_slice %arg2[%dma_wait3A_164, %dma_wait3A_165] : memref<20000x128xf32, #tpu.memory_space<hbm>> -> memref<20000x128xf32, #tpu.memory_space<hbm>>
      tpu.wait_indirect_dma semaphore(%arg13 : memref<!tpu.dma_semaphore, #tpu.memory_space<semaphore_mem>>) src(%dma_wait3A_166 : memref<20000x128xf32, #tpu.memory_space<hbm>>) dst(%arg10 : memref<80x128xf32, #tpu.memory_space<vmem>>)
      %dma_start3A_167 = arith.constant 0 : i32
      %dma_start3A_168 = tpu.memref_slice %arg8[%add3A_160, %dma_start3A_167] : memref<250x80xi32, #tpu.memory_space<vmem>> -> memref<1x80xi32, #tpu.memory_space<vmem>>
      %dma_start3A_169 = tpu.memref_squeeze %dma_start3A_168 : memref<1x80xi32, #tpu.memory_space<vmem>> -> memref<80xi32, #tpu.memory_space<vmem>>
      %dma_start3A_170 = arith.constant 0 : i32
      %dma_start3A_171 = arith.constant 0 : i32
      %dma_start3A_172 = tpu.memref_slice %arg11[%dma_start3A_170, %dma_start3A_171] : memref<5128x128xf32, #tpu.memory_space<vmem_shared>> -> memref<5128x128xf32, #tpu.memory_space<vmem_shared>>
      tpu.enqueue_indirect_dma source(%arg10 : memref<80x128xf32, #tpu.memory_space<vmem>>) target(%dma_start3A_172 : memref<5128x128xf32, #tpu.memory_space<vmem_shared>>) offsets(%dma_start3A_169 : memref<80xi32, #tpu.memory_space<vmem>>) semaphore(%arg15 : memref<!tpu.dma_semaphore, #tpu.memory_space<semaphore_mem>>) {add = true}
      %sub3A = arith.constant 1 : i32
      %sub3A_173 = arith.subi %add3A_160, %sub3A : i32
      %dma_wait3A_174 = arith.constant 0 : i32
      %dma_wait3A_175 = tpu.memref_slice %arg8[%sub3A_173, %dma_wait3A_174] : memref<250x80xi32, #tpu.memory_space<vmem>> -> memref<1x80xi32, #tpu.memory_space<vmem>>
      %dma_wait3A_176 = tpu.memref_squeeze %dma_wait3A_175 : memref<1x80xi32, #tpu.memory_space<vmem>> -> memref<80xi32, #tpu.memory_space<vmem>>
      %dma_wait3A_177 = arith.constant 0 : i32
      %dma_wait3A_178 = arith.constant 0 : i32
      %dma_wait3A_179 = tpu.memref_slice %arg11[%dma_wait3A_177, %dma_wait3A_178] : memref<5128x128xf32, #tpu.memory_space<vmem_shared>> -> memref<5128x128xf32, #tpu.memory_space<vmem_shared>>
      tpu.wait_indirect_dma semaphore(%arg14 : memref<!tpu.dma_semaphore, #tpu.memory_space<semaphore_mem>>) src(%arg9 : memref<80x128xf32, #tpu.memory_space<vmem>>) dst(%dma_wait3A_179 : memref<5128x128xf32, #tpu.memory_space<vmem_shared>>)
      %add3A_180 = arith.constant 1 : i32
      %add3A_181 = arith.addi %add3A_160, %add3A_180 : i32
      %dma_start3A_182 = arith.constant 0 : i32
      %dma_start3A_183 = tpu.memref_slice %arg7[%add3A_181, %dma_start3A_182] : memref<252x80xi32, #tpu.memory_space<vmem>> -> memref<1x80xi32, #tpu.memory_space<vmem>>
      %dma_start3A_184 = tpu.memref_squeeze %dma_start3A_183 : memref<1x80xi32, #tpu.memory_space<vmem>> -> memref<80xi32, #tpu.memory_space<vmem>>
      %dma_start3A_185 = arith.constant 0 : i32
      %dma_start3A_186 = arith.constant 0 : i32
      %dma_start3A_187 = tpu.memref_slice %arg2[%dma_start3A_185, %dma_start3A_186] : memref<20000x128xf32, #tpu.memory_space<hbm>> -> memref<20000x128xf32, #tpu.memory_space<hbm>>
      tpu.enqueue_indirect_dma source(%dma_start3A_187 : memref<20000x128xf32, #tpu.memory_space<hbm>>) target(%arg9 : memref<80x128xf32, #tpu.memory_space<vmem>>) offsets(%dma_start3A_184 : memref<80xi32, #tpu.memory_space<vmem>>) semaphore(%arg12 : memref<!tpu.dma_semaphore, #tpu.memory_space<semaphore_mem>>)
      %add3A_188 = arith.constant 1 : i32
      %add3A_189 = arith.addi %add3A_160, %add3A_188 : i32
      %dma_wait3A_190 = arith.constant 0 : i32
      %dma_wait3A_191 = tpu.memref_slice %arg7[%add3A_189, %dma_wait3A_190] : memref<252x80xi32, #tpu.memory_space<vmem>> -> memref<1x80xi32, #tpu.memory_space<vmem>>
      %dma_wait3A_192 = tpu.memref_squeeze %dma_wait3A_191 : memref<1x80xi32, #tpu.memory_space<vmem>> -> memref<80xi32, #tpu.memory_space<vmem>>
      %dma_wait3A_193 = arith.constant 0 : i32
      %dma_wait3A_194 = arith.constant 0 : i32
      %dma_wait3A_195 = tpu.memref_slice %arg2[%dma_wait3A_193, %dma_wait3A_194] : memref<20000x128xf32, #tpu.memory_space<hbm>> -> memref<20000x128xf32, #tpu.memory_space<hbm>>
      tpu.wait_indirect_dma semaphore(%arg12 : memref<!tpu.dma_semaphore, #tpu.memory_space<semaphore_mem>>) src(%dma_wait3A_195 : memref<20000x128xf32, #tpu.memory_space<hbm>>) dst(%arg9 : memref<80x128xf32, #tpu.memory_space<vmem>>)
      %add3A_196 = arith.constant 1 : i32
      %add3A_197 = arith.addi %add3A_160, %add3A_196 : i32
      %dma_start3A_198 = arith.constant 0 : i32
      %dma_start3A_199 = tpu.memref_slice %arg8[%add3A_197, %dma_start3A_198] : memref<250x80xi32, #tpu.memory_space<vmem>> -> memref<1x80xi32, #tpu.memory_space<vmem>>
      %dma_start3A_200 = tpu.memref_squeeze %dma_start3A_199 : memref<1x80xi32, #tpu.memory_space<vmem>> -> memref<80xi32, #tpu.memory_space<vmem>>
      %dma_start3A_201 = arith.constant 0 : i32
      %dma_start3A_202 = arith.constant 0 : i32
      %dma_start3A_203 = tpu.memref_slice %arg11[%dma_start3A_201, %dma_start3A_202] : memref<5128x128xf32, #tpu.memory_space<vmem_shared>> -> memref<5128x128xf32, #tpu.memory_space<vmem_shared>>
      tpu.enqueue_indirect_dma source(%arg9 : memref<80x128xf32, #tpu.memory_space<vmem>>) target(%dma_start3A_203 : memref<5128x128xf32, #tpu.memory_space<vmem_shared>>) offsets(%dma_start3A_200 : memref<80xi32, #tpu.memory_space<vmem>>) semaphore(%arg14 : memref<!tpu.dma_semaphore, #tpu.memory_space<semaphore_mem>>) {add = true}
      %dma_wait3A_204 = arith.constant 0 : i32
      %dma_wait3A_205 = tpu.memref_slice %arg8[%add3A_160, %dma_wait3A_204] : memref<250x80xi32, #tpu.memory_space<vmem>> -> memref<1x80xi32, #tpu.memory_space<vmem>>
      %dma_wait3A_206 = tpu.memref_squeeze %dma_wait3A_205 : memref<1x80xi32, #tpu.memory_space<vmem>> -> memref<80xi32, #tpu.memory_space<vmem>>
      %dma_wait3A_207 = arith.constant 0 : i32
      %dma_wait3A_208 = arith.constant 0 : i32
      %dma_wait3A_209 = tpu.memref_slice %arg11[%dma_wait3A_207, %dma_wait3A_208] : memref<5128x128xf32, #tpu.memory_space<vmem_shared>> -> memref<5128x128xf32, #tpu.memory_space<vmem_shared>>
      tpu.wait_indirect_dma semaphore(%arg15 : memref<!tpu.dma_semaphore, #tpu.memory_space<semaphore_mem>>) src(%arg10 : memref<80x128xf32, #tpu.memory_space<vmem>>) dst(%dma_wait3A_209 : memref<5128x128xf32, #tpu.memory_space<vmem_shared>>)
      %add3A_210 = arith.constant 2 : i32
      %add3A_211 = arith.addi %add3A_160, %add3A_210 : i32
      %dma_start3A_212 = arith.constant 0 : i32
      %dma_start3A_213 = tpu.memref_slice %arg7[%add3A_211, %dma_start3A_212] : memref<252x80xi32, #tpu.memory_space<vmem>> -> memref<1x80xi32, #tpu.memory_space<vmem>>
      %dma_start3A_214 = tpu.memref_squeeze %dma_start3A_213 : memref<1x80xi32, #tpu.memory_space<vmem>> -> memref<80xi32, #tpu.memory_space<vmem>>
      %dma_start3A_215 = arith.constant 0 : i32
      %dma_start3A_216 = arith.constant 0 : i32
      %dma_start3A_217 = tpu.memref_slice %arg2[%dma_start3A_215, %dma_start3A_216] : memref<20000x128xf32, #tpu.memory_space<hbm>> -> memref<20000x128xf32, #tpu.memory_space<hbm>>
      tpu.enqueue_indirect_dma source(%dma_start3A_217 : memref<20000x128xf32, #tpu.memory_space<hbm>>) target(%arg10 : memref<80x128xf32, #tpu.memory_space<vmem>>) offsets(%dma_start3A_214 : memref<80xi32, #tpu.memory_space<vmem>>) semaphore(%arg13 : memref<!tpu.dma_semaphore, #tpu.memory_space<semaphore_mem>>)
    }
    %scan3A_37 = arith.constant 124 : i32
    %dma_wait3A_38 = arith.constant 249 : i32
    %dma_wait3A_39 = arith.constant 0 : i32
    %dma_wait3A_40 = tpu.memref_slice %arg7[%dma_wait3A_38, %dma_wait3A_39] : memref<252x80xi32, #tpu.memory_space<vmem>> -> memref<1x80xi32, #tpu.memory_space<vmem>>
    %dma_wait3A_41 = tpu.memref_squeeze %dma_wait3A_40 : memref<1x80xi32, #tpu.memory_space<vmem>> -> memref<80xi32, #tpu.memory_space<vmem>>
    %dma_wait3A_42 = arith.constant 0 : i32
    %dma_wait3A_43 = arith.constant 0 : i32
    %dma_wait3A_44 = tpu.memref_slice %arg2[%dma_wait3A_42, %dma_wait3A_43] : memref<20000x128xf32, #tpu.memory_space<hbm>> -> memref<20000x128xf32, #tpu.memory_space<hbm>>
    tpu.wait_indirect_dma semaphore(%arg13 : memref<!tpu.dma_semaphore, #tpu.memory_space<semaphore_mem>>) src(%dma_wait3A_44 : memref<20000x128xf32, #tpu.memory_space<hbm>>) dst(%arg10 : memref<80x128xf32, #tpu.memory_space<vmem>>)
    %dma_start3A_45 = arith.constant 249 : i32
    %dma_start3A_46 = arith.constant 0 : i32
    %dma_start3A_47 = tpu.memref_slice %arg8[%dma_start3A_45, %dma_start3A_46] : memref<250x80xi32, #tpu.memory_space<vmem>> -> memref<1x80xi32, #tpu.memory_space<vmem>>
    %dma_start3A_48 = tpu.memref_squeeze %dma_start3A_47 : memref<1x80xi32, #tpu.memory_space<vmem>> -> memref<80xi32, #tpu.memory_space<vmem>>
    %dma_start3A_49 = arith.constant 0 : i32
    %dma_start3A_50 = arith.constant 0 : i32
    %dma_start3A_51 = tpu.memref_slice %arg11[%dma_start3A_49, %dma_start3A_50] : memref<5128x128xf32, #tpu.memory_space<vmem_shared>> -> memref<5128x128xf32, #tpu.memory_space<vmem_shared>>
    tpu.enqueue_indirect_dma source(%arg10 : memref<80x128xf32, #tpu.memory_space<vmem>>) target(%dma_start3A_51 : memref<5128x128xf32, #tpu.memory_space<vmem_shared>>) offsets(%dma_start3A_48 : memref<80xi32, #tpu.memory_space<vmem>>) semaphore(%arg15 : memref<!tpu.dma_semaphore, #tpu.memory_space<semaphore_mem>>) {add = true}
    %dma_wait3A_52 = arith.constant 248 : i32
    %dma_wait3A_53 = arith.constant 0 : i32
    %dma_wait3A_54 = tpu.memref_slice %arg8[%dma_wait3A_52, %dma_wait3A_53] : memref<250x80xi32, #tpu.memory_space<vmem>> -> memref<1x80xi32, #tpu.memory_space<vmem>>
    %dma_wait3A_55 = tpu.memref_squeeze %dma_wait3A_54 : memref<1x80xi32, #tpu.memory_space<vmem>> -> memref<80xi32, #tpu.memory_space<vmem>>
    %dma_wait3A_56 = arith.constant 0 : i32
    %dma_wait3A_57 = arith.constant 0 : i32
    %dma_wait3A_58 = tpu.memref_slice %arg11[%dma_wait3A_56, %dma_wait3A_57] : memref<5128x128xf32, #tpu.memory_space<vmem_shared>> -> memref<5128x128xf32, #tpu.memory_space<vmem_shared>>
    tpu.wait_indirect_dma semaphore(%arg14 : memref<!tpu.dma_semaphore, #tpu.memory_space<semaphore_mem>>) src(%arg9 : memref<80x128xf32, #tpu.memory_space<vmem>>) dst(%dma_wait3A_58 : memref<5128x128xf32, #tpu.memory_space<vmem_shared>>)
    %dma_wait3A_59 = arith.constant 249 : i32
    %dma_wait3A_60 = arith.constant 0 : i32
    %dma_wait3A_61 = tpu.memref_slice %arg8[%dma_wait3A_59, %dma_wait3A_60] : memref<250x80xi32, #tpu.memory_space<vmem>> -> memref<1x80xi32, #tpu.memory_space<vmem>>
    %dma_wait3A_62 = tpu.memref_squeeze %dma_wait3A_61 : memref<1x80xi32, #tpu.memory_space<vmem>> -> memref<80xi32, #tpu.memory_space<vmem>>
    %dma_wait3A_63 = arith.constant 0 : i32
    %dma_wait3A_64 = arith.constant 0 : i32
    %dma_wait3A_65 = tpu.memref_slice %arg11[%dma_wait3A_63, %dma_wait3A_64] : memref<5128x128xf32, #tpu.memory_space<vmem_shared>> -> memref<5128x128xf32, #tpu.memory_space<vmem_shared>>
    tpu.wait_indirect_dma semaphore(%arg15 : memref<!tpu.dma_semaphore, #tpu.memory_space<semaphore_mem>>) src(%arg10 : memref<80x128xf32, #tpu.memory_space<vmem>>) dst(%dma_wait3A_65 : memref<5128x128xf32, #tpu.memory_space<vmem_shared>>)
    %barrier3A_66 = arith.constant 0 : index
    tpu.barrier barrier_id(%barrier3A_66)
    %mul3A_67 = arith.constant 320 : i32
    %mul3A_68 = arith.muli %arg1, %mul3A_67 : i32
    %multiple_of3A_69 = tpu.assume_multiple %mul3A_68, 8 : i32
    %add3A = arith.constant 0 : i32
    %add3A_70 = arith.addi %add3A, %multiple_of3A_69 : i32
    "tpu.region"() ({
      %run_scoped3A_156 = tpu.sem_alloc : memref<!tpu.dma_semaphore, #tpu.memory_space<semaphore_mem>>
      %dma_start3A_157 = arith.constant 0 : i32
      %dma_start3A_158 = tpu.memref_slice %arg6[%arg0, %add3A_70, %dma_start3A_157] : memref<2x10240x128xf32, #tpu.memory_space<hbm>> -> memref<1x320x128xf32, #tpu.memory_space<hbm>>
      %dma_start3A_159 = tpu.memref_squeeze %dma_start3A_158 : memref<1x320x128xf32, #tpu.memory_space<hbm>> -> memref<320x128xf32, #tpu.memory_space<hbm>>
      %dma_start3A_160 = arith.constant 0 : i32
      %dma_start3A_161 = tpu.memref_slice %arg11[%multiple_of3A_69, %dma_start3A_160] : memref<5128x128xf32, #tpu.memory_space<vmem_shared>> -> memref<320x128xf32, #tpu.memory_space<vmem_shared>>
      tpu.enqueue_dma source(%dma_start3A_161 : memref<320x128xf32, #tpu.memory_space<vmem_shared>>) target(%dma_start3A_159 : memref<320x128xf32, #tpu.memory_space<hbm>>) target_semaphore(%run_scoped3A_156 : memref<!tpu.dma_semaphore, #tpu.memory_space<semaphore_mem>>)
      %dma_wait3A_162 = arith.constant 0 : i32
      %dma_wait3A_163 = tpu.memref_slice %arg6[%arg0, %add3A_70, %dma_wait3A_162] : memref<2x10240x128xf32, #tpu.memory_space<hbm>> -> memref<1x320x128xf32, #tpu.memory_space<hbm>>
      %dma_wait3A_164 = tpu.memref_squeeze %dma_wait3A_163 : memref<1x320x128xf32, #tpu.memory_space<hbm>> -> memref<320x128xf32, #tpu.memory_space<hbm>>
      %dma_wait3A_165 = arith.constant 0 : i32
      %dma_wait3A_166 = tpu.memref_slice %arg11[%multiple_of3A_69, %dma_wait3A_165] : memref<5128x128xf32, #tpu.memory_space<vmem_shared>> -> memref<320x128xf32, #tpu.memory_space<vmem_shared>>
      tpu.wait_dma2 semaphore(%run_scoped3A_156 : memref<!tpu.dma_semaphore, #tpu.memory_space<semaphore_mem>>) src(%dma_wait3A_166 : memref<320x128xf32, #tpu.memory_space<vmem_shared>>) dst(%dma_wait3A_164 : memref<320x128xf32, #tpu.memory_space<hbm>>)
      tpu.yield
    }) : () -> ()
    %barrier3A_71 = arith.constant 0 : index
    tpu.barrier barrier_id(%barrier3A_71)
    %mul3A_72 = arith.constant 320 : i32
    %mul3A_73 = arith.muli %arg1, %mul3A_72 : i32
    %multiple_of3A_74 = tpu.assume_multiple %mul3A_73, 8 : i32
    %lt3A_75 = arith.constant 15 : i32
    %lt3A_76 = arith.cmpi slt, %arg1, %lt3A_75 : i32
    %convert_element_type3A_77 = arith.extui %lt3A_76 : i1 to i32
    %cond3A_78 = arith.constant 0 : i32
    %cond3A_79 = arith.cmpi ne, %convert_element_type3A_77, %cond3A_78 : i32
    scf.if %cond3A_79 {
      "tpu.region"() ({
        %run_scoped3A_156 = tpu.sem_alloc : memref<!tpu.dma_semaphore, #tpu.memory_space<semaphore_mem>>
        %dma_start3A_157 = arith.constant 0 : i32
        %dma_start3A_158 = tpu.memref_slice %arg11[%multiple_of3A_74, %dma_start3A_157] : memref<5128x128xf32, #tpu.memory_space<vmem_shared>> -> memref<320x128xf32, #tpu.memory_space<vmem_shared>>
        %dma_start3A_159 = arith.constant 0 : i32
        %dma_start3A_160 = tpu.memref_slice %arg5[%multiple_of3A_74, %dma_start3A_159] : memref<5128x128xf32, #tpu.memory_space<hbm>> -> memref<320x128xf32, #tpu.memory_space<hbm>>
        tpu.enqueue_dma source(%dma_start3A_160 : memref<320x128xf32, #tpu.memory_space<hbm>>) target(%dma_start3A_158 : memref<320x128xf32, #tpu.memory_space<vmem_shared>>) target_semaphore(%run_scoped3A_156 : memref<!tpu.dma_semaphore, #tpu.memory_space<semaphore_mem>>)
        %dma_wait3A_161 = arith.constant 0 : i32
        %dma_wait3A_162 = tpu.memref_slice %arg11[%multiple_of3A_74, %dma_wait3A_161] : memref<5128x128xf32, #tpu.memory_space<vmem_shared>> -> memref<320x128xf32, #tpu.memory_space<vmem_shared>>
        %dma_wait3A_163 = arith.constant 0 : i32
        %dma_wait3A_164 = tpu.memref_slice %arg5[%multiple_of3A_74, %dma_wait3A_163] : memref<5128x128xf32, #tpu.memory_space<hbm>> -> memref<320x128xf32, #tpu.memory_space<hbm>>
        tpu.wait_dma2 semaphore(%run_scoped3A_156 : memref<!tpu.dma_semaphore, #tpu.memory_space<semaphore_mem>>) src(%dma_wait3A_164 : memref<320x128xf32, #tpu.memory_space<hbm>>) dst(%dma_wait3A_162 : memref<320x128xf32, #tpu.memory_space<vmem_shared>>)
        tpu.yield
      }) : () -> ()
    } else {
    }
    %eq3A_80 = arith.constant 15 : i32
    %eq3A_81 = arith.cmpi eq, %arg1, %eq3A_80 : i32
    %convert_element_type3A_82 = arith.extui %eq3A_81 : i1 to i32
    %cond3A_83 = arith.constant 0 : i32
    %cond3A_84 = arith.cmpi ne, %convert_element_type3A_82, %cond3A_83 : i32
    scf.if %cond3A_84 {
      "tpu.region"() ({
        %run_scoped3A_156 = tpu.sem_alloc : memref<!tpu.dma_semaphore, #tpu.memory_space<semaphore_mem>>
        %dma_start3A_157 = arith.constant 4800 : i32
        %dma_start3A_158 = arith.constant 0 : i32
        %dma_start3A_159 = tpu.memref_slice %arg11[%dma_start3A_157, %dma_start3A_158] : memref<5128x128xf32, #tpu.memory_space<vmem_shared>> -> memref<328x128xf32, #tpu.memory_space<vmem_shared>>
        %dma_start3A_160 = arith.constant 4800 : i32
        %dma_start3A_161 = arith.constant 0 : i32
        %dma_start3A_162 = tpu.memref_slice %arg5[%dma_start3A_160, %dma_start3A_161] : memref<5128x128xf32, #tpu.memory_space<hbm>> -> memref<328x128xf32, #tpu.memory_space<hbm>>
        tpu.enqueue_dma source(%dma_start3A_162 : memref<328x128xf32, #tpu.memory_space<hbm>>) target(%dma_start3A_159 : memref<328x128xf32, #tpu.memory_space<vmem_shared>>) target_semaphore(%run_scoped3A_156 : memref<!tpu.dma_semaphore, #tpu.memory_space<semaphore_mem>>)
        %dma_wait3A_163 = arith.constant 4800 : i32
        %dma_wait3A_164 = arith.constant 0 : i32
        %dma_wait3A_165 = tpu.memref_slice %arg11[%dma_wait3A_163, %dma_wait3A_164] : memref<5128x128xf32, #tpu.memory_space<vmem_shared>> -> memref<328x128xf32, #tpu.memory_space<vmem_shared>>
        %dma_wait3A_166 = arith.constant 4800 : i32
        %dma_wait3A_167 = arith.constant 0 : i32
        %dma_wait3A_168 = tpu.memref_slice %arg5[%dma_wait3A_166, %dma_wait3A_167] : memref<5128x128xf32, #tpu.memory_space<hbm>> -> memref<328x128xf32, #tpu.memory_space<hbm>>
        tpu.wait_dma2 semaphore(%run_scoped3A_156 : memref<!tpu.dma_semaphore, #tpu.memory_space<semaphore_mem>>) src(%dma_wait3A_168 : memref<328x128xf32, #tpu.memory_space<hbm>>) dst(%dma_wait3A_165 : memref<328x128xf32, #tpu.memory_space<vmem_shared>>)
        tpu.yield
      }) : () -> ()
    } else {
    }
    %run_scoped3A_85 = arith.constant 1 : i32
    "tpu.region"() ({
      %run_scoped3A_156 = tpu.sem_alloc : memref<!tpu.dma_semaphore, #tpu.memory_space<semaphore_mem>>
      %dma_start3A_157 = arith.constant 0 : i32
      %dma_start3A_158 = arith.constant 0 : i32
      %dma_start3A_159 = tpu.memref_slice %arg4[%run_scoped3A_85, %arg1, %dma_start3A_157, %dma_start3A_158] : memref<2x16x250x80xi32, #tpu.memory_space<hbm>> -> memref<1x1x250x80xi32, #tpu.memory_space<hbm>>
      %dma_start3A_160 = tpu.memref_squeeze %dma_start3A_159 : memref<1x1x250x80xi32, #tpu.memory_space<hbm>> -> memref<250x80xi32, #tpu.memory_space<hbm>>
      %dma_start3A_161 = arith.constant 0 : i32
      %dma_start3A_162 = arith.constant 0 : i32
      %dma_start3A_163 = tpu.memref_slice %arg4[%run_scoped3A_85, %arg1, %dma_start3A_161, %dma_start3A_162] : memref<2x16x250x80xi32, #tpu.memory_space<hbm>> -> memref<1x1x250x80xi32, #tpu.memory_space<hbm>>
      %dma_start3A_164 = tpu.memref_squeeze %dma_start3A_163 : memref<1x1x250x80xi32, #tpu.memory_space<hbm>> -> memref<250x80xi32, #tpu.memory_space<hbm>>
      tpu.enqueue_dma source(%dma_start3A_164 : memref<250x80xi32, #tpu.memory_space<hbm>>) target(%arg8 : memref<250x80xi32, #tpu.memory_space<vmem>>) target_semaphore(%run_scoped3A_156 : memref<!tpu.dma_semaphore, #tpu.memory_space<semaphore_mem>>)
      %dma_wait3A_165 = arith.constant 0 : i32
      %dma_wait3A_166 = arith.constant 0 : i32
      %dma_wait3A_167 = tpu.memref_slice %arg4[%run_scoped3A_85, %arg1, %dma_wait3A_165, %dma_wait3A_166] : memref<2x16x250x80xi32, #tpu.memory_space<hbm>> -> memref<1x1x250x80xi32, #tpu.memory_space<hbm>>
      %dma_wait3A_168 = tpu.memref_squeeze %dma_wait3A_167 : memref<1x1x250x80xi32, #tpu.memory_space<hbm>> -> memref<250x80xi32, #tpu.memory_space<hbm>>
      %dma_wait3A_169 = arith.constant 0 : i32
      %dma_wait3A_170 = arith.constant 0 : i32
      %dma_wait3A_171 = tpu.memref_slice %arg4[%run_scoped3A_85, %arg1, %dma_wait3A_169, %dma_wait3A_170] : memref<2x16x250x80xi32, #tpu.memory_space<hbm>> -> memref<1x1x250x80xi32, #tpu.memory_space<hbm>>
      %dma_wait3A_172 = tpu.memref_squeeze %dma_wait3A_171 : memref<1x1x250x80xi32, #tpu.memory_space<hbm>> -> memref<250x80xi32, #tpu.memory_space<hbm>>
      tpu.wait_dma2 semaphore(%run_scoped3A_156 : memref<!tpu.dma_semaphore, #tpu.memory_space<semaphore_mem>>) src(%dma_wait3A_172 : memref<250x80xi32, #tpu.memory_space<hbm>>) dst(%arg8 : memref<250x80xi32, #tpu.memory_space<vmem>>)
      tpu.yield
    }) : () -> ()
    %barrier3A_86 = arith.constant 0 : index
    tpu.barrier barrier_id(%barrier3A_86)
    %dma_start3A_87 = arith.constant 0 : i32
    %dma_start3A_88 = arith.constant 0 : i32
    %dma_start3A_89 = tpu.memref_slice %arg7[%dma_start3A_87, %dma_start3A_88] : memref<252x80xi32, #tpu.memory_space<vmem>> -> memref<1x80xi32, #tpu.memory_space<vmem>>
    %dma_start3A_90 = tpu.memref_squeeze %dma_start3A_89 : memref<1x80xi32, #tpu.memory_space<vmem>> -> memref<80xi32, #tpu.memory_space<vmem>>
    %dma_start3A_91 = arith.constant 0 : i32
    %dma_start3A_92 = arith.constant 0 : i32
    %dma_start3A_93 = tpu.memref_slice %arg2[%dma_start3A_91, %dma_start3A_92] : memref<20000x128xf32, #tpu.memory_space<hbm>> -> memref<20000x128xf32, #tpu.memory_space<hbm>>
    tpu.enqueue_indirect_dma source(%dma_start3A_93 : memref<20000x128xf32, #tpu.memory_space<hbm>>) target(%arg9 : memref<80x128xf32, #tpu.memory_space<vmem>>) offsets(%dma_start3A_90 : memref<80xi32, #tpu.memory_space<vmem>>) semaphore(%arg12 : memref<!tpu.dma_semaphore, #tpu.memory_space<semaphore_mem>>)
    %dma_wait3A_94 = arith.constant 0 : i32
    %dma_wait3A_95 = arith.constant 0 : i32
    %dma_wait3A_96 = tpu.memref_slice %arg7[%dma_wait3A_94, %dma_wait3A_95] : memref<252x80xi32, #tpu.memory_space<vmem>> -> memref<1x80xi32, #tpu.memory_space<vmem>>
    %dma_wait3A_97 = tpu.memref_squeeze %dma_wait3A_96 : memref<1x80xi32, #tpu.memory_space<vmem>> -> memref<80xi32, #tpu.memory_space<vmem>>
    %dma_wait3A_98 = arith.constant 0 : i32
    %dma_wait3A_99 = arith.constant 0 : i32
    %dma_wait3A_100 = tpu.memref_slice %arg2[%dma_wait3A_98, %dma_wait3A_99] : memref<20000x128xf32, #tpu.memory_space<hbm>> -> memref<20000x128xf32, #tpu.memory_space<hbm>>
    tpu.wait_indirect_dma semaphore(%arg12 : memref<!tpu.dma_semaphore, #tpu.memory_space<semaphore_mem>>) src(%dma_wait3A_100 : memref<20000x128xf32, #tpu.memory_space<hbm>>) dst(%arg9 : memref<80x128xf32, #tpu.memory_space<vmem>>)
    %dma_start3A_101 = arith.constant 0 : i32
    %dma_start3A_102 = arith.constant 0 : i32
    %dma_start3A_103 = tpu.memref_slice %arg8[%dma_start3A_101, %dma_start3A_102] : memref<250x80xi32, #tpu.memory_space<vmem>> -> memref<1x80xi32, #tpu.memory_space<vmem>>
    %dma_start3A_104 = tpu.memref_squeeze %dma_start3A_103 : memref<1x80xi32, #tpu.memory_space<vmem>> -> memref<80xi32, #tpu.memory_space<vmem>>
    %dma_start3A_105 = arith.constant 0 : i32
    %dma_start3A_106 = arith.constant 0 : i32
    %dma_start3A_107 = tpu.memref_slice %arg11[%dma_start3A_105, %dma_start3A_106] : memref<5128x128xf32, #tpu.memory_space<vmem_shared>> -> memref<5128x128xf32, #tpu.memory_space<vmem_shared>>
    tpu.enqueue_indirect_dma source(%arg9 : memref<80x128xf32, #tpu.memory_space<vmem>>) target(%dma_start3A_107 : memref<5128x128xf32, #tpu.memory_space<vmem_shared>>) offsets(%dma_start3A_104 : memref<80xi32, #tpu.memory_space<vmem>>) semaphore(%arg14 : memref<!tpu.dma_semaphore, #tpu.memory_space<semaphore_mem>>) {add = true}
    %dma_start3A_108 = arith.constant 1 : i32
    %dma_start3A_109 = arith.constant 0 : i32
    %dma_start3A_110 = tpu.memref_slice %arg7[%dma_start3A_108, %dma_start3A_109] : memref<252x80xi32, #tpu.memory_space<vmem>> -> memref<1x80xi32, #tpu.memory_space<vmem>>
    %dma_start3A_111 = tpu.memref_squeeze %dma_start3A_110 : memref<1x80xi32, #tpu.memory_space<vmem>> -> memref<80xi32, #tpu.memory_space<vmem>>
    %dma_start3A_112 = arith.constant 0 : i32
    %dma_start3A_113 = arith.constant 0 : i32
    %dma_start3A_114 = tpu.memref_slice %arg2[%dma_start3A_112, %dma_start3A_113] : memref<20000x128xf32, #tpu.memory_space<hbm>> -> memref<20000x128xf32, #tpu.memory_space<hbm>>
    tpu.enqueue_indirect_dma source(%dma_start3A_114 : memref<20000x128xf32, #tpu.memory_space<hbm>>) target(%arg10 : memref<80x128xf32, #tpu.memory_space<vmem>>) offsets(%dma_start3A_111 : memref<80xi32, #tpu.memory_space<vmem>>) semaphore(%arg13 : memref<!tpu.dma_semaphore, #tpu.memory_space<semaphore_mem>>)
    %scan3A_115 = arith.constant 0 : i32
    %scan3A_116 = arith.constant 0 : i32
    %scan3A_117 = arith.constant 124 : i32
    %scan3A_118 = arith.addi %scan3A_116, %scan3A_117 : i32
    %scan3A_119 = arith.constant 1 : i32
    scf.for %scan3A_156 = %scan3A_116 to %scan3A_118 step %scan3A_119  : i32 {
      %mul3A_157 = arith.constant 2 : i32
      %mul3A_158 = arith.muli %scan3A_156, %mul3A_157 : i32
      %add3A_159 = arith.constant 1 : i32
      %add3A_160 = arith.addi %mul3A_158, %add3A_159 : i32
      %dma_wait3A_161 = arith.constant 0 : i32
      %dma_wait3A_162 = tpu.memref_slice %arg7[%add3A_160, %dma_wait3A_161] : memref<252x80xi32, #tpu.memory_space<vmem>> -> memref<1x80xi32, #tpu.memory_space<vmem>>
      %dma_wait3A_163 = tpu.memref_squeeze %dma_wait3A_162 : memref<1x80xi32, #tpu.memory_space<vmem>> -> memref<80xi32, #tpu.memory_space<vmem>>
      %dma_wait3A_164 = arith.constant 0 : i32
      %dma_wait3A_165 = arith.constant 0 : i32
      %dma_wait3A_166 = tpu.memref_slice %arg2[%dma_wait3A_164, %dma_wait3A_165] : memref<20000x128xf32, #tpu.memory_space<hbm>> -> memref<20000x128xf32, #tpu.memory_space<hbm>>
      tpu.wait_indirect_dma semaphore(%arg13 : memref<!tpu.dma_semaphore, #tpu.memory_space<semaphore_mem>>) src(%dma_wait3A_166 : memref<20000x128xf32, #tpu.memory_space<hbm>>) dst(%arg10 : memref<80x128xf32, #tpu.memory_space<vmem>>)
      %dma_start3A_167 = arith.constant 0 : i32
      %dma_start3A_168 = tpu.memref_slice %arg8[%add3A_160, %dma_start3A_167] : memref<250x80xi32, #tpu.memory_space<vmem>> -> memref<1x80xi32, #tpu.memory_space<vmem>>
      %dma_start3A_169 = tpu.memref_squeeze %dma_start3A_168 : memref<1x80xi32, #tpu.memory_space<vmem>> -> memref<80xi32, #tpu.memory_space<vmem>>
      %dma_start3A_170 = arith.constant 0 : i32
      %dma_start3A_171 = arith.constant 0 : i32
      %dma_start3A_172 = tpu.memref_slice %arg11[%dma_start3A_170, %dma_start3A_171] : memref<5128x128xf32, #tpu.memory_space<vmem_shared>> -> memref<5128x128xf32, #tpu.memory_space<vmem_shared>>
      tpu.enqueue_indirect_dma source(%arg10 : memref<80x128xf32, #tpu.memory_space<vmem>>) target(%dma_start3A_172 : memref<5128x128xf32, #tpu.memory_space<vmem_shared>>) offsets(%dma_start3A_169 : memref<80xi32, #tpu.memory_space<vmem>>) semaphore(%arg15 : memref<!tpu.dma_semaphore, #tpu.memory_space<semaphore_mem>>) {add = true}
      %sub3A = arith.constant 1 : i32
      %sub3A_173 = arith.subi %add3A_160, %sub3A : i32
      %dma_wait3A_174 = arith.constant 0 : i32
      %dma_wait3A_175 = tpu.memref_slice %arg8[%sub3A_173, %dma_wait3A_174] : memref<250x80xi32, #tpu.memory_space<vmem>> -> memref<1x80xi32, #tpu.memory_space<vmem>>
      %dma_wait3A_176 = tpu.memref_squeeze %dma_wait3A_175 : memref<1x80xi32, #tpu.memory_space<vmem>> -> memref<80xi32, #tpu.memory_space<vmem>>
      %dma_wait3A_177 = arith.constant 0 : i32
      %dma_wait3A_178 = arith.constant 0 : i32
      %dma_wait3A_179 = tpu.memref_slice %arg11[%dma_wait3A_177, %dma_wait3A_178] : memref<5128x128xf32, #tpu.memory_space<vmem_shared>> -> memref<5128x128xf32, #tpu.memory_space<vmem_shared>>
      tpu.wait_indirect_dma semaphore(%arg14 : memref<!tpu.dma_semaphore, #tpu.memory_space<semaphore_mem>>) src(%arg9 : memref<80x128xf32, #tpu.memory_space<vmem>>) dst(%dma_wait3A_179 : memref<5128x128xf32, #tpu.memory_space<vmem_shared>>)
      %add3A_180 = arith.constant 1 : i32
      %add3A_181 = arith.addi %add3A_160, %add3A_180 : i32
      %dma_start3A_182 = arith.constant 0 : i32
      %dma_start3A_183 = tpu.memref_slice %arg7[%add3A_181, %dma_start3A_182] : memref<252x80xi32, #tpu.memory_space<vmem>> -> memref<1x80xi32, #tpu.memory_space<vmem>>
      %dma_start3A_184 = tpu.memref_squeeze %dma_start3A_183 : memref<1x80xi32, #tpu.memory_space<vmem>> -> memref<80xi32, #tpu.memory_space<vmem>>
      %dma_start3A_185 = arith.constant 0 : i32
      %dma_start3A_186 = arith.constant 0 : i32
      %dma_start3A_187 = tpu.memref_slice %arg2[%dma_start3A_185, %dma_start3A_186] : memref<20000x128xf32, #tpu.memory_space<hbm>> -> memref<20000x128xf32, #tpu.memory_space<hbm>>
      tpu.enqueue_indirect_dma source(%dma_start3A_187 : memref<20000x128xf32, #tpu.memory_space<hbm>>) target(%arg9 : memref<80x128xf32, #tpu.memory_space<vmem>>) offsets(%dma_start3A_184 : memref<80xi32, #tpu.memory_space<vmem>>) semaphore(%arg12 : memref<!tpu.dma_semaphore, #tpu.memory_space<semaphore_mem>>)
      %add3A_188 = arith.constant 1 : i32
      %add3A_189 = arith.addi %add3A_160, %add3A_188 : i32
      %dma_wait3A_190 = arith.constant 0 : i32
      %dma_wait3A_191 = tpu.memref_slice %arg7[%add3A_189, %dma_wait3A_190] : memref<252x80xi32, #tpu.memory_space<vmem>> -> memref<1x80xi32, #tpu.memory_space<vmem>>
      %dma_wait3A_192 = tpu.memref_squeeze %dma_wait3A_191 : memref<1x80xi32, #tpu.memory_space<vmem>> -> memref<80xi32, #tpu.memory_space<vmem>>
      %dma_wait3A_193 = arith.constant 0 : i32
      %dma_wait3A_194 = arith.constant 0 : i32
      %dma_wait3A_195 = tpu.memref_slice %arg2[%dma_wait3A_193, %dma_wait3A_194] : memref<20000x128xf32, #tpu.memory_space<hbm>> -> memref<20000x128xf32, #tpu.memory_space<hbm>>
      tpu.wait_indirect_dma semaphore(%arg12 : memref<!tpu.dma_semaphore, #tpu.memory_space<semaphore_mem>>) src(%dma_wait3A_195 : memref<20000x128xf32, #tpu.memory_space<hbm>>) dst(%arg9 : memref<80x128xf32, #tpu.memory_space<vmem>>)
      %add3A_196 = arith.constant 1 : i32
      %add3A_197 = arith.addi %add3A_160, %add3A_196 : i32
      %dma_start3A_198 = arith.constant 0 : i32
      %dma_start3A_199 = tpu.memref_slice %arg8[%add3A_197, %dma_start3A_198] : memref<250x80xi32, #tpu.memory_space<vmem>> -> memref<1x80xi32, #tpu.memory_space<vmem>>
      %dma_start3A_200 = tpu.memref_squeeze %dma_start3A_199 : memref<1x80xi32, #tpu.memory_space<vmem>> -> memref<80xi32, #tpu.memory_space<vmem>>
      %dma_start3A_201 = arith.constant 0 : i32
      %dma_start3A_202 = arith.constant 0 : i32
      %dma_start3A_203 = tpu.memref_slice %arg11[%dma_start3A_201, %dma_start3A_202] : memref<5128x128xf32, #tpu.memory_space<vmem_shared>> -> memref<5128x128xf32, #tpu.memory_space<vmem_shared>>
      tpu.enqueue_indirect_dma source(%arg9 : memref<80x128xf32, #tpu.memory_space<vmem>>) target(%dma_start3A_203 : memref<5128x128xf32, #tpu.memory_space<vmem_shared>>) offsets(%dma_start3A_200 : memref<80xi32, #tpu.memory_space<vmem>>) semaphore(%arg14 : memref<!tpu.dma_semaphore, #tpu.memory_space<semaphore_mem>>) {add = true}
      %dma_wait3A_204 = arith.constant 0 : i32
      %dma_wait3A_205 = tpu.memref_slice %arg8[%add3A_160, %dma_wait3A_204] : memref<250x80xi32, #tpu.memory_space<vmem>> -> memref<1x80xi32, #tpu.memory_space<vmem>>
      %dma_wait3A_206 = tpu.memref_squeeze %dma_wait3A_205 : memref<1x80xi32, #tpu.memory_space<vmem>> -> memref<80xi32, #tpu.memory_space<vmem>>
      %dma_wait3A_207 = arith.constant 0 : i32
      %dma_wait3A_208 = arith.constant 0 : i32
      %dma_wait3A_209 = tpu.memref_slice %arg11[%dma_wait3A_207, %dma_wait3A_208] : memref<5128x128xf32, #tpu.memory_space<vmem_shared>> -> memref<5128x128xf32, #tpu.memory_space<vmem_shared>>
      tpu.wait_indirect_dma semaphore(%arg15 : memref<!tpu.dma_semaphore, #tpu.memory_space<semaphore_mem>>) src(%arg10 : memref<80x128xf32, #tpu.memory_space<vmem>>) dst(%dma_wait3A_209 : memref<5128x128xf32, #tpu.memory_space<vmem_shared>>)
      %add3A_210 = arith.constant 2 : i32
      %add3A_211 = arith.addi %add3A_160, %add3A_210 : i32
      %dma_start3A_212 = arith.constant 0 : i32
      %dma_start3A_213 = tpu.memref_slice %arg7[%add3A_211, %dma_start3A_212] : memref<252x80xi32, #tpu.memory_space<vmem>> -> memref<1x80xi32, #tpu.memory_space<vmem>>
      %dma_start3A_214 = tpu.memref_squeeze %dma_start3A_213 : memref<1x80xi32, #tpu.memory_space<vmem>> -> memref<80xi32, #tpu.memory_space<vmem>>
      %dma_start3A_215 = arith.constant 0 : i32
      %dma_start3A_216 = arith.constant 0 : i32
      %dma_start3A_217 = tpu.memref_slice %arg2[%dma_start3A_215, %dma_start3A_216] : memref<20000x128xf32, #tpu.memory_space<hbm>> -> memref<20000x128xf32, #tpu.memory_space<hbm>>
      tpu.enqueue_indirect_dma source(%dma_start3A_217 : memref<20000x128xf32, #tpu.memory_space<hbm>>) target(%arg10 : memref<80x128xf32, #tpu.memory_space<vmem>>) offsets(%dma_start3A_214 : memref<80xi32, #tpu.memory_space<vmem>>) semaphore(%arg13 : memref<!tpu.dma_semaphore, #tpu.memory_space<semaphore_mem>>)
    }
    %scan3A_120 = arith.constant 124 : i32
    %dma_wait3A_121 = arith.constant 249 : i32
    %dma_wait3A_122 = arith.constant 0 : i32
    %dma_wait3A_123 = tpu.memref_slice %arg7[%dma_wait3A_121, %dma_wait3A_122] : memref<252x80xi32, #tpu.memory_space<vmem>> -> memref<1x80xi32, #tpu.memory_space<vmem>>
    %dma_wait3A_124 = tpu.memref_squeeze %dma_wait3A_123 : memref<1x80xi32, #tpu.memory_space<vmem>> -> memref<80xi32, #tpu.memory_space<vmem>>
    %dma_wait3A_125 = arith.constant 0 : i32
    %dma_wait3A_126 = arith.constant 0 : i32
    %dma_wait3A_127 = tpu.memref_slice %arg2[%dma_wait3A_125, %dma_wait3A_126] : memref<20000x128xf32, #tpu.memory_space<hbm>> -> memref<20000x128xf32, #tpu.memory_space<hbm>>
    tpu.wait_indirect_dma semaphore(%arg13 : memref<!tpu.dma_semaphore, #tpu.memory_space<semaphore_mem>>) src(%dma_wait3A_127 : memref<20000x128xf32, #tpu.memory_space<hbm>>) dst(%arg10 : memref<80x128xf32, #tpu.memory_space<vmem>>)
    %dma_start3A_128 = arith.constant 249 : i32
    %dma_start3A_129 = arith.constant 0 : i32
    %dma_start3A_130 = tpu.memref_slice %arg8[%dma_start3A_128, %dma_start3A_129] : memref<250x80xi32, #tpu.memory_space<vmem>> -> memref<1x80xi32, #tpu.memory_space<vmem>>
    %dma_start3A_131 = tpu.memref_squeeze %dma_start3A_130 : memref<1x80xi32, #tpu.memory_space<vmem>> -> memref<80xi32, #tpu.memory_space<vmem>>
    %dma_start3A_132 = arith.constant 0 : i32
    %dma_start3A_133 = arith.constant 0 : i32
    %dma_start3A_134 = tpu.memref_slice %arg11[%dma_start3A_132, %dma_start3A_133] : memref<5128x128xf32, #tpu.memory_space<vmem_shared>> -> memref<5128x128xf32, #tpu.memory_space<vmem_shared>>
    tpu.enqueue_indirect_dma source(%arg10 : memref<80x128xf32, #tpu.memory_space<vmem>>) target(%dma_start3A_134 : memref<5128x128xf32, #tpu.memory_space<vmem_shared>>) offsets(%dma_start3A_131 : memref<80xi32, #tpu.memory_space<vmem>>) semaphore(%arg15 : memref<!tpu.dma_semaphore, #tpu.memory_space<semaphore_mem>>) {add = true}
    %dma_wait3A_135 = arith.constant 248 : i32
    %dma_wait3A_136 = arith.constant 0 : i32
    %dma_wait3A_137 = tpu.memref_slice %arg8[%dma_wait3A_135, %dma_wait3A_136] : memref<250x80xi32, #tpu.memory_space<vmem>> -> memref<1x80xi32, #tpu.memory_space<vmem>>
    %dma_wait3A_138 = tpu.memref_squeeze %dma_wait3A_137 : memref<1x80xi32, #tpu.memory_space<vmem>> -> memref<80xi32, #tpu.memory_space<vmem>>
    %dma_wait3A_139 = arith.constant 0 : i32
    %dma_wait3A_140 = arith.constant 0 : i32
    %dma_wait3A_141 = tpu.memref_slice %arg11[%dma_wait3A_139, %dma_wait3A_140] : memref<5128x128xf32, #tpu.memory_space<vmem_shared>> -> memref<5128x128xf32, #tpu.memory_space<vmem_shared>>
    tpu.wait_indirect_dma semaphore(%arg14 : memref<!tpu.dma_semaphore, #tpu.memory_space<semaphore_mem>>) src(%arg9 : memref<80x128xf32, #tpu.memory_space<vmem>>) dst(%dma_wait3A_141 : memref<5128x128xf32, #tpu.memory_space<vmem_shared>>)
    %dma_wait3A_142 = arith.constant 249 : i32
    %dma_wait3A_143 = arith.constant 0 : i32
    %dma_wait3A_144 = tpu.memref_slice %arg8[%dma_wait3A_142, %dma_wait3A_143] : memref<250x80xi32, #tpu.memory_space<vmem>> -> memref<1x80xi32, #tpu.memory_space<vmem>>
    %dma_wait3A_145 = tpu.memref_squeeze %dma_wait3A_144 : memref<1x80xi32, #tpu.memory_space<vmem>> -> memref<80xi32, #tpu.memory_space<vmem>>
    %dma_wait3A_146 = arith.constant 0 : i32
    %dma_wait3A_147 = arith.constant 0 : i32
    %dma_wait3A_148 = tpu.memref_slice %arg11[%dma_wait3A_146, %dma_wait3A_147] : memref<5128x128xf32, #tpu.memory_space<vmem_shared>> -> memref<5128x128xf32, #tpu.memory_space<vmem_shared>>
    tpu.wait_indirect_dma semaphore(%arg15 : memref<!tpu.dma_semaphore, #tpu.memory_space<semaphore_mem>>) src(%arg10 : memref<80x128xf32, #tpu.memory_space<vmem>>) dst(%dma_wait3A_148 : memref<5128x128xf32, #tpu.memory_space<vmem_shared>>)
    %barrier3A_149 = arith.constant 0 : index
    tpu.barrier barrier_id(%barrier3A_149)
    %mul3A_150 = arith.constant 320 : i32
    %mul3A_151 = arith.muli %arg1, %mul3A_150 : i32
    %multiple_of3A_152 = tpu.assume_multiple %mul3A_151, 8 : i32
    %add3A_153 = arith.constant 128 : i32
    %add3A_154 = arith.addi %add3A_153, %multiple_of3A_152 : i32
    "tpu.region"() ({
      %run_scoped3A_156 = tpu.sem_alloc : memref<!tpu.dma_semaphore, #tpu.memory_space<semaphore_mem>>
      %dma_start3A_157 = arith.constant 0 : i32
      %dma_start3A_158 = tpu.memref_slice %arg6[%arg0, %add3A_154, %dma_start3A_157] : memref<2x10240x128xf32, #tpu.memory_space<hbm>> -> memref<1x320x128xf32, #tpu.memory_space<hbm>>
      %dma_start3A_159 = tpu.memref_squeeze %dma_start3A_158 : memref<1x320x128xf32, #tpu.memory_space<hbm>> -> memref<320x128xf32, #tpu.memory_space<hbm>>
      %dma_start3A_160 = arith.constant 0 : i32
      %dma_start3A_161 = tpu.memref_slice %arg11[%multiple_of3A_152, %dma_start3A_160] : memref<5128x128xf32, #tpu.memory_space<vmem_shared>> -> memref<320x128xf32, #tpu.memory_space<vmem_shared>>
      tpu.enqueue_dma source(%dma_start3A_161 : memref<320x128xf32, #tpu.memory_space<vmem_shared>>) target(%dma_start3A_159 : memref<320x128xf32, #tpu.memory_space<hbm>>) target_semaphore(%run_scoped3A_156 : memref<!tpu.dma_semaphore, #tpu.memory_space<semaphore_mem>>)
      %dma_wait3A_162 = arith.constant 0 : i32
      %dma_wait3A_163 = tpu.memref_slice %arg6[%arg0, %add3A_154, %dma_wait3A_162] : memref<2x10240x128xf32, #tpu.memory_space<hbm>> -> memref<1x320x128xf32, #tpu.memory_space<hbm>>
      %dma_wait3A_164 = tpu.memref_squeeze %dma_wait3A_163 : memref<1x320x128xf32, #tpu.memory_space<hbm>> -> memref<320x128xf32, #tpu.memory_space<hbm>>
      %dma_wait3A_165 = arith.constant 0 : i32
      %dma_wait3A_166 = tpu.memref_slice %arg11[%multiple_of3A_152, %dma_wait3A_165] : memref<5128x128xf32, #tpu.memory_space<vmem_shared>> -> memref<320x128xf32, #tpu.memory_space<vmem_shared>>
      tpu.wait_dma2 semaphore(%run_scoped3A_156 : memref<!tpu.dma_semaphore, #tpu.memory_space<semaphore_mem>>) src(%dma_wait3A_166 : memref<320x128xf32, #tpu.memory_space<vmem_shared>>) dst(%dma_wait3A_164 : memref<320x128xf32, #tpu.memory_space<hbm>>)
      tpu.yield
    }) : () -> ()
    %barrier3A_155 = arith.constant 0 : index
    tpu.barrier barrier_id(%barrier3A_155)
    return
  }
}

module attributes {stable_mosaic.version = 14 : i64} {
  func.func @_prep_body(%arg0: i32, %arg1: memref<2000x128xf32, #tpu.memory_space<vmem>>, %arg2: memref<400x16xf32, #tpu.memory_space<vmem>>, %arg3: memref<2x2000x128xf32, #tpu.memory_space<vmem>>, %arg4: memref<160x256xf32, #tpu.memory_space<vmem>>, %arg5: memref<2x2000x128xf32, #tpu.memory_space<vmem>>) attributes {dimension_semantics = [#tpu.dimension_semantics<arbitrary>], iteration_bounds = array<i64: 5>, scalar_prefetch = 0 : i64, scratch_operands = 0 : i64, tpu.core_type = #tpu.core_type<tc>, window_params = [{transform_indices = @transform_0, window_bounds = array<i64: 2000, 128>}, {pipeline_mode = #tpu.pipeline_mode<synchronous>, transform_indices = @transform_1, window_bounds = array<i64: 400, 16>}, {transform_indices = @transform_2, window_bounds = array<i64: 2, 2000, 128>}, {pipeline_mode = #tpu.pipeline_mode<synchronous>, transform_indices = @transform_3, window_bounds = array<i64: 160, 256>}, {transform_indices = @transform_4, window_bounds = array<i64: 2, 2000, 128>}]} {
    %get3A = arith.constant 0 : index
    %get3A_0 = arith.constant 0 : index
    %get3A_1 = vector.load %arg1[%get3A, %get3A_0] : memref<2000x128xf32, #tpu.memory_space<vmem>>, vector<2000x128xf32>
    %slice3A = vector.extract_strided_slice %get3A_1 {offsets = [0, 0], sizes = [2000, 1], strides = [1, 1]} : vector<2000x128xf32> to vector<2000x1xf32>
    %squeeze3A = vector.shape_cast %slice3A : vector<2000x1xf32> to vector<2000xf32>
    %convert_element_type3A = arith.fptosi %squeeze3A : vector<2000xf32> to vector<2000xi32>
    %jit3A = arith.constant 0 : i32
    %jit3A_2 = arith.constant 399 : i32
    %max3A = vector.broadcast %jit3A : i32 to vector<2000xi32>
    %max3A_3 = arith.maxsi %max3A, %convert_element_type3A : vector<2000xi32>
    %min3A = vector.broadcast %jit3A_2 : i32 to vector<2000xi32>
    %min3A_4 = arith.minsi %min3A, %max3A_3 : vector<2000xi32>
    %broadcast_in_dim3A = vector.shape_cast %min3A_4 : vector<2000xi32> to vector<2000x1xi32>
    %iota3A = tpu.iota {dimensions = array<i32: 1>} : vector<2000x400xi32>
    %eq3A = vector.broadcast %broadcast_in_dim3A : vector<2000x1xi32> to vector<2000x400xi32>
    %eq3A_5 = arith.cmpi eq, %eq3A, %iota3A : vector<2000x400xi32>
    %convert_element_type3A_6 = arith.extui %eq3A_5 : vector<2000x400xi1> to vector<2000x400xi32>
    %convert_element_type3A_7 = arith.sitofp %convert_element_type3A_6 : vector<2000x400xi32> to vector<2000x400xf32>
    %get3A_8 = arith.constant 0 : index
    %get3A_9 = arith.constant 0 : index
    %get3A_10 = vector.load %arg2[%get3A_8, %get3A_9] : memref<400x16xf32, #tpu.memory_space<vmem>>, vector<400x16xf32>
    %dot_general3A = arith.constant dense<0.000000e+00> : vector<2000x16xf32>
    %dot_general3A_11 = tpu.matmul %convert_element_type3A_7, %get3A_10, %dot_general3A {dimension_numbers = #tpu.dot_dimension_numbers<[1], [0], [0], [1], [0, 0, 1, 1], [], []>, transpose_lhs_hint = false} : vector<2000x400xf32>, vector<400x16xf32>, vector<2000x16xf32> -> vector<2000x16xf32>
    %get3A_12 = arith.constant 0 : index
    %get3A_13 = arith.constant 0 : index
    %get3A_14 = arith.constant 0 : index
    %get3A_15 = vector.load %arg3[%get3A_12, %get3A_13, %get3A_14] : memref<2x2000x128xf32, #tpu.memory_space<vmem>>, vector<1x2000x1xf32>
    %get3A_16 = vector.shape_cast %get3A_15 : vector<1x2000x1xf32> to vector<2000xf32>
    %get3A_17 = arith.constant 1 : index
    %get3A_18 = arith.constant 0 : index
    %get3A_19 = arith.constant 0 : index
    %get3A_20 = vector.load %arg3[%get3A_17, %get3A_18, %get3A_19] : memref<2x2000x128xf32, #tpu.memory_space<vmem>>, vector<1x2000x1xf32>
    %get3A_21 = vector.shape_cast %get3A_20 : vector<1x2000x1xf32> to vector<2000xf32>
    %add3A = arith.addf %get3A_16, %get3A_21 : vector<2000xf32>
    %add3A_22 = arith.constant 1.000000e+00 : f32
    %add3A_23 = vector.broadcast %add3A_22 : f32 to vector<2000xf32>
    %add3A_24 = arith.addf %add3A, %add3A_23 : vector<2000xf32>
    %rsqrt3A = math.rsqrt %add3A_24 : vector<2000xf32>
    %broadcast_in_dim3A_25 = vector.shape_cast %rsqrt3A : vector<2000xf32> to vector<2000x1xf32>
    %broadcast_in_dim3A_26 = arith.constant 0.000000e+00 : f32
    %broadcast_in_dim3A_27 = vector.broadcast %broadcast_in_dim3A_26 : f32 to vector<2000x16xf32>
    %concatenate3A = tpu.concatenate %get3A_1, %dot_general3A_11, %broadcast_in_dim3A_27 in 1 : vector<2000x128xf32>, vector<2000x16xf32>, vector<2000x16xf32> -> vector<2000x160xf32>
    %get3A_28 = arith.constant 0 : index
    %get3A_29 = arith.constant 0 : index
    %get3A_30 = vector.load %arg4[%get3A_28, %get3A_29] : memref<160x256xf32, #tpu.memory_space<vmem>>, vector<160x256xf32>
    %dot_general3A_31 = arith.constant dense<0.000000e+00> : vector<2000x256xf32>
    %dot_general3A_32 = tpu.matmul %concatenate3A, %get3A_30, %dot_general3A_31 {dimension_numbers = #tpu.dot_dimension_numbers<[1], [0], [0], [1], [0, 0, 1, 1], [], []>, transpose_lhs_hint = false} : vector<2000x160xf32>, vector<160x256xf32>, vector<2000x256xf32> -> vector<2000x256xf32>
    %mul3A = vector.broadcast %broadcast_in_dim3A_25 : vector<2000x1xf32> to vector<2000x256xf32>
    %mul3A_33 = arith.mulf %dot_general3A_32, %mul3A : vector<2000x256xf32>
    %slice3A_34 = vector.extract_strided_slice %mul3A_33 {offsets = [0, 0], sizes = [2000, 128], strides = [1, 1]} : vector<2000x256xf32> to vector<2000x128xf32>
    %swap3A = arith.constant 0 : index
    %swap3A_35 = arith.constant 0 : index
    %swap3A_36 = arith.constant 0 : index
    %swap3A_37 = vector.load %arg5[%swap3A, %swap3A_35, %swap3A_36] : memref<2x2000x128xf32, #tpu.memory_space<vmem>>, vector<1x2000x128xf32>
    %swap3A_38 = vector.shape_cast %swap3A_37 : vector<1x2000x128xf32> to vector<2000x128xf32>
    %swap3A_39 = vector.shape_cast %slice3A_34 : vector<2000x128xf32> to vector<1x2000x128xf32>
    tpu.vector_store %arg5[%swap3A, %swap3A_35, %swap3A_36], %swap3A_39 {strides = array<i32>} : memref<2x2000x128xf32, #tpu.memory_space<vmem>>, vector<1x2000x128xf32>,
    %slice3A_40 = vector.extract_strided_slice %mul3A_33 {offsets = [0, 128], sizes = [2000, 128], strides = [1, 1]} : vector<2000x256xf32> to vector<2000x128xf32>
    %swap3A_41 = arith.constant 1 : index
    %swap3A_42 = arith.constant 0 : index
    %swap3A_43 = arith.constant 0 : index
    %swap3A_44 = vector.load %arg5[%swap3A_41, %swap3A_42, %swap3A_43] : memref<2x2000x128xf32, #tpu.memory_space<vmem>>, vector<1x2000x128xf32>
    %swap3A_45 = vector.shape_cast %swap3A_44 : vector<1x2000x128xf32> to vector<2000x128xf32>
    %swap3A_46 = vector.shape_cast %slice3A_40 : vector<2000x128xf32> to vector<1x2000x128xf32>
    tpu.vector_store %arg5[%swap3A_41, %swap3A_42, %swap3A_43], %swap3A_46 {strides = array<i32>} : memref<2x2000x128xf32, #tpu.memory_space<vmem>>, vector<1x2000x128xf32>,
    return
  }
  func.func @transform_0(%arg0: i32) -> (i32, i32) {
    %c0_i32 = arith.constant 0 : i32
    %c0_i32_0 = arith.constant 0 : i32
    return %arg0, %c0_i32 : i32, i32
  }
  func.func @transform_1(%arg0: i32) -> (i32, i32) {
    %c0_i32 = arith.constant 0 : i32
    %c0_i32_0 = arith.constant 0 : i32
    %c0_i32_1 = arith.constant 0 : i32
    return %c0_i32, %c0_i32_0 : i32, i32
  }
  func.func @transform_2(%arg0: i32) -> (i32, i32, i32) {
    %c0_i32 = arith.constant 0 : i32
    %c0_i32_0 = arith.constant 0 : i32
    %c0_i32_1 = arith.constant 0 : i32
    return %c0_i32, %arg0, %c0_i32_0 : i32, i32, i32
  }
  func.func @transform_3(%arg0: i32) -> (i32, i32) {
    %c0_i32 = arith.constant 0 : i32
    %c0_i32_0 = arith.constant 0 : i32
    %c0_i32_1 = arith.constant 0 : i32
    return %c0_i32, %c0_i32_0 : i32, i32
  }
  func.func @transform_4(%arg0: i32) -> (i32, i32, i32) {
    %c0_i32 = arith.constant 0 : i32
    %c0_i32_0 = arith.constant 0 : i32
    %c0_i32_1 = arith.constant 0 : i32
    return %c0_i32, %arg0, %c0_i32_0 : i32, i32, i32
  }
}

module attributes {stable_mosaic.version = 14 : i64} {
  func.func @_mid_body(%arg0: i32, %arg1: memref<2x2000x128xf32, #tpu.memory_space<vmem>>, %arg2: memref<2x2000x128xf32, #tpu.memory_space<vmem>>, %arg3: memref<2x2000x128xf32, #tpu.memory_space<vmem>>, %arg4: memref<1x256xf32, #tpu.memory_space<vmem>>, %arg5: memref<1x256xf32, #tpu.memory_space<vmem>>, %arg6: memref<1x256xf32, #tpu.memory_space<vmem>>, %arg7: memref<256x256xf32, #tpu.memory_space<vmem>>, %arg8: memref<2x2000x128xf32, #tpu.memory_space<vmem>>) attributes {dimension_semantics = [#tpu.dimension_semantics<arbitrary>], iteration_bounds = array<i64: 5>, scalar_prefetch = 0 : i64, scratch_operands = 0 : i64, tpu.core_type = #tpu.core_type<tc>, window_params = [{transform_indices = @transform_0, window_bounds = array<i64: 2, 2000, 128>}, {transform_indices = @transform_1, window_bounds = array<i64: 2, 2000, 128>}, {transform_indices = @transform_2, window_bounds = array<i64: 2, 2000, 128>}, {pipeline_mode = #tpu.pipeline_mode<synchronous>, transform_indices = @transform_3, window_bounds = array<i64: 1, 256>}, {pipeline_mode = #tpu.pipeline_mode<synchronous>, transform_indices = @transform_4, window_bounds = array<i64: 1, 256>}, {pipeline_mode = #tpu.pipeline_mode<synchronous>, transform_indices = @transform_5, window_bounds = array<i64: 1, 256>}, {pipeline_mode = #tpu.pipeline_mode<synchronous>, transform_indices = @transform_6, window_bounds = array<i64: 256, 256>}, {transform_indices = @transform_7, window_bounds = array<i64: 2, 2000, 128>}]} {
    %get3A = arith.constant 0 : index
    %get3A_0 = arith.constant 0 : index
    %get3A_1 = arith.constant 0 : index
    %get3A_2 = vector.load %arg3[%get3A, %get3A_0, %get3A_1] : memref<2x2000x128xf32, #tpu.memory_space<vmem>>, vector<1x2000x1xf32>
    %get3A_3 = vector.shape_cast %get3A_2 : vector<1x2000x1xf32> to vector<2000xf32>
    %get3A_4 = arith.constant 1 : index
    %get3A_5 = arith.constant 0 : index
    %get3A_6 = arith.constant 0 : index
    %get3A_7 = vector.load %arg3[%get3A_4, %get3A_5, %get3A_6] : memref<2x2000x128xf32, #tpu.memory_space<vmem>>, vector<1x2000x1xf32>
    %get3A_8 = vector.shape_cast %get3A_7 : vector<1x2000x1xf32> to vector<2000xf32>
    %add3A = arith.addf %get3A_3, %get3A_8 : vector<2000xf32>
    %add3A_9 = arith.constant 1.000000e+00 : f32
    %add3A_10 = vector.broadcast %add3A_9 : f32 to vector<2000xf32>
    %add3A_11 = arith.addf %add3A, %add3A_10 : vector<2000xf32>
    %rsqrt3A = math.rsqrt %add3A_11 : vector<2000xf32>
    %broadcast_in_dim3A = vector.shape_cast %rsqrt3A : vector<2000xf32> to vector<2000x1xf32>
    %get3A_12 = arith.constant 0 : index
    %get3A_13 = arith.constant 0 : index
    %get3A_14 = arith.constant 0 : index
    %get3A_15 = vector.load %arg1[%get3A_12, %get3A_13, %get3A_14] : memref<2x2000x128xf32, #tpu.memory_space<vmem>>, vector<1x2000x128xf32>
    %get3A_16 = vector.shape_cast %get3A_15 : vector<1x2000x128xf32> to vector<2000x128xf32>
    %get3A_17 = arith.constant 0 : index
    %get3A_18 = arith.constant 0 : index
    %get3A_19 = arith.constant 0 : index
    %get3A_20 = vector.load %arg2[%get3A_17, %get3A_18, %get3A_19] : memref<2x2000x128xf32, #tpu.memory_space<vmem>>, vector<1x2000x128xf32>
    %get3A_21 = vector.shape_cast %get3A_20 : vector<1x2000x128xf32> to vector<2000x128xf32>
    %add3A_22 = arith.addf %get3A_16, %get3A_21 : vector<2000x128xf32>
    %get3A_23 = arith.constant 1 : index
    %get3A_24 = arith.constant 0 : index
    %get3A_25 = arith.constant 0 : index
    %get3A_26 = vector.load %arg1[%get3A_23, %get3A_24, %get3A_25] : memref<2x2000x128xf32, #tpu.memory_space<vmem>>, vector<1x2000x128xf32>
    %get3A_27 = vector.shape_cast %get3A_26 : vector<1x2000x128xf32> to vector<2000x128xf32>
    %get3A_28 = arith.constant 1 : index
    %get3A_29 = arith.constant 0 : index
    %get3A_30 = arith.constant 0 : index
    %get3A_31 = vector.load %arg2[%get3A_28, %get3A_29, %get3A_30] : memref<2x2000x128xf32, #tpu.memory_space<vmem>>, vector<1x2000x128xf32>
    %get3A_32 = vector.shape_cast %get3A_31 : vector<1x2000x128xf32> to vector<2000x128xf32>
    %add3A_33 = arith.addf %get3A_27, %get3A_32 : vector<2000x128xf32>
    %concatenate3A = tpu.concatenate %add3A_22, %add3A_33 in 1 : vector<2000x128xf32>, vector<2000x128xf32> -> vector<2000x256xf32>
    %mul3A = vector.broadcast %broadcast_in_dim3A : vector<2000x1xf32> to vector<2000x256xf32>
    %mul3A_34 = arith.mulf %concatenate3A, %mul3A : vector<2000x256xf32>
    %get3A_35 = arith.constant 0 : index
    %get3A_36 = arith.constant 0 : index
    %get3A_37 = vector.load %arg4[%get3A_35, %get3A_36] : memref<1x256xf32, #tpu.memory_space<vmem>>, vector<1x256xf32>
    %add3A_38 = vector.broadcast %get3A_37 : vector<1x256xf32> to vector<2000x256xf32>
    %add3A_39 = arith.addf %mul3A_34, %add3A_38 : vector<2000x256xf32>
    %reduce_sum3A = arith.constant dense<0.000000e+00> : vector<2000xf32>
    %reduce_sum3A_40 = vector.multi_reduction <add>, %add3A_39, %reduce_sum3A [1] : vector<2000x256xf32> to vector<2000xf32>
    %broadcast_in_dim3A_41 = vector.shape_cast %reduce_sum3A_40 : vector<2000xf32> to vector<2000x1xf32>
    %div3A = arith.constant 2.560000e+02 : f32
    %div3A_42 = vector.broadcast %div3A : f32 to vector<2000x1xf32>
    %div3A_43 = arith.divf %broadcast_in_dim3A_41, %div3A_42 : vector<2000x1xf32>
    %sub3A = vector.broadcast %div3A_43 : vector<2000x1xf32> to vector<2000x256xf32>
    %sub3A_44 = arith.subf %add3A_39, %sub3A : vector<2000x256xf32>
    %sub3A_45 = vector.broadcast %div3A_43 : vector<2000x1xf32> to vector<2000x256xf32>
    %sub3A_46 = arith.subf %add3A_39, %sub3A_45 : vector<2000x256xf32>
    %mul3A_47 = arith.mulf %sub3A_44, %sub3A_46 : vector<2000x256xf32>
    %reduce_sum3A_48 = arith.constant dense<0.000000e+00> : vector<2000xf32>
    %reduce_sum3A_49 = vector.multi_reduction <add>, %mul3A_47, %reduce_sum3A_48 [1] : vector<2000x256xf32> to vector<2000xf32>
    %broadcast_in_dim3A_50 = vector.shape_cast %reduce_sum3A_49 : vector<2000xf32> to vector<2000x1xf32>
    %div3A_51 = arith.constant 2.560000e+02 : f32
    %div3A_52 = vector.broadcast %div3A_51 : f32 to vector<2000x1xf32>
    %div3A_53 = arith.divf %broadcast_in_dim3A_50, %div3A_52 : vector<2000x1xf32>
    %sub3A_54 = vector.broadcast %div3A_43 : vector<2000x1xf32> to vector<2000x256xf32>
    %sub3A_55 = arith.subf %add3A_39, %sub3A_54 : vector<2000x256xf32>
    %add3A_56 = arith.constant 9.99999974E-6 : f32
    %add3A_57 = vector.broadcast %add3A_56 : f32 to vector<2000x1xf32>
    %add3A_58 = arith.addf %div3A_53, %add3A_57 : vector<2000x1xf32>
    %sqrt3A = math.sqrt %add3A_58 : vector<2000x1xf32>
    %div3A_59 = vector.broadcast %sqrt3A : vector<2000x1xf32> to vector<2000x256xf32>
    %div3A_60 = arith.divf %sub3A_55, %div3A_59 : vector<2000x256xf32>
    %get3A_61 = arith.constant 0 : index
    %get3A_62 = arith.constant 0 : index
    %get3A_63 = vector.load %arg5[%get3A_61, %get3A_62] : memref<1x256xf32, #tpu.memory_space<vmem>>, vector<1x256xf32>
    %mul3A_64 = vector.broadcast %get3A_63 : vector<1x256xf32> to vector<2000x256xf32>
    %mul3A_65 = arith.mulf %div3A_60, %mul3A_64 : vector<2000x256xf32>
    %get3A_66 = arith.constant 0 : index
    %get3A_67 = arith.constant 0 : index
    %get3A_68 = vector.load %arg6[%get3A_66, %get3A_67] : memref<1x256xf32, #tpu.memory_space<vmem>>, vector<1x256xf32>
    %add3A_69 = vector.broadcast %get3A_68 : vector<1x256xf32> to vector<2000x256xf32>
    %add3A_70 = arith.addf %mul3A_65, %add3A_69 : vector<2000x256xf32>
    %max3A = arith.constant 0.000000e+00 : f32
    %max3A_71 = vector.broadcast %max3A : f32 to vector<2000x256xf32>
    %max3A_72 = arith.maximumf %add3A_70, %max3A_71 : vector<2000x256xf32>
    %get3A_73 = arith.constant 0 : index
    %get3A_74 = arith.constant 0 : index
    %get3A_75 = vector.load %arg7[%get3A_73, %get3A_74] : memref<256x256xf32, #tpu.memory_space<vmem>>, vector<256x256xf32>
    %dot_general3A = arith.constant dense<0.000000e+00> : vector<2000x256xf32>
    %dot_general3A_76 = tpu.matmul %max3A_72, %get3A_75, %dot_general3A {dimension_numbers = #tpu.dot_dimension_numbers<[1], [0], [0], [1], [0, 0, 1, 1], [], []>, transpose_lhs_hint = false} : vector<2000x256xf32>, vector<256x256xf32>, vector<2000x256xf32> -> vector<2000x256xf32>
    %mul3A_77 = vector.broadcast %broadcast_in_dim3A : vector<2000x1xf32> to vector<2000x256xf32>
    %mul3A_78 = arith.mulf %dot_general3A_76, %mul3A_77 : vector<2000x256xf32>
    %slice3A = vector.extract_strided_slice %mul3A_78 {offsets = [0, 0], sizes = [2000, 128], strides = [1, 1]} : vector<2000x256xf32> to vector<2000x128xf32>
    %swap3A = arith.constant 0 : index
    %swap3A_79 = arith.constant 0 : index
    %swap3A_80 = arith.constant 0 : index
    %swap3A_81 = vector.load %arg8[%swap3A, %swap3A_79, %swap3A_80] : memref<2x2000x128xf32, #tpu.memory_space<vmem>>, vector<1x2000x128xf32>
    %swap3A_82 = vector.shape_cast %swap3A_81 : vector<1x2000x128xf32> to vector<2000x128xf32>
    %swap3A_83 = vector.shape_cast %slice3A : vector<2000x128xf32> to vector<1x2000x128xf32>
    tpu.vector_store %arg8[%swap3A, %swap3A_79, %swap3A_80], %swap3A_83 {strides = array<i32>} : memref<2x2000x128xf32, #tpu.memory_space<vmem>>, vector<1x2000x128xf32>,
    %slice3A_84 = vector.extract_strided_slice %mul3A_78 {offsets = [0, 128], sizes = [2000, 128], strides = [1, 1]} : vector<2000x256xf32> to vector<2000x128xf32>
    %swap3A_85 = arith.constant 1 : index
    %swap3A_86 = arith.constant 0 : index
    %swap3A_87 = arith.constant 0 : index
    %swap3A_88 = vector.load %arg8[%swap3A_85, %swap3A_86, %swap3A_87] : memref<2x2000x128xf32, #tpu.memory_space<vmem>>, vector<1x2000x128xf32>
    %swap3A_89 = vector.shape_cast %swap3A_88 : vector<1x2000x128xf32> to vector<2000x128xf32>
    %swap3A_90 = vector.shape_cast %slice3A_84 : vector<2000x128xf32> to vector<1x2000x128xf32>
    tpu.vector_store %arg8[%swap3A_85, %swap3A_86, %swap3A_87], %swap3A_90 {strides = array<i32>} : memref<2x2000x128xf32, #tpu.memory_space<vmem>>, vector<1x2000x128xf32>,
    return
  }
  func.func @transform_0(%arg0: i32) -> (i32, i32, i32) {
    %c0_i32 = arith.constant 0 : i32
    %c0_i32_0 = arith.constant 0 : i32
    %c0_i32_1 = arith.constant 0 : i32
    return %c0_i32, %arg0, %c0_i32_0 : i32, i32, i32
  }
  func.func @transform_1(%arg0: i32) -> (i32, i32, i32) {
    %c0_i32 = arith.constant 0 : i32
    %c0_i32_0 = arith.constant 0 : i32
    %c0_i32_1 = arith.constant 0 : i32
    return %c0_i32, %arg0, %c0_i32_0 : i32, i32, i32
  }
  func.func @transform_2(%arg0: i32) -> (i32, i32, i32) {
    %c0_i32 = arith.constant 0 : i32
    %c0_i32_0 = arith.constant 0 : i32
    %c0_i32_1 = arith.constant 0 : i32
    return %c0_i32, %arg0, %c0_i32_0 : i32, i32, i32
  }
  func.func @transform_3(%arg0: i32) -> (i32, i32) {
    %c0_i32 = arith.constant 0 : i32
    %c0_i32_0 = arith.constant 0 : i32
    %c0_i32_1 = arith.constant 0 : i32
    return %c0_i32, %c0_i32_0 : i32, i32
  }
  func.func @transform_4(%arg0: i32) -> (i32, i32) {
    %c0_i32 = arith.constant 0 : i32
    %c0_i32_0 = arith.constant 0 : i32
    %c0_i32_1 = arith.constant 0 : i32
    return %c0_i32, %c0_i32_0 : i32, i32
  }
  func.func @transform_5(%arg0: i32) -> (i32, i32) {
    %c0_i32 = arith.constant 0 : i32
    %c0_i32_0 = arith.constant 0 : i32
    %c0_i32_1 = arith.constant 0 : i32
    return %c0_i32, %c0_i32_0 : i32, i32
  }
  func.func @transform_6(%arg0: i32) -> (i32, i32) {
    %c0_i32 = arith.constant 0 : i32
    %c0_i32_0 = arith.constant 0 : i32
    %c0_i32_1 = arith.constant 0 : i32
    return %c0_i32, %c0_i32_0 : i32, i32
  }
  func.func @transform_7(%arg0: i32) -> (i32, i32, i32) {
    %c0_i32 = arith.constant 0 : i32
    %c0_i32_0 = arith.constant 0 : i32
    %c0_i32_1 = arith.constant 0 : i32
    return %c0_i32, %arg0, %c0_i32_0 : i32, i32, i32
  }
}

module attributes {stable_mosaic.version = 14 : i64} {
  func.func @_h2_body(%arg0: i32, %arg1: memref<2x2000x128xf32, #tpu.memory_space<vmem>>, %arg2: memref<2x2000x128xf32, #tpu.memory_space<vmem>>, %arg3: memref<2x2000x128xf32, #tpu.memory_space<vmem>>, %arg4: memref<1x256xf32, #tpu.memory_space<vmem>>, %arg5: memref<1x256xf32, #tpu.memory_space<vmem>>, %arg6: memref<1x256xf32, #tpu.memory_space<vmem>>, %arg7: memref<256x128xf32, #tpu.memory_space<vmem>>, %arg8: memref<1x128xf32, #tpu.memory_space<vmem>>, %arg9: memref<128x1xf32, #tpu.memory_space<vmem>>, %arg10: memref<1x1xf32, #tpu.memory_space<vmem>>, %arg11: memref<2000x256xf32, #tpu.memory_space<vmem>>, %arg12: memref<2000x1xf32, #tpu.memory_space<vmem>>) attributes {dimension_semantics = [#tpu.dimension_semantics<arbitrary>], iteration_bounds = array<i64: 5>, scalar_prefetch = 0 : i64, scratch_operands = 0 : i64, tpu.core_type = #tpu.core_type<tc>, window_params = [{transform_indices = @transform_0, window_bounds = array<i64: 2, 2000, 128>}, {transform_indices = @transform_1, window_bounds = array<i64: 2, 2000, 128>}, {transform_indices = @transform_2, window_bounds = array<i64: 2, 2000, 128>}, {pipeline_mode = #tpu.pipeline_mode<synchronous>, transform_indices = @transform_3, window_bounds = array<i64: 1, 256>}, {pipeline_mode = #tpu.pipeline_mode<synchronous>, transform_indices = @transform_4, window_bounds = array<i64: 1, 256>}, {pipeline_mode = #tpu.pipeline_mode<synchronous>, transform_indices = @transform_5, window_bounds = array<i64: 1, 256>}, {pipeline_mode = #tpu.pipeline_mode<synchronous>, transform_indices = @transform_6, window_bounds = array<i64: 256, 128>}, {pipeline_mode = #tpu.pipeline_mode<synchronous>, transform_indices = @transform_7, window_bounds = array<i64: 1, 128>}, {pipeline_mode = #tpu.pipeline_mode<synchronous>, transform_indices = @transform_8, window_bounds = array<i64: 128, 1>}, {pipeline_mode = #tpu.pipeline_mode<synchronous>, transform_indices = @transform_9, window_bounds = array<i64: 1, 1>}, {transform_indices = @transform_10, window_bounds = array<i64: 2000, 256>}, {transform_indices = @transform_11, window_bounds = array<i64: 2000, 1>}]} {
    %get3A = arith.constant 0 : index
    %get3A_0 = arith.constant 0 : index
    %get3A_1 = arith.constant 0 : index
    %get3A_2 = vector.load %arg3[%get3A, %get3A_0, %get3A_1] : memref<2x2000x128xf32, #tpu.memory_space<vmem>>, vector<1x2000x1xf32>
    %get3A_3 = vector.shape_cast %get3A_2 : vector<1x2000x1xf32> to vector<2000xf32>
    %get3A_4 = arith.constant 1 : index
    %get3A_5 = arith.constant 0 : index
    %get3A_6 = arith.constant 0 : index
    %get3A_7 = vector.load %arg3[%get3A_4, %get3A_5, %get3A_6] : memref<2x2000x128xf32, #tpu.memory_space<vmem>>, vector<1x2000x1xf32>
    %get3A_8 = vector.shape_cast %get3A_7 : vector<1x2000x1xf32> to vector<2000xf32>
    %add3A = arith.addf %get3A_3, %get3A_8 : vector<2000xf32>
    %add3A_9 = arith.constant 1.000000e+00 : f32
    %add3A_10 = vector.broadcast %add3A_9 : f32 to vector<2000xf32>
    %add3A_11 = arith.addf %add3A, %add3A_10 : vector<2000xf32>
    %rsqrt3A = math.rsqrt %add3A_11 : vector<2000xf32>
    %broadcast_in_dim3A = vector.shape_cast %rsqrt3A : vector<2000xf32> to vector<2000x1xf32>
    %get3A_12 = arith.constant 0 : index
    %get3A_13 = arith.constant 0 : index
    %get3A_14 = arith.constant 0 : index
    %get3A_15 = vector.load %arg1[%get3A_12, %get3A_13, %get3A_14] : memref<2x2000x128xf32, #tpu.memory_space<vmem>>, vector<1x2000x128xf32>
    %get3A_16 = vector.shape_cast %get3A_15 : vector<1x2000x128xf32> to vector<2000x128xf32>
    %get3A_17 = arith.constant 0 : index
    %get3A_18 = arith.constant 0 : index
    %get3A_19 = arith.constant 0 : index
    %get3A_20 = vector.load %arg2[%get3A_17, %get3A_18, %get3A_19] : memref<2x2000x128xf32, #tpu.memory_space<vmem>>, vector<1x2000x128xf32>
    %get3A_21 = vector.shape_cast %get3A_20 : vector<1x2000x128xf32> to vector<2000x128xf32>
    %add3A_22 = arith.addf %get3A_16, %get3A_21 : vector<2000x128xf32>
    %get3A_23 = arith.constant 1 : index
    %get3A_24 = arith.constant 0 : index
    %get3A_25 = arith.constant 0 : index
    %get3A_26 = vector.load %arg1[%get3A_23, %get3A_24, %get3A_25] : memref<2x2000x128xf32, #tpu.memory_space<vmem>>, vector<1x2000x128xf32>
    %get3A_27 = vector.shape_cast %get3A_26 : vector<1x2000x128xf32> to vector<2000x128xf32>
    %get3A_28 = arith.constant 1 : index
    %get3A_29 = arith.constant 0 : index
    %get3A_30 = arith.constant 0 : index
    %get3A_31 = vector.load %arg2[%get3A_28, %get3A_29, %get3A_30] : memref<2x2000x128xf32, #tpu.memory_space<vmem>>, vector<1x2000x128xf32>
    %get3A_32 = vector.shape_cast %get3A_31 : vector<1x2000x128xf32> to vector<2000x128xf32>
    %add3A_33 = arith.addf %get3A_27, %get3A_32 : vector<2000x128xf32>
    %concatenate3A = tpu.concatenate %add3A_22, %add3A_33 in 1 : vector<2000x128xf32>, vector<2000x128xf32> -> vector<2000x256xf32>
    %mul3A = vector.broadcast %broadcast_in_dim3A : vector<2000x1xf32> to vector<2000x256xf32>
    %mul3A_34 = arith.mulf %concatenate3A, %mul3A : vector<2000x256xf32>
    %get3A_35 = arith.constant 0 : index
    %get3A_36 = arith.constant 0 : index
    %get3A_37 = vector.load %arg4[%get3A_35, %get3A_36] : memref<1x256xf32, #tpu.memory_space<vmem>>, vector<1x256xf32>
    %add3A_38 = vector.broadcast %get3A_37 : vector<1x256xf32> to vector<2000x256xf32>
    %add3A_39 = arith.addf %mul3A_34, %add3A_38 : vector<2000x256xf32>
    %reduce_sum3A = arith.constant dense<0.000000e+00> : vector<2000xf32>
    %reduce_sum3A_40 = vector.multi_reduction <add>, %add3A_39, %reduce_sum3A [1] : vector<2000x256xf32> to vector<2000xf32>
    %broadcast_in_dim3A_41 = vector.shape_cast %reduce_sum3A_40 : vector<2000xf32> to vector<2000x1xf32>
    %div3A = arith.constant 2.560000e+02 : f32
    %div3A_42 = vector.broadcast %div3A : f32 to vector<2000x1xf32>
    %div3A_43 = arith.divf %broadcast_in_dim3A_41, %div3A_42 : vector<2000x1xf32>
    %sub3A = vector.broadcast %div3A_43 : vector<2000x1xf32> to vector<2000x256xf32>
    %sub3A_44 = arith.subf %add3A_39, %sub3A : vector<2000x256xf32>
    %sub3A_45 = vector.broadcast %div3A_43 : vector<2000x1xf32> to vector<2000x256xf32>
    %sub3A_46 = arith.subf %add3A_39, %sub3A_45 : vector<2000x256xf32>
    %mul3A_47 = arith.mulf %sub3A_44, %sub3A_46 : vector<2000x256xf32>
    %reduce_sum3A_48 = arith.constant dense<0.000000e+00> : vector<2000xf32>
    %reduce_sum3A_49 = vector.multi_reduction <add>, %mul3A_47, %reduce_sum3A_48 [1] : vector<2000x256xf32> to vector<2000xf32>
    %broadcast_in_dim3A_50 = vector.shape_cast %reduce_sum3A_49 : vector<2000xf32> to vector<2000x1xf32>
    %div3A_51 = arith.constant 2.560000e+02 : f32
    %div3A_52 = vector.broadcast %div3A_51 : f32 to vector<2000x1xf32>
    %div3A_53 = arith.divf %broadcast_in_dim3A_50, %div3A_52 : vector<2000x1xf32>
    %sub3A_54 = vector.broadcast %div3A_43 : vector<2000x1xf32> to vector<2000x256xf32>
    %sub3A_55 = arith.subf %add3A_39, %sub3A_54 : vector<2000x256xf32>
    %add3A_56 = arith.constant 9.99999974E-6 : f32
    %add3A_57 = vector.broadcast %add3A_56 : f32 to vector<2000x1xf32>
    %add3A_58 = arith.addf %div3A_53, %add3A_57 : vector<2000x1xf32>
    %sqrt3A = math.sqrt %add3A_58 : vector<2000x1xf32>
    %div3A_59 = vector.broadcast %sqrt3A : vector<2000x1xf32> to vector<2000x256xf32>
    %div3A_60 = arith.divf %sub3A_55, %div3A_59 : vector<2000x256xf32>
    %get3A_61 = arith.constant 0 : index
    %get3A_62 = arith.constant 0 : index
    %get3A_63 = vector.load %arg5[%get3A_61, %get3A_62] : memref<1x256xf32, #tpu.memory_space<vmem>>, vector<1x256xf32>
    %mul3A_64 = vector.broadcast %get3A_63 : vector<1x256xf32> to vector<2000x256xf32>
    %mul3A_65 = arith.mulf %div3A_60, %mul3A_64 : vector<2000x256xf32>
    %get3A_66 = arith.constant 0 : index
    %get3A_67 = arith.constant 0 : index
    %get3A_68 = vector.load %arg6[%get3A_66, %get3A_67] : memref<1x256xf32, #tpu.memory_space<vmem>>, vector<1x256xf32>
    %add3A_69 = vector.broadcast %get3A_68 : vector<1x256xf32> to vector<2000x256xf32>
    %add3A_70 = arith.addf %mul3A_65, %add3A_69 : vector<2000x256xf32>
    %max3A = arith.constant 0.000000e+00 : f32
    %max3A_71 = vector.broadcast %max3A : f32 to vector<2000x256xf32>
    %max3A_72 = arith.maximumf %add3A_70, %max3A_71 : vector<2000x256xf32>
    %swap3A = arith.constant 0 : index
    %swap3A_73 = arith.constant 0 : index
    %swap3A_74 = vector.load %arg11[%swap3A, %swap3A_73] : memref<2000x256xf32, #tpu.memory_space<vmem>>, vector<2000x256xf32>
    tpu.vector_store %arg11[%swap3A, %swap3A_73], %max3A_72 {strides = array<i32>} : memref<2000x256xf32, #tpu.memory_space<vmem>>, vector<2000x256xf32>,
    %get3A_75 = arith.constant 0 : index
    %get3A_76 = arith.constant 0 : index
    %get3A_77 = vector.load %arg7[%get3A_75, %get3A_76] : memref<256x128xf32, #tpu.memory_space<vmem>>, vector<256x128xf32>
    %dot_general3A = arith.constant dense<0.000000e+00> : vector<2000x128xf32>
    %dot_general3A_78 = tpu.matmul %max3A_72, %get3A_77, %dot_general3A {dimension_numbers = #tpu.dot_dimension_numbers<[1], [0], [0], [1], [0, 0, 1, 1], [], []>, transpose_lhs_hint = false} : vector<2000x256xf32>, vector<256x128xf32>, vector<2000x128xf32> -> vector<2000x128xf32>
    %get3A_79 = arith.constant 0 : index
    %get3A_80 = arith.constant 0 : index
    %get3A_81 = vector.load %arg8[%get3A_79, %get3A_80] : memref<1x128xf32, #tpu.memory_space<vmem>>, vector<1x128xf32>
    %add3A_82 = vector.broadcast %get3A_81 : vector<1x128xf32> to vector<2000x128xf32>
    %add3A_83 = arith.addf %dot_general3A_78, %add3A_82 : vector<2000x128xf32>
    %max3A_84 = arith.constant 0.000000e+00 : f32
    %max3A_85 = vector.broadcast %max3A_84 : f32 to vector<2000x128xf32>
    %max3A_86 = arith.maximumf %add3A_83, %max3A_85 : vector<2000x128xf32>
    %get3A_87 = arith.constant 0 : index
    %get3A_88 = arith.constant 0 : index
    %get3A_89 = vector.load %arg9[%get3A_87, %get3A_88] : memref<128x1xf32, #tpu.memory_space<vmem>>, vector<128x1xf32>
    %dot_general3A_90 = arith.constant dense<0.000000e+00> : vector<2000x1xf32>
    %dot_general3A_91 = tpu.matmul %max3A_86, %get3A_89, %dot_general3A_90 {dimension_numbers = #tpu.dot_dimension_numbers<[1], [0], [0], [1], [0, 0, 1, 1], [], []>, transpose_lhs_hint = false} : vector<2000x128xf32>, vector<128x1xf32>, vector<2000x1xf32> -> vector<2000x1xf32>
    %get3A_92 = arith.constant 0 : index
    %get3A_93 = arith.constant 0 : index
    %get3A_94 = vector.load %arg10[%get3A_92, %get3A_93] : memref<1x1xf32, #tpu.memory_space<vmem>>, vector<1x1xf32>
    %add3A_95 = vector.broadcast %get3A_94 : vector<1x1xf32> to vector<2000x1xf32>
    %add3A_96 = arith.addf %dot_general3A_91, %add3A_95 : vector<2000x1xf32>
    %swap3A_97 = arith.constant 0 : index
    %swap3A_98 = arith.constant 0 : index
    %swap3A_99 = vector.load %arg12[%swap3A_97, %swap3A_98] : memref<2000x1xf32, #tpu.memory_space<vmem>>, vector<2000x1xf32>
    tpu.vector_store %arg12[%swap3A_97, %swap3A_98], %add3A_96 {strides = array<i32>} : memref<2000x1xf32, #tpu.memory_space<vmem>>, vector<2000x1xf32>,
    return
  }
  func.func @transform_0(%arg0: i32) -> (i32, i32, i32) {
    %c0_i32 = arith.constant 0 : i32
    %c0_i32_0 = arith.constant 0 : i32
    %c0_i32_1 = arith.constant 0 : i32
    return %c0_i32, %arg0, %c0_i32_0 : i32, i32, i32
  }
  func.func @transform_1(%arg0: i32) -> (i32, i32, i32) {
    %c0_i32 = arith.constant 0 : i32
    %c0_i32_0 = arith.constant 0 : i32
    %c0_i32_1 = arith.constant 0 : i32
    return %c0_i32, %arg0, %c0_i32_0 : i32, i32, i32
  }
  func.func @transform_2(%arg0: i32) -> (i32, i32, i32) {
    %c0_i32 = arith.constant 0 : i32
    %c0_i32_0 = arith.constant 0 : i32
    %c0_i32_1 = arith.constant 0 : i32
    return %c0_i32, %arg0, %c0_i32_0 : i32, i32, i32
  }
  func.func @transform_3(%arg0: i32) -> (i32, i32) {
    %c0_i32 = arith.constant 0 : i32
    %c0_i32_0 = arith.constant 0 : i32
    %c0_i32_1 = arith.constant 0 : i32
    return %c0_i32, %c0_i32_0 : i32, i32
  }
  func.func @transform_4(%arg0: i32) -> (i32, i32) {
    %c0_i32 = arith.constant 0 : i32
    %c0_i32_0 = arith.constant 0 : i32
    %c0_i32_1 = arith.constant 0 : i32
    return %c0_i32, %c0_i32_0 : i32, i32
  }
  func.func @transform_5(%arg0: i32) -> (i32, i32) {
    %c0_i32 = arith.constant 0 : i32
    %c0_i32_0 = arith.constant 0 : i32
    %c0_i32_1 = arith.constant 0 : i32
    return %c0_i32, %c0_i32_0 : i32, i32
  }
  func.func @transform_6(%arg0: i32) -> (i32, i32) {
    %c0_i32 = arith.constant 0 : i32
    %c0_i32_0 = arith.constant 0 : i32
    %c0_i32_1 = arith.constant 0 : i32
    return %c0_i32, %c0_i32_0 : i32, i32
  }
  func.func @transform_7(%arg0: i32) -> (i32, i32) {
    %c0_i32 = arith.constant 0 : i32
    %c0_i32_0 = arith.constant 0 : i32
    %c0_i32_1 = arith.constant 0 : i32
    return %c0_i32, %c0_i32_0 : i32, i32
  }
  func.func @transform_8(%arg0: i32) -> (i32, i32) {
    %c0_i32 = arith.constant 0 : i32
    %c0_i32_0 = arith.constant 0 : i32
    %c0_i32_1 = arith.constant 0 : i32
    return %c0_i32, %c0_i32_0 : i32, i32
  }
  func.func @transform_9(%arg0: i32) -> (i32, i32) {
    %c0_i32 = arith.constant 0 : i32
    %c0_i32_0 = arith.constant 0 : i32
    %c0_i32_1 = arith.constant 0 : i32
    return %c0_i32, %c0_i32_0 : i32, i32
  }
  func.func @transform_10(%arg0: i32) -> (i32, i32) {
    %c0_i32 = arith.constant 0 : i32
    %c0_i32_0 = arith.constant 0 : i32
    return %arg0, %c0_i32 : i32, i32
  }
  func.func @transform_11(%arg0: i32) -> (i32, i32) {
    %c0_i32 = arith.constant 0 : i32
    %c0_i32_0 = arith.constant 0 : i32
    return %arg0, %c0_i32 : i32, i32
  }
}

module attributes {stable_mosaic.version = 14 : i64} {
  func.func @_pool_body(%arg0: memref<10000x256xf32, #tpu.memory_space<vmem>>, %arg1: memref<10000x1xf32, #tpu.memory_space<vmem>>, %arg2: memref<1x10000xi32, #tpu.memory_space<vmem>>, %arg3: memref<64x16xf32, #tpu.memory_space<vmem>>, %arg4: memref<272x128xf32, #tpu.memory_space<vmem>>, %arg5: memref<1x128xf32, #tpu.memory_space<vmem>>, %arg6: memref<128x2xf32, #tpu.memory_space<vmem>>, %arg7: memref<1x2xf32, #tpu.memory_space<vmem>>, %arg8: memref<64x2xf32, #tpu.memory_space<vmem>>) attributes {dimension_semantics = [], scalar_prefetch = 0 : i64, scratch_operands = 0 : i64, tpu.core_type = #tpu.core_type<tc>} {
    %get3A = arith.constant 0 : index
    %get3A_0 = arith.constant 0 : index
    %get3A_1 = vector.load %arg0[%get3A, %get3A_0] : memref<10000x256xf32, #tpu.memory_space<vmem>>, vector<10000x256xf32>
    %get3A_2 = arith.constant 0 : index
    %get3A_3 = arith.constant 0 : index
    %get3A_4 = vector.load %arg1[%get3A_2, %get3A_3] : memref<10000x1xf32, #tpu.memory_space<vmem>>, vector<10000x1xf32>
    %squeeze3A = vector.shape_cast %get3A_4 : vector<10000x1xf32> to vector<10000xf32>
    %get3A_5 = arith.constant 0 : index
    %get3A_6 = arith.constant 0 : index
    %get3A_7 = vector.load %arg2[%get3A_5, %get3A_6] : memref<1x10000xi32, #tpu.memory_space<vmem>>, vector<1x10000xi32>
    %squeeze3A_8 = vector.shape_cast %get3A_7 : vector<1x10000xi32> to vector<10000xi32>
    %broadcast_in_dim3A = vector.shape_cast %squeeze3A_8 : vector<10000xi32> to vector<1x10000xi32>
    %iota3A = tpu.iota {dimensions = array<i32: 0>} : vector<64x10000xi32>
    %eq3A = vector.broadcast %broadcast_in_dim3A : vector<1x10000xi32> to vector<64x10000xi32>
    %eq3A_9 = arith.cmpi eq, %eq3A, %iota3A : vector<64x10000xi32>
    %convert_element_type3A = arith.extui %eq3A_9 : vector<64x10000xi1> to vector<64x10000xi32>
    %convert_element_type3A_10 = arith.sitofp %convert_element_type3A : vector<64x10000xi32> to vector<64x10000xf32>
    %broadcast_in_dim3A_11 = vector.shape_cast %squeeze3A : vector<10000xf32> to vector<1x10000xf32>
    %jit3A = arith.constant -1.000000e+30 : f32
    %broadcast_in_dim3A_12 = vector.shape_cast %broadcast_in_dim3A_11 : vector<1x10000xf32> to vector<1x10000xf32>
    %broadcast_in_dim3A_13 = vector.broadcast %broadcast_in_dim3A_12 : vector<1x10000xf32> to vector<64x10000xf32>
    %broadcast_in_dim3A_14 = vector.broadcast %jit3A : f32 to vector<64x10000xf32>
    %select_n3A = arith.select %eq3A_9, %broadcast_in_dim3A_13, %broadcast_in_dim3A_14 : vector<64x10000xi1>, vector<64x10000xf32>
    %reduce_max3A = arith.constant dense<0xFF800000> : vector<64xf32>
    %reduce_max3A_15 = vector.multi_reduction <maximumf>, %select_n3A, %reduce_max3A [1] : vector<64x10000xf32> to vector<64xf32>
    %broadcast_in_dim3A_16 = vector.shape_cast %reduce_max3A_15 : vector<64xf32> to vector<64x1xf32>
    %mul3A = vector.broadcast %broadcast_in_dim3A_16 : vector<64x1xf32> to vector<64x10000xf32>
    %mul3A_17 = arith.mulf %convert_element_type3A_10, %mul3A : vector<64x10000xf32>
    %reduce_sum3A = arith.constant dense<0.000000e+00> : vector<10000xf32>
    %reduce_sum3A_18 = vector.multi_reduction <add>, %mul3A_17, %reduce_sum3A [0] : vector<64x10000xf32> to vector<10000xf32>
    %sub3A = arith.subf %squeeze3A, %reduce_sum3A_18 : vector<10000xf32>
    %exp3A = math.exp %sub3A : vector<10000xf32>
    %broadcast_in_dim3A_19 = vector.shape_cast %exp3A : vector<10000xf32> to vector<1x10000xf32>
    %mul3A_20 = vector.broadcast %broadcast_in_dim3A_19 : vector<1x10000xf32> to vector<64x10000xf32>
    %mul3A_21 = arith.mulf %convert_element_type3A_10, %mul3A_20 : vector<64x10000xf32>
    %reduce_sum3A_22 = arith.constant dense<0.000000e+00> : vector<64xf32>
    %reduce_sum3A_23 = vector.multi_reduction <add>, %mul3A_21, %reduce_sum3A_22 [1] : vector<64x10000xf32> to vector<64xf32>
    %broadcast_in_dim3A_24 = vector.shape_cast %reduce_sum3A_23 : vector<64xf32> to vector<64x1xf32>
    %mul3A_25 = vector.broadcast %broadcast_in_dim3A_24 : vector<64x1xf32> to vector<64x10000xf32>
    %mul3A_26 = arith.mulf %convert_element_type3A_10, %mul3A_25 : vector<64x10000xf32>
    %reduce_sum3A_27 = arith.constant dense<0.000000e+00> : vector<10000xf32>
    %reduce_sum3A_28 = vector.multi_reduction <add>, %mul3A_26, %reduce_sum3A_27 [0] : vector<64x10000xf32> to vector<10000xf32>
    %add3A = arith.constant 1.000000e-16 : f32
    %add3A_29 = vector.broadcast %add3A : f32 to vector<10000xf32>
    %add3A_30 = arith.addf %reduce_sum3A_28, %add3A_29 : vector<10000xf32>
    %div3A = arith.divf %exp3A, %add3A_30 : vector<10000xf32>
    %broadcast_in_dim3A_31 = vector.shape_cast %div3A : vector<10000xf32> to vector<10000x1xf32>
    %mul3A_32 = vector.broadcast %broadcast_in_dim3A_31 : vector<10000x1xf32> to vector<10000x256xf32>
    %mul3A_33 = arith.mulf %get3A_1, %mul3A_32 : vector<10000x256xf32>
    %dot_general3A = arith.constant dense<0.000000e+00> : vector<64x256xf32>
    %dot_general3A_34 = tpu.matmul %convert_element_type3A_10, %mul3A_33, %dot_general3A {dimension_numbers = #tpu.dot_dimension_numbers<[1], [0], [0], [1], [0, 0, 1, 1], [], []>, transpose_lhs_hint = false} : vector<64x10000xf32>, vector<10000x256xf32>, vector<64x256xf32> -> vector<64x256xf32>
    %get3A_35 = arith.constant 0 : index
    %get3A_36 = arith.constant 0 : index
    %get3A_37 = vector.load %arg3[%get3A_35, %get3A_36] : memref<64x16xf32, #tpu.memory_space<vmem>>, vector<64x16xf32>
    %concatenate3A = tpu.concatenate %dot_general3A_34, %get3A_37 in 1 : vector<64x256xf32>, vector<64x16xf32> -> vector<64x272xf32>
    %get3A_38 = arith.constant 0 : index
    %get3A_39 = arith.constant 0 : index
    %get3A_40 = vector.load %arg4[%get3A_38, %get3A_39] : memref<272x128xf32, #tpu.memory_space<vmem>>, vector<272x128xf32>
    %dot_general3A_41 = arith.constant dense<0.000000e+00> : vector<64x128xf32>
    %dot_general3A_42 = tpu.matmul %concatenate3A, %get3A_40, %dot_general3A_41 {dimension_numbers = #tpu.dot_dimension_numbers<[1], [0], [0], [1], [0, 0, 1, 1], [], []>, transpose_lhs_hint = false} : vector<64x272xf32>, vector<272x128xf32>, vector<64x128xf32> -> vector<64x128xf32>
    %get3A_43 = arith.constant 0 : index
    %get3A_44 = arith.constant 0 : index
    %get3A_45 = vector.load %arg5[%get3A_43, %get3A_44] : memref<1x128xf32, #tpu.memory_space<vmem>>, vector<1x128xf32>
    %add3A_46 = vector.broadcast %get3A_45 : vector<1x128xf32> to vector<64x128xf32>
    %add3A_47 = arith.addf %dot_general3A_42, %add3A_46 : vector<64x128xf32>
    %max3A = arith.constant 0.000000e+00 : f32
    %max3A_48 = vector.broadcast %max3A : f32 to vector<64x128xf32>
    %max3A_49 = arith.maximumf %add3A_47, %max3A_48 : vector<64x128xf32>
    %get3A_50 = arith.constant 0 : index
    %get3A_51 = arith.constant 0 : index
    %get3A_52 = vector.load %arg6[%get3A_50, %get3A_51] : memref<128x2xf32, #tpu.memory_space<vmem>>, vector<128x2xf32>
    %dot_general3A_53 = arith.constant dense<0.000000e+00> : vector<64x2xf32>
    %dot_general3A_54 = tpu.matmul %max3A_49, %get3A_52, %dot_general3A_53 {dimension_numbers = #tpu.dot_dimension_numbers<[1], [0], [0], [1], [0, 0, 1, 1], [], []>, transpose_lhs_hint = false} : vector<64x128xf32>, vector<128x2xf32>, vector<64x2xf32> -> vector<64x2xf32>
    %get3A_55 = arith.constant 0 : index
    %get3A_56 = arith.constant 0 : index
    %get3A_57 = vector.load %arg7[%get3A_55, %get3A_56] : memref<1x2xf32, #tpu.memory_space<vmem>>, vector<1x2xf32>
    %add3A_58 = vector.broadcast %get3A_57 : vector<1x2xf32> to vector<64x2xf32>
    %add3A_59 = arith.addf %dot_general3A_54, %add3A_58 : vector<64x2xf32>
    %swap3A = arith.constant 0 : index
    %swap3A_60 = arith.constant 0 : index
    %swap3A_61 = vector.load %arg8[%swap3A, %swap3A_60] : memref<64x2xf32, #tpu.memory_space<vmem>>, vector<64x2xf32>
    tpu.vector_store %arg8[%swap3A, %swap3A_60], %add3A_59 {strides = array<i32>} : memref<64x2xf32, #tpu.memory_space<vmem>>, vector<64x2xf32>,
    return
  }
}

</mosaic_0001>

<sc_bundles>
// kernel: kernel.12.cloned.1.call-start
scs
__scs_entry_jumppad:
0x0: {  	(pc) =	sbr.rel $0x88, $3  }
0x1: {  	(tag) =	ssettag $0x0;
	lr =	simm.s32 $0x1  }
0x2: {  	[smem:$0x3F8C] =	sst lr;
	_ =	strace $0xD0000000  }
0x3: {  	_ = 	snop  }
0x4: {  	_ = 	snop  }
0x5: {  	_ = 	snop  }
0x6: {  	_ = 	snop  }
0x7: {  	_ = 	snop  }
__scs_overlays_trampoline_lowered:
0x8: {  	[smem:$0x3F9B] =	sst s0  }
0x9: {  	[smem:$0x3F9C] =	sst s1  }
0xa: {  	[smem:$0x3F9D] =	sst s2  }
0xb: {  	[smem:$0x3F9E] =	sst s3  }
0xc: {  	[smem:$0x3F9F] =	sst s4  }
0xd: {  	[smem:$0x3FA0] =	sst s5  }
0xe: {  	[smem:$0x3FA1] =	sst s6  }
0xf: {  	[smem:$0x3FA2] =	sst s7  }
0x10: {  	[smem:$0x3FA3] =	sst s8  }
0x11: {  	[smem:$0x3FA4] =	sst s9;
	s0 =	simm.s32 @!p0 $0x0  }
0x12: {  	s1 =	sld [smem:$0x3F8A];
	s0 =	simm.s32 @p0 $0x1  }
0x13: {  	[smem:$0x3FA5] =	sst s0;
	s0 =	simm.s32 @!p1 $0x0  }
0x14: {  	s2 =	sld [smem:$0x3F89];
	s0 =	simm.s32 @p1 $0x1  }
0x15: {  	[smem:$0x3FA6] =	sst s0;
	s0 =	simm.s32 @!p2 $0x0  }
0x16: {  	s3 =	sld [smem:$0x3FDB];
	s0 =	simm.s32 @p2 $0x1  }
0x17: {  	s4 =	simm.s32 $0x1BF5;
	[smem:$0x3FA8] =	sst s0  }
0x18: {  	s0 =	sld [smem:$0x3F8B];
	_ =	swait.ge [sflag:s4], $0x0  }
0x19: {  	s7 =	sld [smem:$0x3F8C]  }
0x1a: {  	s8 =	sadd.s32 $0xFFFFE003, lr  }
0x1b: {  	s9 =	sadd.s32 $0xFFFFFEF7, lr;
	s5 =	simm.s32 $0xFFFFFFFF;
	p2 =	slt.u32 s8, $0xFFFFF086  }
0x1c: {  	p1 =	slt.u32 s9, $0xF7A;
	s5 =	simm.s32 @!p2 $0x0  }
0x1d: {  	s5 =	simm.s32 @p1 $0x1;
	p0 =	seq.s32 s7, s2  }
0x1e: {  	s7 =	smul.u32 @!p0 $0xF7A, s2;
	p2 =	seq.s32 @!p0 s5, $0x0  }
0x1f: {  	s9 =	smul.u32 $0xF7A, s1;
	s8 =	simm.s32 @!p0 $0x1BF5;
	p2 =	por !p2, p0  }
0x20: {  	[sflag:s8] =	ssyncset.s32 @!p0 $0xFFFFF086;
	s6 =	sadd.s32 @!p0 s3, s7;
	s7 =	simm.s32 @!p0 $0x108  }
0x21: {  	s3 =	sadd.s32 s3, s9;
	s6 =	sadd.s32 @!p0 $0x88, s6;
	s7 =	simm.s32 @p2 $0x1082  }
0x22: {  	[simem:s7], [sflag:s8] =	dma.local @!p0 [hbm:s6], $0xF7A  }
0x23: {  	s9 =	sor.u32 $0xD0000000, s2;
	s6 =	simm.s32 $0x108;
	_ =	swait.ge @!p0 [sflag:s8], $0x0  }
0x24: {  	s3 =	sadd.s32 $0x88, s3;
	s6 =	simm.s32 @!p1 $0x1082;
	[sflag:s4] =	ssyncset.s32 $0xFFFFF086  }
0x25: {  	[simem:s6], [sflag:s4] =	dma.local [hbm:s3], $0xF7A  }
0x26: {  	[smem:$0x3F8C] =	sst s1;
	(tag) =	ssettag s2;
	_ =	strace s9  }
0x27: {  	s1 =	sld [smem:$0x3F9C]  }
0x28: {  	s2 =	sld [smem:$0x3F9D]  }
0x29: {  	s4 =	sld [smem:$0x3F9F]  }
0x2a: {  	p0 =	seq.s32 s5, $0x0;
	s5 =	sld [smem:$0x3FA0]  }
0x2b: {  	s6 =	sld [smem:$0x3FA1]  }
0x2c: {  	s7 =	sld [smem:$0x3FA2]  }
0x2d: {  	s3 =	simm.s32 $0x108;
	s8 =	sld [smem:$0x3FA3]  }
0x2e: {  	s3 =	simm.s32 @!p0 $0x1082;
	s9 =	sld [smem:$0x3FA4]  }
0x2f: {  	lr =	sadd.s32 s0, s3;
	s0 =	sld [smem:$0x3F9B]  }
0x30: {  	s3 =	sld [smem:$0x3F9E]  }
0x31: {  	[smem:$0x3FA7] =	sst s10  }
0x32: {  	s10 =	sld [smem:$0x3FA5];
	_ =	sdelay $0x3  }
0x33: {  	p0 =	seq.s32 s10, $0x1;
	s10 =	sld [smem:$0x3FA7];
	_ =	sdelay $0x3  }
0x34: {  	[smem:$0x3FA7] =	sst s10  }
0x35: {  	s10 =	sld [smem:$0x3FA6];
	_ =	sdelay $0x3  }
0x36: {  	p1 =	seq.s32 s10, $0x1;
	s10 =	sld [smem:$0x3FA7];
	_ =	sdelay $0x3  }
0x37: {  	[smem:$0x3FA7] =	sst s10  }
0x38: {  	s10 =	sld [smem:$0x3FA8]  }
0x39: {  	_ = 	snop;
	(pc) =	sbr.ind lr, $3  }
0x3a: {  	_ = 	snop  }
0x3b: {  	_ = 	snop  }
0x3c: {  	p2 =	seq.s32 s10, $0x1;
	s10 =	sld [smem:$0x3FA7]  }
0x3d: {  	_ =	shalt  }
0x3e: {  	_ =	shalt  }
0x3f: {  	_ =	shalt  }
0x40: {  	_ =	shalt  }
0x41: {  	_ =	shalt  }
0x42: {  	_ =	shalt  }
0x43: {  	_ =	shalt  }
0x44: {  	_ =	shalt  }
0x45: {  	_ =	shalt  }
0x46: {  	_ =	shalt  }
0x47: {  	_ =	shalt  }
0x48: {  	_ =	shalt  }
0x49: {  	_ =	shalt  }
0x4a: {  	_ =	shalt  }
0x4b: {  	_ =	shalt  }
0x4c: {  	_ =	shalt  }
0x4d: {  	_ =	shalt  }
0x4e: {  	_ =	shalt  }
0x4f: {  	_ =	shalt  }
0x50: {  	_ =	shalt  }
0x51: {  	_ =	shalt  }
0x52: {  	_ =	shalt  }
0x53: {  	_ =	shalt  }
0x54: {  	_ =	shalt  }
0x55: {  	_ =	shalt  }
0x56: {  	_ =	shalt  }
0x57: {  	_ =	shalt  }
0x58: {  	_ =	shalt  }
0x59: {  	_ =	shalt  }
0x5a: {  	_ =	shalt  }
0x5b: {  	_ =	shalt  }
0x5c: {  	_ =	shalt  }
0x5d: {  	_ =	shalt  }
0x5e: {  	_ =	shalt  }
0x5f: {  	_ =	shalt  }
0x60: {  	_ =	shalt  }
0x61: {  	_ =	shalt  }
0x62: {  	_ =	shalt  }
0x63: {  	_ =	shalt  }
0x64: {  	_ =	shalt  }
0x65: {  	_ =	shalt  }
0x66: {  	_ =	shalt  }
0x67: {  	_ =	shalt  }
0x68: {  	_ =	shalt  }
0x69: {  	_ =	shalt  }
0x6a: {  	_ =	shalt  }
0x6b: {  	_ =	shalt  }
0x6c: {  	_ =	shalt  }
0x6d: {  	_ =	shalt  }
0x6e: {  	_ =	shalt  }
0x6f: {  	_ =	shalt  }
0x70: {  	_ =	shalt  }
0x71: {  	_ =	shalt  }
0x72: {  	_ =	shalt  }
0x73: {  	_ =	shalt  }
0x74: {  	_ =	shalt  }
0x75: {  	_ =	shalt  }
0x76: {  	_ =	shalt  }
0x77: {  	_ =	shalt  }
0x78: {  	_ =	shalt  }
0x79: {  	_ =	shalt  }
0x7a: {  	_ =	shalt  }
0x7b: {  	_ =	shalt  }
0x7c: {  	_ =	shalt  }
0x7d: {  	_ =	shalt  }
0x7e: {  	_ =	shalt  }
0x7f: {  	_ =	shalt  }
0x80: {  	_ =	shalt  }
0x81: {  	_ =	shalt  }
0x82: {  	_ =	shalt  }
0x83: {  	_ =	shalt  }
0x84: {  	_ =	shalt  }
0x85: {  	_ =	shalt  }
0x86: {  	_ =	shalt  }
0x87: {  	_ =	shalt  }
.Lfunc_end0:
.L_simem_size_0:
called_computation.1_lowered:
.L_overlay_start_0:
0x88: {  	s2 =	sld [smem:$0x3FD9]  }
0x89: {  	s3 =	sld [smem:$0x3FFE];
	_ =	sdelay $0x1  }
0x8a: {  	s1 =	srdreg.scid  }
0x8b: {  	s0 =	sand.u32 $0x1, s1  }
0x8c: {  	s16 =	sshll.u32 s0, $0xA;
	s2 =	sadd.s32 s3, s2  }
0x8d: {  	s2 =	sadd.s32 s2, s16  }
0x8e: {  	[smem:$0x3FB3] =	sst s2  }
0x8f: {  	_ = 	snop  }
0x90: {  	(tm) =	ssettm $0x1  }
0x91: {  	s17 =	sld [smem:$0x3FFB];
	_ =	sdelay $0x3  }
0x92: {  	_ =	strace s17  }
0x93: {  	s2 =	sld [smem:$0x3FFC];
	_ =	sdelay $0x3  }
0x94: {  	_ =	strace s2  }
0x95: {  	s2 =	sld [smem:$0x3FFD];
	_ =	sdelay $0x3  }
0x96: {  	_ =	strace s2  }
0x97: {  	_ =	strace $0x8FFFFFFF  }
0x98: {  	s18 =	sld [smem:$0x3FDB];
	_ =	sdelay $0x1  }
0x99: {  	s19 =	simm.s32 $_scs_section_size  }
0x9a: {  	s4 =	simm.s32 $_size__tile_overlayer_lowered;
	s5 =	simm.s32 $_tile_overlayer_lowered  }
0x9b: {  	s22 =	simm.s32 $0x1BFF;
	s21 =	sshll.u32 s5, $0x1;
	s2 =	sadd.s32 s19, s18  }
0x9c: {  	s6 =	simm.s32 $0x0;
	s20 =	sshll.u32 s4, $0x1;
	s4 =	sadd.s32 s21, s2  }
0x9d: {  	[timem:s6], [sflag:s22] =	dma.local [hbm:s4], s20  }
0x9e: {  	_ =	swait.ge [sflag:s22], s20  }
0x9f: {  	s3 =	ssub.s32 $0x0, s20;
	[sflag:s22] =	ssyncset.done $0x0  }
0xa0: {  	[sflag:s22] =	ssyncadd.s32 s3;
	_ =	sdelay $0x1  }
0xa1: {  	s23 =	simm.s32 $0x1B8B  }
0xa2: {  	_ =	swait.ge [sflag:s23], $0x1  }
0xa3: {  	[sflag:s23] =	ssyncset.done $0x0  }
0xa4: {  	s25 =	simm.s32 $0x1B8E;
	s24 =	sld [smem:$0x3FFE];
	[sflag:s23] =	ssyncadd.s32 $0xFFFFFFFF  }
0xa5: {  	s26 =	simm.s32 $execute0_lowered;
	[smem:$0x3FD2] =	sst s25  }
0xa6: {  	s4 =	sshll.u32 s26, $0x1;
	_ =	strace $0x80000049;
	[dreg:$0x1] =	wrdreg $0xFFFFFFFF  }
0xa7: {  	s28 =	simm.s32 $_size_execute0_lowered;
	s2 =	sadd.s32 s2, s4;
	[dreg:$0x0] =	wrdreg $0x0  }
0xa8: {  	s4 =	sshll.u32 s28, $0x1;
	[dreg:$0x2] =	wrdreg s2  }
0xa9: {  	[dreg:$0x3] =	wrdreg s4  }
0xaa: {  	[dreg:$0x4] =	wrdreg $0xC0  }
0xab: {  	_ =	task [dreg:s6], $0x5FFFF  }
0xac: {  	[dreg:$0x1] =	wrdreg $0xFFFFFFFF  }
0xad: {  	[dreg:$0x0] =	wrdreg $0x60  }
0xae: {  	[dreg:$0x2] =	wrdreg s24  }
0xaf: {  	[dreg:$0x3] =	wrdreg $0x150000  }
0xb0: {  	[dreg:$0x4] =	wrdreg $0x9  }
0xb1: {  	_ =	task.clear_ibuf [dreg:s6], $0x5FFFF;
	_ =	strace $0x90000049  }
0xb2: {  	s29 =	simm.s32 $0x9;
	_ =	strace $0x8000004B  }
0xb3: {  	_ =	swait.ge [sflag:s29], $0x1  }
0xb4: {  	[sflag:s29] =	ssyncadd.s32 $0xFFFFFFFF  }
0xb5: {  	_ =	strace $0x9000004B  }
0xb6: {  	_ =	sfence  }
0xb7: {  	s30 =	sld [smem:$0x0];
	_ =	sdelay $0x2  }
0xb8: {  	s31 =	sshll.u32 s1, $0xD;
	s1 =	sshrl.u32 s1, $0x2  }
0xb9: {  	s3 =	sand.u32 $0x4000, s31;
	s1 =	sadd.s32 s1, s30  }
0xba: {  	s0 =	sor.u32 s3, s0;
	s1 =	sshll.u32 s1, $0x11  }
0xbb: {  	s0 =	sor.u32 s1, s0  }
0xbc: {  	s0 =	sadd.s32 $0x8F2B, s0  }
0xbd: {  	[sflag:s0] =	ssyncadd.remote.s32 $0x1  }
0xbe: {  	_ =	sfence.sel $0xFFFF  }
0xbf: {  	[dreg:$0x0] =	wrdreg $0xFFFFFFFF;
	(pc) =	sbr.abs _section_cstart, $3  }
0xc0: {  	[dreg:$0x1] =	wrdreg $0xFFFFFFFF  }
0xc1: {  	_ =	task.clear_ibuf [dreg:s6], $0x2FFFF;
	_ =	strace $0x9FFFFFFF  }
0xc2: {  	(tm) =	ssettm $0x7FFFFFFF  }
0xc3: {  	_ =	shalt  }
tec
execute0_lowered:
.L_overlay_start_1:
0x0: {  	(tag) =	ssettag $0x1  }
0x1: {  	s0 =	rddreg [dreg:$0x0]  }
0x2: {  	s1 =	rddreg [dreg:$0x1];
	s3 =	simm.s32 $0x0  }
0x3: {  	s2 =	srdreg.scid;
	s15 =	stileid.u32;
	s19 =	simm.s32 $0x8000  }
0x4: {  	s20 =	simm.s32 $0x50;
	s21 =	simm.s32 $0x10000;
	s22 =	simm.s32 $0x1  }
0x5: {  	s23 =	simm.s32 $0x80;
	s24 =	simm.s32 $0x12800;
	s28 =	simm.s32 $0x4  }
0x6: {  	s29 =	simm.s32 $0xFC80;
	s30 =	simm.s32 $0x0;
	s11 =	smul.u32 $0xA000, s15  }
0x7: {  	[smem:$0x7FF] =	sst s3;
	s2 =	sand.u32 $0x1, s2;
	s25 =	smul.u32 $0x28000, s15  }
0x8: {  	s6 =	sshll.u32 s15, $0xC;
	s13 =	sadd.s32 $0x24600, s0;
	s9 =	smul.u32 $0x1400, s15  }
0x9: {  	s16 =	sadd.s32 $0x96000, s1;
	p0 =	seq.s32 s15, $0xF;
	s5 =	smul.u32 $0x140000, s2  }
0xa: {  	s4 =	sshll.u32 s2, $0x10;
	_ =	strace $0x8000004A;
	s12 =	sadd.s32 s6, s0  }
0xb: {  	s2 =	ssub.s32 $0x2, s2;
	s16 =	sshrl.u32 @p0 s16, $0x3;
	s7 =	sor.u32 s6, s4  }
0xc: {  	s4 =	sadd.s32 $0xC8E00, s0;
	s8 =	sshrl.u32 s2, $0x1;
	s6 =	sshrl.u32 s25, $0x2  }
0xd: {  	s26 =	sadd.s32 s13, s9;
	s9 =	sadd.s32 $0xA8E00, s12;
	s31 =	sshrl.u32 s11, $0x3  }
0xe: {  	s12 =	sadd.s32 $0xB8E00, s12;
	s25 =	simm.s32 $0x2;
	s7 =	sadd.s32 s7, s0  }
0xf: {  	s5 =	sadd.s32 s11, s5;
	s2 =	ssub.s32 s2, s8;
	s6 =	sadd.s32 s6, s1  }
0x10: {  	[dreg:$0x4] =	wrdreg s26;
	s8 =	sadd.s32 $0x37200, s0;
	s11 =	sadd.s32 s13, s31  }
0x11: {  	s26 =	simm.s32 $0x3;
	s5 =	sshrl.u32 s5, $0x3;
	s7 =	sadd.s32 $0x88E00, s7  }
0x12: {  	s14 =	smax.u32 s2, $0x1;
	s18 =	sshrl.u32 @!p0 s6, $0x3;
	s5 =	sadd.s32 s5, s0  }
0x13: {  	[dreg:$0x3] =	wrdreg s7;
	s0 =	sshll.u32 @!p0 s15, $0x6;
	s15 =	simm.s32 $0x5  }
0x14: {  	s10 =	sadd.s32 $0x117000, s5;
	s13 =	sadd.s32 $0x117800, s5;
	s17 =	sor.u32 @!p0 $0x1C05, s0  }
.LBB2_1:
0x15: {  	s0 =	rddreg [dreg:$0x3]  }
0x16: {  	[tilespmem:s3], [sflag:$0x5] =	stream.linear.gather [hbm4b:s0+s3], $0x7E00, $0x38;
	[tilespmem:$0x1F040] =	vst v63  }
0x17: {  	_ =	swait.ge [sflag:s15], $0x7E00  }
0x18: {  	[sflag:s15] =	ssyncset.done $0x0  }
0x19: {  	s0 =	simm.s32 @p0 $0x1FC5;
	[sflag:s15] =	ssyncadd.s32 $0xFFFF8200  }
0x1a: {  	[spmem:s16], [sflag:s0] =	dma.local @p0 [hbm:s8], $0x1480  }
0x1b: {  	s0 =	simm.s32 @p0 $0x5  }
0x1c: {  	_ =	swait.ge @p0 [sflag:s0], $0x1480  }
0x1d: {  	[sflag:s0] =	ssyncset.done @p0 $0x0  }
0x1e: {  	[sflag:s0] =	ssyncadd.s32 @p0 $0xFFFFEB80;
	s0 =	rddreg [dreg:$0x4]  }
0x1f: {  	[spmem:s18], [sflag:s17] =	dma.local @!p0 [hbm:s0], $0x1400  }
0x20: {  	s0 =	simm.s32 @!p0 $0x5  }
0x21: {  	_ =	swait.ge @!p0 [sflag:s0], $0x1400  }
0x22: {  	[sflag:s0] =	ssyncset.done @!p0 $0x0  }
0x23: {  	[sflag:s0] =	ssyncadd.s32 @!p0 $0xFFFFEC00  }
0x24: {  	[tilespmem:s19], [sflag:$0x5] =	stream.linear.gather [hbm4b:s9+s3], $0x7D00, $0x38;
	[tilespmem:$0x1F040] =	vst v63  }
0x25: {  	_ =	swait.ge [sflag:s15], $0x7D00  }
0x26: {  	[sflag:s15] =	ssyncset.done $0x0  }
0x27: {  	[sflag:s15] =	ssyncadd.s32 $0xFFFF8300  }
0x28: {  	[bflag:$0x0] =	sbarrier.arrive $0xFFFF  }
0x29: {  	[tilespmem:s21], [sflag:$0x1] =	stream.indirect.gather [hbm4b:s4+s20], $0x80, s3, s20, $0xb8;
	[tilespmem:$0x1F040] =	vst v63  }
0x2a: {  	_ =	swait.ge [sflag:s22], $0x2800  }
0x2b: {  	[sflag:s22] =	ssyncset.done $0x0  }
0x2c: {  	[sflag:s22] =	ssyncadd.s32 $0xFFFFD800  }
0x2d: {  	[spmem:s1] =	stream.indirect.scatter.add.f32 [tilespmem:s21], [sflag:$0x3], $0x80, s19, s20, $0xb8;
	[tilespmem:$0x1F040] =	vst v63  }
0x2e: {  	_ = 	snop  }
0x2f: {  	[tilespmem:s24], [sflag:$0x2] =	stream.indirect.gather [hbm4b:s4+s20], $0x80, s23, s20, $0xb8;
	[tilespmem:$0x1F040] =	vst v63  }
0x30: {  	_ =	swait.ge [sflag:s25], $0x2800  }
0x31: {  	[sflag:s25] =	ssyncset.done $0x0  }
0x32: {  	s5 =	simm.s32 $0x8080;
	[sflag:s25] =	ssyncadd.s32 $0xFFFFD800  }
0x33: {  	[spmem:s1] =	stream.indirect.scatter.add.f32 [tilespmem:s24], [sflag:$0x4], $0x80, s5, s20, $0xb8;
	[tilespmem:$0x1F040] =	vst v63  }
0x34: {  	_ =	swait.ge [sflag:s26], $0x2800  }
0x35: {  	[sflag:s26] =	ssyncset.done $0x0  }
0x36: {  	s7 =	simm.s32 $0x100;
	[sflag:s26] =	ssyncadd.s32 $0xFFFFD800  }
0x37: {  	[tilespmem:s21], [sflag:$0x1] =	stream.indirect.gather [hbm4b:s4+s20], $0x80, s7, s20, $0xb8;
	[tilespmem:$0x1F040] =	vst v63  }
0x38: {  	_ =	swait.ge [sflag:s22], $0x2800  }
0x39: {  	[sflag:s22] =	ssyncset.done $0x0  }
0x3a: {  	s31 =	simm.s32 $0x8100;
	[sflag:s22] =	ssyncadd.s32 $0xFFFFD800  }
0x3b: {  	[spmem:s1] =	stream.indirect.scatter.add.f32 [tilespmem:s21], [sflag:$0x3], $0x80, s31, s20, $0xb8;
	[tilespmem:$0x1F040] =	vst v63  }
0x3c: {  	_ =	swait.ge [sflag:s28], $0x2800  }
0x3d: {  	[sflag:s28] =	ssyncset.done $0x0  }
0x3e: {  	s2 =	simm.s32 $0x180;
	s0 =	simm.s32 $0xFFFE1400;
	[sflag:s28] =	ssyncadd.s32 $0xFFFFD800  }
.LBB2_2:
0x3f: {  	[tilespmem:s24], [sflag:$0x2] =	stream.indirect.gather [hbm4b:s4+s20], $0x80, s2, s20, $0xb8;
	[tilespmem:$0x1F040] =	vst v63  }
0x40: {  	s2 =	smov.u32 s0  }
0x41: {  	p1 =	sne.s32 s0, $0xFFFFFC00;
	s0 =	sadd.s32 $0x400, s0;
	_ =	swait.ge [sflag:s25], $0x2800  }
0x42: {  	s2 =	sshra.s32 s2, $0x2;
	[sflag:s25] =	ssyncset.done $0x0  }
0x43: {  	s5 =	sadd.s32 $0xFC80, s2;
	[sflag:s25] =	ssyncadd.s32 $0xFFFFD800  }
0x44: {  	[spmem:s1] =	stream.indirect.scatter.add.f32 [tilespmem:s24], [sflag:$0x4], $0x80, s5, s20, $0xb8;
	[tilespmem:$0x1F040] =	vst v63  }
0x45: {  	_ =	swait.ge [sflag:s26], $0x2800  }
0x46: {  	[sflag:s26] =	ssyncset.done $0x0  }
0x47: {  	s5 =	sadd.s32 $0x7D00, s2;
	[sflag:s26] =	ssyncadd.s32 $0xFFFFD800  }
0x48: {  	[tilespmem:s21], [sflag:$0x1] =	stream.indirect.gather [hbm4b:s4+s20], $0x80, s5, s20, $0xb8;
	[tilespmem:$0x1F040] =	vst v63  }
0x49: {  	_ =	swait.ge [sflag:s22], $0x2800  }
0x4a: {  	[sflag:s22] =	ssyncset.done $0x0  }
.Ltmp0:
0x4b: {  	s5 =	sadd.s32 $0xFD00, s2;
	[sflag:s22] =	ssyncadd.s32 $0xFFFFD800;
	(pc) =	sbr.rel @p1 .LBB2_2-.Ltmp0, $4  }
0x4c: {  	[spmem:s1] =	stream.indirect.scatter.add.f32 [tilespmem:s21], [sflag:$0x3], $0x80, s5, s20, $0xb8;
	[tilespmem:$0x1F040] =	vst v63  }
0x4d: {  	_ =	swait.ge [sflag:s28], $0x2800  }
0x4e: {  	[sflag:s28] =	ssyncset.done $0x0  }
0x4f: {  	s2 =	sadd.s32 $0x7D80, s2;
	[sflag:s28] =	ssyncadd.s32 $0xFFFFD800  }
0x50: {  	[tilespmem:s24], [sflag:$0x2] =	stream.indirect.gather [hbm4b:s4+s20], $0x80, s2, s20, $0xb8;
	[tilespmem:$0x1F040] =	vst v63  }
0x51: {  	_ =	swait.ge [sflag:s25], $0x2800  }
0x52: {  	[sflag:s25] =	ssyncset.done $0x0  }
0x53: {  	[sflag:s25] =	ssyncadd.s32 $0xFFFFD800  }
0x54: {  	[spmem:s1] =	stream.indirect.scatter.add.f32 [tilespmem:s24], [sflag:$0x4], $0x80, s29, s20, $0xb8;
	[tilespmem:$0x1F040] =	vst v63  }
0x55: {  	_ =	swait.ge [sflag:s26], $0x2800  }
0x56: {  	[sflag:s26] =	ssyncset.done $0x0  }
0x57: {  	[sflag:s26] =	ssyncadd.s32 $0xFFFFD800  }
0x58: {  	_ =	swait.ge [sflag:s28], $0x2800  }
0x59: {  	s0 =	stileid.u32;
	[sflag:s28] =	ssyncset.done $0x0  }
0x5a: {  	s0 =	sshll.u32 s0, $0x6;
	[sflag:s28] =	ssyncadd.s32 $0xFFFFD800  }
0x5b: {  	s31 =	sor.u32 $0x1C05, s0;
	s0 =	sshrl.u32 s6, $0x3;
	[bflag:$0x0] =	sbarrier.arrive $0xFFFF  }
0x5c: {  	[hbm:s10], [sflag:s31] =	dma.local [spmem:s0], $0x1400  }
0x5d: {  	_ =	swait.ge [sflag:s15], $0x1400  }
0x5e: {  	[sflag:s15] =	ssyncset.done $0x0  }
0x5f: {  	[sflag:s15] =	ssyncadd.s32 $0xFFFFEC00  }
0x60: {  	s2 =	simm.s32 @p0 $0x5;
	[bflag:$0x0] =	sbarrier.arrive $0xFFFF  }
0x61: {  	[spmem:s16], [sflag:s31] =	dma.local @p0 [hbm:s8], $0x1480  }
0x62: {  	_ =	swait.ge @p0 [sflag:s2], $0x1480  }
0x63: {  	[sflag:s2] =	ssyncset.done @p0 $0x0  }
0x64: {  	[sflag:s2] =	ssyncadd.s32 @p0 $0xFFFFEB80;
	s2 =	simm.s32 @!p0 $0x5  }
0x65: {  	[spmem:s18], [sflag:s31] =	dma.local @!p0 [hbm:s11], $0x1400  }
0x66: {  	_ =	swait.ge @!p0 [sflag:s2], $0x1400  }
0x67: {  	[sflag:s2] =	ssyncset.done @!p0 $0x0  }
0x68: {  	[sflag:s2] =	ssyncadd.s32 @!p0 $0xFFFFEC00  }
0x69: {  	[tilespmem:s19], [sflag:$0x5] =	stream.linear.gather [hbm4b:s12+s3], $0x7D00, $0x38;
	[tilespmem:$0x1F040] =	vst v63  }
0x6a: {  	_ =	swait.ge [sflag:s15], $0x7D00  }
0x6b: {  	[sflag:s15] =	ssyncset.done $0x0  }
0x6c: {  	[sflag:s15] =	ssyncadd.s32 $0xFFFF8300  }
0x6d: {  	[bflag:$0x0] =	sbarrier.arrive $0xFFFF  }
0x6e: {  	[tilespmem:s21], [sflag:$0x1] =	stream.indirect.gather [hbm4b:s4+s20], $0x80, s3, s20, $0xb8;
	[tilespmem:$0x1F040] =	vst v63  }
0x6f: {  	_ =	swait.ge [sflag:s22], $0x2800  }
0x70: {  	[sflag:s22] =	ssyncset.done $0x0  }
0x71: {  	[sflag:s22] =	ssyncadd.s32 $0xFFFFD800  }
0x72: {  	[spmem:s1] =	stream.indirect.scatter.add.f32 [tilespmem:s21], [sflag:$0x3], $0x80, s19, s20, $0xb8;
	[tilespmem:$0x1F040] =	vst v63  }
0x73: {  	_ = 	snop  }
0x74: {  	[tilespmem:s24], [sflag:$0x2] =	stream.indirect.gather [hbm4b:s4+s20], $0x80, s23, s20, $0xb8;
	[tilespmem:$0x1F040] =	vst v63  }
0x75: {  	_ =	swait.ge [sflag:s25], $0x2800  }
0x76: {  	[sflag:s25] =	ssyncset.done $0x0  }
0x77: {  	s7 =	simm.s32 $0x8080;
	[sflag:s25] =	ssyncadd.s32 $0xFFFFD800  }
0x78: {  	[spmem:s1] =	stream.indirect.scatter.add.f32 [tilespmem:s24], [sflag:$0x4], $0x80, s7, s20, $0xb8;
	[tilespmem:$0x1F040] =	vst v63  }
0x79: {  	_ =	swait.ge [sflag:s26], $0x2800  }
0x7a: {  	[sflag:s26] =	ssyncset.done $0x0  }
0x7b: {  	s5 =	simm.s32 $0x100;
	[sflag:s26] =	ssyncadd.s32 $0xFFFFD800  }
0x7c: {  	[tilespmem:s21], [sflag:$0x1] =	stream.indirect.gather [hbm4b:s4+s20], $0x80, s5, s20, $0xb8;
	[tilespmem:$0x1F040] =	vst v63  }
0x7d: {  	_ =	swait.ge [sflag:s22], $0x2800  }
0x7e: {  	[sflag:s22] =	ssyncset.done $0x0  }
0x7f: {  	s7 =	simm.s32 $0x8100;
	[sflag:s22] =	ssyncadd.s32 $0xFFFFD800  }
0x80: {  	[spmem:s1] =	stream.indirect.scatter.add.f32 [tilespmem:s21], [sflag:$0x3], $0x80, s7, s20, $0xb8;
	[tilespmem:$0x1F040] =	vst v63  }
0x81: {  	_ =	swait.ge [sflag:s28], $0x2800  }
0x82: {  	[sflag:s28] =	ssyncset.done $0x0  }
0x83: {  	s2 =	simm.s32 $0xFFFE1400;
	s5 =	simm.s32 $0x180;
	[sflag:s28] =	ssyncadd.s32 $0xFFFFD800  }
.LBB2_4:
0x84: {  	[tilespmem:s24], [sflag:$0x2] =	stream.indirect.gather [hbm4b:s4+s20], $0x80, s5, s20, $0xb8;
	[tilespmem:$0x1F040] =	vst v63  }
0x85: {  	s5 =	smov.u32 s2  }
0x86: {  	p1 =	sne.s32 s2, $0xFFFFFC00;
	s2 =	sadd.s32 $0x400, s2;
	_ =	swait.ge [sflag:s25], $0x2800  }
0x87: {  	s5 =	sshra.s32 s5, $0x2;
	[sflag:s25] =	ssyncset.done $0x0  }
0x88: {  	s7 =	sadd.s32 $0xFC80, s5;
	[sflag:s25] =	ssyncadd.s32 $0xFFFFD800  }
0x89: {  	[spmem:s1] =	stream.indirect.scatter.add.f32 [tilespmem:s24], [sflag:$0x4], $0x80, s7, s20, $0xb8;
	[tilespmem:$0x1F040] =	vst v63  }
0x8a: {  	_ =	swait.ge [sflag:s26], $0x2800  }
0x8b: {  	[sflag:s26] =	ssyncset.done $0x0  }
0x8c: {  	s7 =	sadd.s32 $0x7D00, s5;
	[sflag:s26] =	ssyncadd.s32 $0xFFFFD800  }
0x8d: {  	[tilespmem:s21], [sflag:$0x1] =	stream.indirect.gather [hbm4b:s4+s20], $0x80, s7, s20, $0xb8;
	[tilespmem:$0x1F040] =	vst v63  }
0x8e: {  	_ =	swait.ge [sflag:s22], $0x2800  }
0x8f: {  	[sflag:s22] =	ssyncset.done $0x0  }
.Ltmp1:
0x90: {  	s7 =	sadd.s32 $0xFD00, s5;
	[sflag:s22] =	ssyncadd.s32 $0xFFFFD800;
	(pc) =	sbr.rel @p1 .LBB2_4-.Ltmp1, $4  }
0x91: {  	[spmem:s1] =	stream.indirect.scatter.add.f32 [tilespmem:s21], [sflag:$0x3], $0x80, s7, s20, $0xb8;
	[tilespmem:$0x1F040] =	vst v63  }
0x92: {  	_ =	swait.ge [sflag:s28], $0x2800  }
0x93: {  	[sflag:s28] =	ssyncset.done $0x0  }
0x94: {  	s5 =	sadd.s32 $0x7D80, s5;
	[sflag:s28] =	ssyncadd.s32 $0xFFFFD800  }
0x95: {  	[tilespmem:s24], [sflag:$0x2] =	stream.indirect.gather [hbm4b:s4+s20], $0x80, s5, s20, $0xb8;
	[tilespmem:$0x1F040] =	vst v63  }
0x96: {  	_ =	swait.ge [sflag:s25], $0x2800  }
0x97: {  	[sflag:s25] =	ssyncset.done $0x0  }
0x98: {  	[sflag:s25] =	ssyncadd.s32 $0xFFFFD800  }
0x99: {  	[spmem:s1] =	stream.indirect.scatter.add.f32 [tilespmem:s24], [sflag:$0x4], $0x80, s29, s20, $0xb8;
	[tilespmem:$0x1F040] =	vst v63  }
0x9a: {  	_ =	swait.ge [sflag:s26], $0x2800  }
0x9b: {  	[sflag:s26] =	ssyncset.done $0x0  }
0x9c: {  	[sflag:s26] =	ssyncadd.s32 $0xFFFFD800  }
0x9d: {  	_ =	swait.ge [sflag:s28], $0x2800  }
0x9e: {  	[sflag:s28] =	ssyncset.done $0x0  }
0x9f: {  	s30 =	sadd.s32 $0x1, s30;
	[sflag:s28] =	ssyncadd.s32 $0xFFFFD800  }
0xa0: {  	p1 =	sne.s32 s30, s14;
	[bflag:$0x0] =	sbarrier.arrive $0xFFFF  }
0xa1: {  	[hbm:s13], [sflag:s31] =	dma.local [spmem:s0], $0x1400  }
.Ltmp2:
0xa2: {  	_ =	swait.ge [sflag:s15], $0x1400;
	(pc) =	sbr.rel @p1 .LBB2_1-.Ltmp2, $3  }
0xa3: {  	[sflag:s15] =	ssyncset.done $0x0  }
0xa4: {  	[sflag:s15] =	ssyncadd.s32 $0xFFFFEC00  }
0xa5: {  	[bflag:$0x0] =	sbarrier.arrive $0xFFFF;
	_ =	sdelay $0x1  }
0xa6: {  	_ =	sfence.sel $0x180000  }
0xa7: {  	[bflag:$0x0] =	sbarrier.arrive $0xFFFF  }
0xa8: {  	_ =	strace $0x9000004A  }
0xa9: {  	s0 =	stileid.u32;
	[bflag:$0x2] =	sbarrier.arrive $0xFFFF  }
0xaa: {  	p0 =	sne.s32 s0, $0x0;
	s0 =	rddreg [dreg:$0x2]  }
0xab: {  	s0 =	sadd.s32 @!p0 $0x100000, s0  }
0xac: {  	[sflag:s0] =	ssyncadd.tile.s32 @!p0 $0x1;
	_ =	shalt  }
.Lfunc_end2:
_tile_overlayer_lowered:
.L_overlay_start_2:
0xad: {  	(tag) =	ssettag $0x2  }
0xae: {  	s0 =	rddreg [dreg:$0x0];
	s2 =	stileid.u32  }
0xaf: {  	s1 =	rddreg [dreg:$0x1];
	p0 =	sne.s32 s2, $0x0  }
0xb0: {  	s3 =	rddreg [dreg:$0x2];
	[bflag:$0x3] =	sbarrier.arrive $0xFFFF;
	s2 =	simm.s32 @!p0 $0x1C05  }
0xb1: {  	[timem:s3], [sflag:s2] =	dma.local @!p0 [hbm:s0], s1  }
0xb2: {  	s0 =	simm.s32 @!p0 $0x5  }
0xb3: {  	_ =	swait.ge @!p0 [sflag:s0], s1  }
0xb4: {  	s1 =	ssub.s32 @!p0 $0x0, s1;
	[sflag:s0] =	ssyncset.done @!p0 $0x0  }
0xb5: {  	[sflag:s0] =	ssyncadd.s32 @!p0 s1  }
0xb6: {  	[bflag:$0x3] =	sbarrier.arrive $0xFFFF  }
0xb7: {  	_ =	shalt  }

// kernel: kernel.15.cloned.1.call-start
scs
__scs_entry_jumppad:
0x0: {  	(pc) =	sbr.rel $0x88, $3  }
0x1: {  	(tag) =	ssettag $0x0;
	lr =	simm.s32 $0x1  }
0x2: {  	[smem:$0x3F8C] =	sst lr;
	_ =	strace $0xD0000000  }
0x3: {  	_ = 	snop  }
0x4: {  	_ = 	snop  }
0x5: {  	_ = 	snop  }
0x6: {  	_ = 	snop  }
0x7: {  	_ = 	snop  }
__scs_overlays_trampoline_lowered:
0x8: {  	[smem:$0x3F9B] =	sst s0  }
0x9: {  	[smem:$0x3F9C] =	sst s1  }
0xa: {  	[smem:$0x3F9D] =	sst s2  }
0xb: {  	[smem:$0x3F9E] =	sst s3  }
0xc: {  	[smem:$0x3F9F] =	sst s4  }
0xd: {  	[smem:$0x3FA0] =	sst s5  }
0xe: {  	[smem:$0x3FA1] =	sst s6  }
0xf: {  	[smem:$0x3FA2] =	sst s7  }
0x10: {  	[smem:$0x3FA3] =	sst s8  }
0x11: {  	[smem:$0x3FA4] =	sst s9;
	s0 =	simm.s32 @!p0 $0x0  }
0x12: {  	s1 =	sld [smem:$0x3F8A];
	s0 =	simm.s32 @p0 $0x1  }
0x13: {  	[smem:$0x3FA5] =	sst s0;
	s0 =	simm.s32 @!p1 $0x0  }
0x14: {  	s2 =	sld [smem:$0x3F89];
	s0 =	simm.s32 @p1 $0x1  }
0x15: {  	[smem:$0x3FA6] =	sst s0;
	s0 =	simm.s32 @!p2 $0x0  }
0x16: {  	s3 =	sld [smem:$0x3FDB];
	s0 =	simm.s32 @p2 $0x1  }
0x17: {  	s4 =	simm.s32 $0x1BF5;
	[smem:$0x3FA8] =	sst s0  }
0x18: {  	s0 =	sld [smem:$0x3F8B];
	_ =	swait.ge [sflag:s4], $0x0  }
0x19: {  	s7 =	sld [smem:$0x3F8C]  }
0x1a: {  	s8 =	sadd.s32 $0xFFFFE003, lr  }
0x1b: {  	s9 =	sadd.s32 $0xFFFFFEF7, lr;
	s5 =	simm.s32 $0xFFFFFFFF;
	p2 =	slt.u32 s8, $0xFFFFF086  }
0x1c: {  	p1 =	slt.u32 s9, $0xF7A;
	s5 =	simm.s32 @!p2 $0x0  }
0x1d: {  	s5 =	simm.s32 @p1 $0x1;
	p0 =	seq.s32 s7, s2  }
0x1e: {  	s7 =	smul.u32 @!p0 $0xF7A, s2;
	p2 =	seq.s32 @!p0 s5, $0x0  }
0x1f: {  	s9 =	smul.u32 $0xF7A, s1;
	s8 =	simm.s32 @!p0 $0x1BF5;
	p2 =	por !p2, p0  }
0x20: {  	[sflag:s8] =	ssyncset.s32 @!p0 $0xFFFFF086;
	s6 =	sadd.s32 @!p0 s3, s7;
	s7 =	simm.s32 @!p0 $0x108  }
0x21: {  	s3 =	sadd.s32 s3, s9;
	s6 =	sadd.s32 @!p0 $0x88, s6;
	s7 =	simm.s32 @p2 $0x1082  }
0x22: {  	[simem:s7], [sflag:s8] =	dma.local @!p0 [hbm:s6], $0xF7A  }
0x23: {  	s9 =	sor.u32 $0xD0000000, s2;
	s6 =	simm.s32 $0x108;
	_ =	swait.ge @!p0 [sflag:s8], $0x0  }
0x24: {  	s3 =	sadd.s32 $0x88, s3;
	s6 =	simm.s32 @!p1 $0x1082;
	[sflag:s4] =	ssyncset.s32 $0xFFFFF086  }
0x25: {  	[simem:s6], [sflag:s4] =	dma.local [hbm:s3], $0xF7A  }
0x26: {  	[smem:$0x3F8C] =	sst s1;
	(tag) =	ssettag s2;
	_ =	strace s9  }
0x27: {  	s1 =	sld [smem:$0x3F9C]  }
0x28: {  	s2 =	sld [smem:$0x3F9D]  }
0x29: {  	s4 =	sld [smem:$0x3F9F]  }
0x2a: {  	p0 =	seq.s32 s5, $0x0;
	s5 =	sld [smem:$0x3FA0]  }
0x2b: {  	s6 =	sld [smem:$0x3FA1]  }
0x2c: {  	s7 =	sld [smem:$0x3FA2]  }
0x2d: {  	s3 =	simm.s32 $0x108;
	s8 =	sld [smem:$0x3FA3]  }
0x2e: {  	s3 =	simm.s32 @!p0 $0x1082;
	s9 =	sld [smem:$0x3FA4]  }
0x2f: {  	lr =	sadd.s32 s0, s3;
	s0 =	sld [smem:$0x3F9B]  }
0x30: {  	s3 =	sld [smem:$0x3F9E]  }
0x31: {  	[smem:$0x3FA7] =	sst s10  }
0x32: {  	s10 =	sld [smem:$0x3FA5];
	_ =	sdelay $0x3  }
0x33: {  	p0 =	seq.s32 s10, $0x1;
	s10 =	sld [smem:$0x3FA7];
	_ =	sdelay $0x3  }
0x34: {  	[smem:$0x3FA7] =	sst s10  }
0x35: {  	s10 =	sld [smem:$0x3FA6];
	_ =	sdelay $0x3  }
0x36: {  	p1 =	seq.s32 s10, $0x1;
	s10 =	sld [smem:$0x3FA7];
	_ =	sdelay $0x3  }
0x37: {  	[smem:$0x3FA7] =	sst s10  }
0x38: {  	s10 =	sld [smem:$0x3FA8]  }
0x39: {  	_ = 	snop;
	(pc) =	sbr.ind lr, $3  }
0x3a: {  	_ = 	snop  }
0x3b: {  	_ = 	snop  }
0x3c: {  	p2 =	seq.s32 s10, $0x1;
	s10 =	sld [smem:$0x3FA7]  }
0x3d: {  	_ =	shalt  }
0x3e: {  	_ =	shalt  }
0x3f: {  	_ =	shalt  }
0x40: {  	_ =	shalt  }
0x41: {  	_ =	shalt  }
0x42: {  	_ =	shalt  }
0x43: {  	_ =	shalt  }
0x44: {  	_ =	shalt  }
0x45: {  	_ =	shalt  }
0x46: {  	_ =	shalt  }
0x47: {  	_ =	shalt  }
0x48: {  	_ =	shalt  }
0x49: {  	_ =	shalt  }
0x4a: {  	_ =	shalt  }
0x4b: {  	_ =	shalt  }
0x4c: {  	_ =	shalt  }
0x4d: {  	_ =	shalt  }
0x4e: {  	_ =	shalt  }
0x4f: {  	_ =	shalt  }
0x50: {  	_ =	shalt  }
0x51: {  	_ =	shalt  }
0x52: {  	_ =	shalt  }
0x53: {  	_ =	shalt  }
0x54: {  	_ =	shalt  }
0x55: {  	_ =	shalt  }
0x56: {  	_ =	shalt  }
0x57: {  	_ =	shalt  }
0x58: {  	_ =	shalt  }
0x59: {  	_ =	shalt  }
0x5a: {  	_ =	shalt  }
0x5b: {  	_ =	shalt  }
0x5c: {  	_ =	shalt  }
0x5d: {  	_ =	shalt  }
0x5e: {  	_ =	shalt  }
0x5f: {  	_ =	shalt  }
0x60: {  	_ =	shalt  }
0x61: {  	_ =	shalt  }
0x62: {  	_ =	shalt  }
0x63: {  	_ =	shalt  }
0x64: {  	_ =	shalt  }
0x65: {  	_ =	shalt  }
0x66: {  	_ =	shalt  }
0x67: {  	_ =	shalt  }
0x68: {  	_ =	shalt  }
0x69: {  	_ =	shalt  }
0x6a: {  	_ =	shalt  }
0x6b: {  	_ =	shalt  }
0x6c: {  	_ =	shalt  }
0x6d: {  	_ =	shalt  }
0x6e: {  	_ =	shalt  }
0x6f: {  	_ =	shalt  }
0x70: {  	_ =	shalt  }
0x71: {  	_ =	shalt  }
0x72: {  	_ =	shalt  }
0x73: {  	_ =	shalt  }
0x74: {  	_ =	shalt  }
0x75: {  	_ =	shalt  }
0x76: {  	_ =	shalt  }
0x77: {  	_ =	shalt  }
0x78: {  	_ =	shalt  }
0x79: {  	_ =	shalt  }
0x7a: {  	_ =	shalt  }
0x7b: {  	_ =	shalt  }
0x7c: {  	_ =	shalt  }
0x7d: {  	_ =	shalt  }
0x7e: {  	_ =	shalt  }
0x7f: {  	_ =	shalt  }
0x80: {  	_ =	shalt  }
0x81: {  	_ =	shalt  }
0x82: {  	_ =	shalt  }
0x83: {  	_ =	shalt  }
0x84: {  	_ =	shalt  }
0x85: {  	_ =	shalt  }
0x86: {  	_ =	shalt  }
0x87: {  	_ =	shalt  }
.Lfunc_end0:
.L_simem_size_0:
called_computation.2_lowered:
.L_overlay_start_0:
0x88: {  	s2 =	sld [smem:$0x3FD9]  }
0x89: {  	s3 =	sld [smem:$0x3FFE];
	_ =	sdelay $0x1  }
0x8a: {  	s1 =	srdreg.scid  }
0x8b: {  	s0 =	sand.u32 $0x1, s1  }
0x8c: {  	s16 =	sshll.u32 s0, $0xA;
	s2 =	sadd.s32 s3, s2  }
0x8d: {  	s2 =	sadd.s32 s2, s16  }
0x8e: {  	[smem:$0x3FB3] =	sst s2  }
0x8f: {  	_ = 	snop  }
0x90: {  	(tm) =	ssettm $0x1  }
0x91: {  	s17 =	sld [smem:$0x3FFB];
	_ =	sdelay $0x3  }
0x92: {  	_ =	strace s17  }
0x93: {  	s2 =	sld [smem:$0x3FFC];
	_ =	sdelay $0x3  }
0x94: {  	_ =	strace s2  }
0x95: {  	s2 =	sld [smem:$0x3FFD];
	_ =	sdelay $0x3  }
0x96: {  	_ =	strace s2  }
0x97: {  	_ =	strace $0x8FFFFFFF  }
0x98: {  	s18 =	sld [smem:$0x3FDB];
	_ =	sdelay $0x1  }
0x99: {  	s19 =	simm.s32 $_scs_section_size  }
0x9a: {  	s4 =	simm.s32 $_size__tile_overlayer_lowered;
	s5 =	simm.s32 $_tile_overlayer_lowered  }
0x9b: {  	s22 =	simm.s32 $0x1BFF;
	s21 =	sshll.u32 s5, $0x1;
	s2 =	sadd.s32 s19, s18  }
0x9c: {  	s6 =	simm.s32 $0x0;
	s20 =	sshll.u32 s4, $0x1;
	s4 =	sadd.s32 s21, s2  }
0x9d: {  	[timem:s6], [sflag:s22] =	dma.local [hbm:s4], s20  }
0x9e: {  	_ =	swait.ge [sflag:s22], s20  }
0x9f: {  	s3 =	ssub.s32 $0x0, s20;
	[sflag:s22] =	ssyncset.done $0x0  }
0xa0: {  	[sflag:s22] =	ssyncadd.s32 s3;
	_ =	sdelay $0x1  }
0xa1: {  	s23 =	simm.s32 $0x1B8B  }
0xa2: {  	_ =	swait.ge [sflag:s23], $0x1  }
0xa3: {  	[sflag:s23] =	ssyncset.done $0x0  }
0xa4: {  	s25 =	simm.s32 $0x1B8E;
	s24 =	sld [smem:$0x3FFE];
	[sflag:s23] =	ssyncadd.s32 $0xFFFFFFFF  }
0xa5: {  	s26 =	simm.s32 $execute0_lowered;
	[smem:$0x3FD2] =	sst s25  }
0xa6: {  	s4 =	sshll.u32 s26, $0x1;
	_ =	strace $0x8000004C;
	[dreg:$0x1] =	wrdreg $0xFFFFFFFF  }
0xa7: {  	s28 =	simm.s32 $_size_execute0_lowered;
	s2 =	sadd.s32 s2, s4;
	[dreg:$0x0] =	wrdreg $0x0  }
0xa8: {  	s4 =	sshll.u32 s28, $0x1;
	[dreg:$0x2] =	wrdreg s2  }
0xa9: {  	[dreg:$0x3] =	wrdreg s4  }
0xaa: {  	[dreg:$0x4] =	wrdreg $0xC0  }
0xab: {  	_ =	task [dreg:s6], $0x5FFFF  }
0xac: {  	[dreg:$0x1] =	wrdreg $0xFFFFFFFF  }
0xad: {  	[dreg:$0x0] =	wrdreg $0x60  }
0xae: {  	[dreg:$0x2] =	wrdreg s24  }
0xaf: {  	[dreg:$0x3] =	wrdreg $0x150000  }
0xb0: {  	[dreg:$0x4] =	wrdreg $0x9  }
0xb1: {  	_ =	task.clear_ibuf [dreg:s6], $0x5FFFF;
	_ =	strace $0x9000004C  }
0xb2: {  	s29 =	simm.s32 $0x9;
	_ =	strace $0x8000004E  }
0xb3: {  	_ =	swait.ge [sflag:s29], $0x1  }
0xb4: {  	[sflag:s29] =	ssyncadd.s32 $0xFFFFFFFF  }
0xb5: {  	_ =	strace $0x9000004E  }
0xb6: {  	_ =	sfence  }
0xb7: {  	s30 =	sld [smem:$0x0];
	_ =	sdelay $0x2  }
0xb8: {  	s31 =	sshll.u32 s1, $0xD;
	s1 =	sshrl.u32 s1, $0x2  }
0xb9: {  	s3 =	sand.u32 $0x4000, s31;
	s1 =	sadd.s32 s1, s30  }
0xba: {  	s0 =	sor.u32 s3, s0;
	s1 =	sshll.u32 s1, $0x11  }
0xbb: {  	s0 =	sor.u32 s1, s0  }
0xbc: {  	s0 =	sadd.s32 $0x8F2B, s0  }
0xbd: {  	[sflag:s0] =	ssyncadd.remote.s32 $0x1  }
0xbe: {  	_ =	sfence.sel $0xFFFF  }
0xbf: {  	[dreg:$0x0] =	wrdreg $0xFFFFFFFF;
	(pc) =	sbr.abs _section_cstart, $3  }
0xc0: {  	[dreg:$0x1] =	wrdreg $0xFFFFFFFF  }
0xc1: {  	_ =	task.clear_ibuf [dreg:s6], $0x2FFFF;
	_ =	strace $0x9FFFFFFF  }
0xc2: {  	(tm) =	ssettm $0x7FFFFFFF  }
0xc3: {  	_ =	shalt  }
tec
execute0_lowered:
.L_overlay_start_1:
0x0: {  	(tag) =	ssettag $0x1  }
0x1: {  	s0 =	rddreg [dreg:$0x0]  }
0x2: {  	s1 =	rddreg [dreg:$0x1];
	s3 =	simm.s32 $0x0  }
0x3: {  	s2 =	srdreg.scid;
	s15 =	stileid.u32;
	s19 =	simm.s32 $0x8000  }
0x4: {  	s20 =	simm.s32 $0x50;
	s21 =	simm.s32 $0x10000;
	s22 =	simm.s32 $0x1  }
0x5: {  	s23 =	simm.s32 $0x80;
	s24 =	simm.s32 $0x12800;
	s28 =	simm.s32 $0x4  }
0x6: {  	s29 =	simm.s32 $0xFC80;
	s30 =	simm.s32 $0x0;
	s11 =	smul.u32 $0xA000, s15  }
0x7: {  	[smem:$0x7FF] =	sst s3;
	s2 =	sand.u32 $0x1, s2;
	s25 =	smul.u32 $0x28000, s15  }
0x8: {  	s6 =	sshll.u32 s15, $0xC;
	s13 =	sadd.s32 $0x24600, s0;
	s9 =	smul.u32 $0x1400, s15  }
0x9: {  	s16 =	sadd.s32 $0x96000, s1;
	p0 =	seq.s32 s15, $0xF;
	s5 =	smul.u32 $0x140000, s2  }
0xa: {  	s4 =	sshll.u32 s2, $0x10;
	_ =	strace $0x8000004D;
	s12 =	sadd.s32 s6, s0  }
0xb: {  	s2 =	ssub.s32 $0x2, s2;
	s16 =	sshrl.u32 @p0 s16, $0x3;
	s7 =	sor.u32 s6, s4  }
0xc: {  	s4 =	sadd.s32 $0xC8E00, s0;
	s8 =	sshrl.u32 s2, $0x1;
	s6 =	sshrl.u32 s25, $0x2  }
0xd: {  	s26 =	sadd.s32 s13, s9;
	s9 =	sadd.s32 $0xA8E00, s12;
	s31 =	sshrl.u32 s11, $0x3  }
0xe: {  	s12 =	sadd.s32 $0xB8E00, s12;
	s25 =	simm.s32 $0x2;
	s7 =	sadd.s32 s7, s0  }
0xf: {  	s5 =	sadd.s32 s11, s5;
	s2 =	ssub.s32 s2, s8;
	s6 =	sadd.s32 s6, s1  }
0x10: {  	[dreg:$0x4] =	wrdreg s26;
	s8 =	sadd.s32 $0x37200, s0;
	s11 =	sadd.s32 s13, s31  }
0x11: {  	s26 =	simm.s32 $0x3;
	s5 =	sshrl.u32 s5, $0x3;
	s7 =	sadd.s32 $0x88E00, s7  }
0x12: {  	s14 =	smax.u32 s2, $0x1;
	s18 =	sshrl.u32 @!p0 s6, $0x3;
	s5 =	sadd.s32 s5, s0  }
0x13: {  	[dreg:$0x3] =	wrdreg s7;
	s0 =	sshll.u32 @!p0 s15, $0x6;
	s15 =	simm.s32 $0x5  }
0x14: {  	s10 =	sadd.s32 $0x117000, s5;
	s13 =	sadd.s32 $0x117800, s5;
	s17 =	sor.u32 @!p0 $0x1C05, s0  }
.LBB2_1:
0x15: {  	s0 =	rddreg [dreg:$0x3]  }
0x16: {  	[tilespmem:s3], [sflag:$0x5] =	stream.linear.gather [hbm4b:s0+s3], $0x7E00, $0x38;
	[tilespmem:$0x1F040] =	vst v63  }
0x17: {  	_ =	swait.ge [sflag:s15], $0x7E00  }
0x18: {  	[sflag:s15] =	ssyncset.done $0x0  }
0x19: {  	s0 =	simm.s32 @p0 $0x1FC5;
	[sflag:s15] =	ssyncadd.s32 $0xFFFF8200  }
0x1a: {  	[spmem:s16], [sflag:s0] =	dma.local @p0 [hbm:s8], $0x1480  }
0x1b: {  	s0 =	simm.s32 @p0 $0x5  }
0x1c: {  	_ =	swait.ge @p0 [sflag:s0], $0x1480  }
0x1d: {  	[sflag:s0] =	ssyncset.done @p0 $0x0  }
0x1e: {  	[sflag:s0] =	ssyncadd.s32 @p0 $0xFFFFEB80;
	s0 =	rddreg [dreg:$0x4]  }
0x1f: {  	[spmem:s18], [sflag:s17] =	dma.local @!p0 [hbm:s0], $0x1400  }
0x20: {  	s0 =	simm.s32 @!p0 $0x5  }
0x21: {  	_ =	swait.ge @!p0 [sflag:s0], $0x1400  }
0x22: {  	[sflag:s0] =	ssyncset.done @!p0 $0x0  }
0x23: {  	[sflag:s0] =	ssyncadd.s32 @!p0 $0xFFFFEC00  }
0x24: {  	[tilespmem:s19], [sflag:$0x5] =	stream.linear.gather [hbm4b:s9+s3], $0x7D00, $0x38;
	[tilespmem:$0x1F040] =	vst v63  }
0x25: {  	_ =	swait.ge [sflag:s15], $0x7D00  }
0x26: {  	[sflag:s15] =	ssyncset.done $0x0  }
0x27: {  	[sflag:s15] =	ssyncadd.s32 $0xFFFF8300  }
0x28: {  	[bflag:$0x0] =	sbarrier.arrive $0xFFFF  }
0x29: {  	[tilespmem:s21], [sflag:$0x1] =	stream.indirect.gather [hbm4b:s4+s20], $0x80, s3, s20, $0xb8;
	[tilespmem:$0x1F040] =	vst v63  }
0x2a: {  	_ =	swait.ge [sflag:s22], $0x2800  }
0x2b: {  	[sflag:s22] =	ssyncset.done $0x0  }
0x2c: {  	[sflag:s22] =	ssyncadd.s32 $0xFFFFD800  }
0x2d: {  	[spmem:s1] =	stream.indirect.scatter.add.f32 [tilespmem:s21], [sflag:$0x3], $0x80, s19, s20, $0xb8;
	[tilespmem:$0x1F040] =	vst v63  }
0x2e: {  	_ = 	snop  }
0x2f: {  	[tilespmem:s24], [sflag:$0x2] =	stream.indirect.gather [hbm4b:s4+s20], $0x80, s23, s20, $0xb8;
	[tilespmem:$0x1F040] =	vst v63  }
0x30: {  	_ =	swait.ge [sflag:s25], $0x2800  }
0x31: {  	[sflag:s25] =	ssyncset.done $0x0  }
0x32: {  	s5 =	simm.s32 $0x8080;
	[sflag:s25] =	ssyncadd.s32 $0xFFFFD800  }
0x33: {  	[spmem:s1] =	stream.indirect.scatter.add.f32 [tilespmem:s24], [sflag:$0x4], $0x80, s5, s20, $0xb8;
	[tilespmem:$0x1F040] =	vst v63  }
0x34: {  	_ =	swait.ge [sflag:s26], $0x2800  }
0x35: {  	[sflag:s26] =	ssyncset.done $0x0  }
0x36: {  	s7 =	simm.s32 $0x100;
	[sflag:s26] =	ssyncadd.s32 $0xFFFFD800  }
0x37: {  	[tilespmem:s21], [sflag:$0x1] =	stream.indirect.gather [hbm4b:s4+s20], $0x80, s7, s20, $0xb8;
	[tilespmem:$0x1F040] =	vst v63  }
0x38: {  	_ =	swait.ge [sflag:s22], $0x2800  }
0x39: {  	[sflag:s22] =	ssyncset.done $0x0  }
0x3a: {  	s31 =	simm.s32 $0x8100;
	[sflag:s22] =	ssyncadd.s32 $0xFFFFD800  }
0x3b: {  	[spmem:s1] =	stream.indirect.scatter.add.f32 [tilespmem:s21], [sflag:$0x3], $0x80, s31, s20, $0xb8;
	[tilespmem:$0x1F040] =	vst v63  }
0x3c: {  	_ =	swait.ge [sflag:s28], $0x2800  }
0x3d: {  	[sflag:s28] =	ssyncset.done $0x0  }
0x3e: {  	s2 =	simm.s32 $0x180;
	s0 =	simm.s32 $0xFFFE1400;
	[sflag:s28] =	ssyncadd.s32 $0xFFFFD800  }
.LBB2_2:
0x3f: {  	[tilespmem:s24], [sflag:$0x2] =	stream.indirect.gather [hbm4b:s4+s20], $0x80, s2, s20, $0xb8;
	[tilespmem:$0x1F040] =	vst v63  }
0x40: {  	s2 =	smov.u32 s0  }
0x41: {  	p1 =	sne.s32 s0, $0xFFFFFC00;
	s0 =	sadd.s32 $0x400, s0;
	_ =	swait.ge [sflag:s25], $0x2800  }
0x42: {  	s2 =	sshra.s32 s2, $0x2;
	[sflag:s25] =	ssyncset.done $0x0  }
0x43: {  	s5 =	sadd.s32 $0xFC80, s2;
	[sflag:s25] =	ssyncadd.s32 $0xFFFFD800  }
0x44: {  	[spmem:s1] =	stream.indirect.scatter.add.f32 [tilespmem:s24], [sflag:$0x4], $0x80, s5, s20, $0xb8;
	[tilespmem:$0x1F040] =	vst v63  }
0x45: {  	_ =	swait.ge [sflag:s26], $0x2800  }
0x46: {  	[sflag:s26] =	ssyncset.done $0x0  }
0x47: {  	s5 =	sadd.s32 $0x7D00, s2;
	[sflag:s26] =	ssyncadd.s32 $0xFFFFD800  }
0x48: {  	[tilespmem:s21], [sflag:$0x1] =	stream.indirect.gather [hbm4b:s4+s20], $0x80, s5, s20, $0xb8;
	[tilespmem:$0x1F040] =	vst v63  }
0x49: {  	_ =	swait.ge [sflag:s22], $0x2800  }
0x4a: {  	[sflag:s22] =	ssyncset.done $0x0  }
.Ltmp0:
0x4b: {  	s5 =	sadd.s32 $0xFD00, s2;
	[sflag:s22] =	ssyncadd.s32 $0xFFFFD800;
	(pc) =	sbr.rel @p1 .LBB2_2-.Ltmp0, $4  }
0x4c: {  	[spmem:s1] =	stream.indirect.scatter.add.f32 [tilespmem:s21], [sflag:$0x3], $0x80, s5, s20, $0xb8;
	[tilespmem:$0x1F040] =	vst v63  }
0x4d: {  	_ =	swait.ge [sflag:s28], $0x2800  }
0x4e: {  	[sflag:s28] =	ssyncset.done $0x0  }
0x4f: {  	s2 =	sadd.s32 $0x7D80, s2;
	[sflag:s28] =	ssyncadd.s32 $0xFFFFD800  }
0x50: {  	[tilespmem:s24], [sflag:$0x2] =	stream.indirect.gather [hbm4b:s4+s20], $0x80, s2, s20, $0xb8;
	[tilespmem:$0x1F040] =	vst v63  }
0x51: {  	_ =	swait.ge [sflag:s25], $0x2800  }
0x52: {  	[sflag:s25] =	ssyncset.done $0x0  }
0x53: {  	[sflag:s25] =	ssyncadd.s32 $0xFFFFD800  }
0x54: {  	[spmem:s1] =	stream.indirect.scatter.add.f32 [tilespmem:s24], [sflag:$0x4], $0x80, s29, s20, $0xb8;
	[tilespmem:$0x1F040] =	vst v63  }
0x55: {  	_ =	swait.ge [sflag:s26], $0x2800  }
0x56: {  	[sflag:s26] =	ssyncset.done $0x0  }
0x57: {  	[sflag:s26] =	ssyncadd.s32 $0xFFFFD800  }
0x58: {  	_ =	swait.ge [sflag:s28], $0x2800  }
0x59: {  	s0 =	stileid.u32;
	[sflag:s28] =	ssyncset.done $0x0  }
0x5a: {  	s0 =	sshll.u32 s0, $0x6;
	[sflag:s28] =	ssyncadd.s32 $0xFFFFD800  }
0x5b: {  	s31 =	sor.u32 $0x1C05, s0;
	s0 =	sshrl.u32 s6, $0x3;
	[bflag:$0x0] =	sbarrier.arrive $0xFFFF  }
0x5c: {  	[hbm:s10], [sflag:s31] =	dma.local [spmem:s0], $0x1400  }
0x5d: {  	_ =	swait.ge [sflag:s15], $0x1400  }
0x5e: {  	[sflag:s15] =	ssyncset.done $0x0  }
0x5f: {  	[sflag:s15] =	ssyncadd.s32 $0xFFFFEC00  }
0x60: {  	s2 =	simm.s32 @p0 $0x5;
	[bflag:$0x0] =	sbarrier.arrive $0xFFFF  }
0x61: {  	[spmem:s16], [sflag:s31] =	dma.local @p0 [hbm:s8], $0x1480  }
0x62: {  	_ =	swait.ge @p0 [sflag:s2], $0x1480  }
0x63: {  	[sflag:s2] =	ssyncset.done @p0 $0x0  }
0x64: {  	[sflag:s2] =	ssyncadd.s32 @p0 $0xFFFFEB80;
	s2 =	simm.s32 @!p0 $0x5  }
0x65: {  	[spmem:s18], [sflag:s31] =	dma.local @!p0 [hbm:s11], $0x1400  }
0x66: {  	_ =	swait.ge @!p0 [sflag:s2], $0x1400  }
0x67: {  	[sflag:s2] =	ssyncset.done @!p0 $0x0  }
0x68: {  	[sflag:s2] =	ssyncadd.s32 @!p0 $0xFFFFEC00  }
0x69: {  	[tilespmem:s19], [sflag:$0x5] =	stream.linear.gather [hbm4b:s12+s3], $0x7D00, $0x38;
	[tilespmem:$0x1F040] =	vst v63  }
0x6a: {  	_ =	swait.ge [sflag:s15], $0x7D00  }
0x6b: {  	[sflag:s15] =	ssyncset.done $0x0  }
0x6c: {  	[sflag:s15] =	ssyncadd.s32 $0xFFFF8300  }
0x6d: {  	[bflag:$0x0] =	sbarrier.arrive $0xFFFF  }
0x6e: {  	[tilespmem:s21], [sflag:$0x1] =	stream.indirect.gather [hbm4b:s4+s20], $0x80, s3, s20, $0xb8;
	[tilespmem:$0x1F040] =	vst v63  }
0x6f: {  	_ =	swait.ge [sflag:s22], $0x2800  }
0x70: {  	[sflag:s22] =	ssyncset.done $0x0  }
0x71: {  	[sflag:s22] =	ssyncadd.s32 $0xFFFFD800  }
0x72: {  	[spmem:s1] =	stream.indirect.scatter.add.f32 [tilespmem:s21], [sflag:$0x3], $0x80, s19, s20, $0xb8;
	[tilespmem:$0x1F040] =	vst v63  }
0x73: {  	_ = 	snop  }
0x74: {  	[tilespmem:s24], [sflag:$0x2] =	stream.indirect.gather [hbm4b:s4+s20], $0x80, s23, s20, $0xb8;
	[tilespmem:$0x1F040] =	vst v63  }
0x75: {  	_ =	swait.ge [sflag:s25], $0x2800  }
0x76: {  	[sflag:s25] =	ssyncset.done $0x0  }
0x77: {  	s7 =	simm.s32 $0x8080;
	[sflag:s25] =	ssyncadd.s32 $0xFFFFD800  }
0x78: {  	[spmem:s1] =	stream.indirect.scatter.add.f32 [tilespmem:s24], [sflag:$0x4], $0x80, s7, s20, $0xb8;
	[tilespmem:$0x1F040] =	vst v63  }
0x79: {  	_ =	swait.ge [sflag:s26], $0x2800  }
0x7a: {  	[sflag:s26] =	ssyncset.done $0x0  }
0x7b: {  	s5 =	simm.s32 $0x100;
	[sflag:s26] =	ssyncadd.s32 $0xFFFFD800  }
0x7c: {  	[tilespmem:s21], [sflag:$0x1] =	stream.indirect.gather [hbm4b:s4+s20], $0x80, s5, s20, $0xb8;
	[tilespmem:$0x1F040] =	vst v63  }
0x7d: {  	_ =	swait.ge [sflag:s22], $0x2800  }
0x7e: {  	[sflag:s22] =	ssyncset.done $0x0  }
0x7f: {  	s7 =	simm.s32 $0x8100;
	[sflag:s22] =	ssyncadd.s32 $0xFFFFD800  }
0x80: {  	[spmem:s1] =	stream.indirect.scatter.add.f32 [tilespmem:s21], [sflag:$0x3], $0x80, s7, s20, $0xb8;
	[tilespmem:$0x1F040] =	vst v63  }
0x81: {  	_ =	swait.ge [sflag:s28], $0x2800  }
0x82: {  	[sflag:s28] =	ssyncset.done $0x0  }
0x83: {  	s2 =	simm.s32 $0xFFFE1400;
	s5 =	simm.s32 $0x180;
	[sflag:s28] =	ssyncadd.s32 $0xFFFFD800  }
.LBB2_4:
0x84: {  	[tilespmem:s24], [sflag:$0x2] =	stream.indirect.gather [hbm4b:s4+s20], $0x80, s5, s20, $0xb8;
	[tilespmem:$0x1F040] =	vst v63  }
0x85: {  	s5 =	smov.u32 s2  }
0x86: {  	p1 =	sne.s32 s2, $0xFFFFFC00;
	s2 =	sadd.s32 $0x400, s2;
	_ =	swait.ge [sflag:s25], $0x2800  }
0x87: {  	s5 =	sshra.s32 s5, $0x2;
	[sflag:s25] =	ssyncset.done $0x0  }
0x88: {  	s7 =	sadd.s32 $0xFC80, s5;
	[sflag:s25] =	ssyncadd.s32 $0xFFFFD800  }
0x89: {  	[spmem:s1] =	stream.indirect.scatter.add.f32 [tilespmem:s24], [sflag:$0x4], $0x80, s7, s20, $0xb8;
	[tilespmem:$0x1F040] =	vst v63  }
0x8a: {  	_ =	swait.ge [sflag:s26], $0x2800  }
0x8b: {  	[sflag:s26] =	ssyncset.done $0x0  }
0x8c: {  	s7 =	sadd.s32 $0x7D00, s5;
	[sflag:s26] =	ssyncadd.s32 $0xFFFFD800  }
0x8d: {  	[tilespmem:s21], [sflag:$0x1] =	stream.indirect.gather [hbm4b:s4+s20], $0x80, s7, s20, $0xb8;
	[tilespmem:$0x1F040] =	vst v63  }
0x8e: {  	_ =	swait.ge [sflag:s22], $0x2800  }
0x8f: {  	[sflag:s22] =	ssyncset.done $0x0  }
.Ltmp1:
0x90: {  	s7 =	sadd.s32 $0xFD00, s5;
	[sflag:s22] =	ssyncadd.s32 $0xFFFFD800;
	(pc) =	sbr.rel @p1 .LBB2_4-.Ltmp1, $4  }
0x91: {  	[spmem:s1] =	stream.indirect.scatter.add.f32 [tilespmem:s21], [sflag:$0x3], $0x80, s7, s20, $0xb8;
	[tilespmem:$0x1F040] =	vst v63  }
0x92: {  	_ =	swait.ge [sflag:s28], $0x2800  }
0x93: {  	[sflag:s28] =	ssyncset.done $0x0  }
0x94: {  	s5 =	sadd.s32 $0x7D80, s5;
	[sflag:s28] =	ssyncadd.s32 $0xFFFFD800  }
0x95: {  	[tilespmem:s24], [sflag:$0x2] =	stream.indirect.gather [hbm4b:s4+s20], $0x80, s5, s20, $0xb8;
	[tilespmem:$0x1F040] =	vst v63  }
0x96: {  	_ =	swait.ge [sflag:s25], $0x2800  }
0x97: {  	[sflag:s25] =	ssyncset.done $0x0  }
0x98: {  	[sflag:s25] =	ssyncadd.s32 $0xFFFFD800  }
0x99: {  	[spmem:s1] =	stream.indirect.scatter.add.f32 [tilespmem:s24], [sflag:$0x4], $0x80, s29, s20, $0xb8;
	[tilespmem:$0x1F040] =	vst v63  }
0x9a: {  	_ =	swait.ge [sflag:s26], $0x2800  }
0x9b: {  	[sflag:s26] =	ssyncset.done $0x0  }
0x9c: {  	[sflag:s26] =	ssyncadd.s32 $0xFFFFD800  }
0x9d: {  	_ =	swait.ge [sflag:s28], $0x2800  }
0x9e: {  	[sflag:s28] =	ssyncset.done $0x0  }
0x9f: {  	s30 =	sadd.s32 $0x1, s30;
	[sflag:s28] =	ssyncadd.s32 $0xFFFFD800  }
0xa0: {  	p1 =	sne.s32 s30, s14;
	[bflag:$0x0] =	sbarrier.arrive $0xFFFF  }
0xa1: {  	[hbm:s13], [sflag:s31] =	dma.local [spmem:s0], $0x1400  }
.Ltmp2:
0xa2: {  	_ =	swait.ge [sflag:s15], $0x1400;
	(pc) =	sbr.rel @p1 .LBB2_1-.Ltmp2, $3  }
0xa3: {  	[sflag:s15] =	ssyncset.done $0x0  }
0xa4: {  	[sflag:s15] =	ssyncadd.s32 $0xFFFFEC00  }
0xa5: {  	[bflag:$0x0] =	sbarrier.arrive $0xFFFF;
	_ =	sdelay $0x1  }
0xa6: {  	_ =	sfence.sel $0x180000  }
0xa7: {  	[bflag:$0x0] =	sbarrier.arrive $0xFFFF  }
0xa8: {  	_ =	strace $0x9000004D  }
0xa9: {  	s0 =	stileid.u32;
	[bflag:$0x2] =	sbarrier.arrive $0xFFFF  }
0xaa: {  	p0 =	sne.s32 s0, $0x0;
	s0 =	rddreg [dreg:$0x2]  }
0xab: {  	s0 =	sadd.s32 @!p0 $0x100000, s0  }
0xac: {  	[sflag:s0] =	ssyncadd.tile.s32 @!p0 $0x1;
	_ =	shalt  }
.Lfunc_end2:
_tile_overlayer_lowered:
.L_overlay_start_2:
0xad: {  	(tag) =	ssettag $0x2  }
0xae: {  	s0 =	rddreg [dreg:$0x0];
	s2 =	stileid.u32  }
0xaf: {  	s1 =	rddreg [dreg:$0x1];
	p0 =	sne.s32 s2, $0x0  }
0xb0: {  	s3 =	rddreg [dreg:$0x2];
	[bflag:$0x3] =	sbarrier.arrive $0xFFFF;
	s2 =	simm.s32 @!p0 $0x1C05  }
0xb1: {  	[timem:s3], [sflag:s2] =	dma.local @!p0 [hbm:s0], s1  }
0xb2: {  	s0 =	simm.s32 @!p0 $0x5  }
0xb3: {  	_ =	swait.ge @!p0 [sflag:s0], s1  }
0xb4: {  	s1 =	ssub.s32 @!p0 $0x0, s1;
	[sflag:s0] =	ssyncset.done @!p0 $0x0  }
0xb5: {  	[sflag:s0] =	ssyncadd.s32 @!p0 s1  }
0xb6: {  	[bflag:$0x3] =	sbarrier.arrive $0xFFFF  }
0xb7: {  	_ =	shalt  }

// kernel: kernel.9.cloned.1.call-start
scs
__scs_entry_jumppad:
0x0: {  	(pc) =	sbr.rel $0x88, $3  }
0x1: {  	(tag) =	ssettag $0x0;
	lr =	simm.s32 $0x1  }
0x2: {  	[smem:$0x3F8C] =	sst lr;
	_ =	strace $0xD0000000  }
0x3: {  	_ = 	snop  }
0x4: {  	_ = 	snop  }
0x5: {  	_ = 	snop  }
0x6: {  	_ = 	snop  }
0x7: {  	_ = 	snop  }
__scs_overlays_trampoline_lowered:
0x8: {  	[smem:$0x3F9B] =	sst s0  }
0x9: {  	[smem:$0x3F9C] =	sst s1  }
0xa: {  	[smem:$0x3F9D] =	sst s2  }
0xb: {  	[smem:$0x3F9E] =	sst s3  }
0xc: {  	[smem:$0x3F9F] =	sst s4  }
0xd: {  	[smem:$0x3FA0] =	sst s5  }
0xe: {  	[smem:$0x3FA1] =	sst s6  }
0xf: {  	[smem:$0x3FA2] =	sst s7  }
0x10: {  	[smem:$0x3FA3] =	sst s8  }
0x11: {  	[smem:$0x3FA4] =	sst s9;
	s0 =	simm.s32 @!p0 $0x0  }
0x12: {  	s1 =	sld [smem:$0x3F8A];
	s0 =	simm.s32 @p0 $0x1  }
0x13: {  	[smem:$0x3FA5] =	sst s0;
	s0 =	simm.s32 @!p1 $0x0  }
0x14: {  	s2 =	sld [smem:$0x3F89];
	s0 =	simm.s32 @p1 $0x1  }
0x15: {  	[smem:$0x3FA6] =	sst s0;
	s0 =	simm.s32 @!p2 $0x0  }
0x16: {  	s3 =	sld [smem:$0x3FDB];
	s0 =	simm.s32 @p2 $0x1  }
0x17: {  	s4 =	simm.s32 $0x1BF5;
	[smem:$0x3FA8] =	sst s0  }
0x18: {  	s0 =	sld [smem:$0x3F8B];
	_ =	swait.ge [sflag:s4], $0x0  }
0x19: {  	s7 =	sld [smem:$0x3F8C]  }
0x1a: {  	s8 =	sadd.s32 $0xFFFFE003, lr  }
0x1b: {  	s9 =	sadd.s32 $0xFFFFFEF7, lr;
	s5 =	simm.s32 $0xFFFFFFFF;
	p2 =	slt.u32 s8, $0xFFFFF086  }
0x1c: {  	p1 =	slt.u32 s9, $0xF7A;
	s5 =	simm.s32 @!p2 $0x0  }
0x1d: {  	s5 =	simm.s32 @p1 $0x1;
	p0 =	seq.s32 s7, s2  }
0x1e: {  	s7 =	smul.u32 @!p0 $0xF7A, s2;
	p2 =	seq.s32 @!p0 s5, $0x0  }
0x1f: {  	s9 =	smul.u32 $0xF7A, s1;
	s8 =	simm.s32 @!p0 $0x1BF5;
	p2 =	por !p2, p0  }
0x20: {  	[sflag:s8] =	ssyncset.s32 @!p0 $0xFFFFF086;
	s6 =	sadd.s32 @!p0 s3, s7;
	s7 =	simm.s32 @!p0 $0x108  }
0x21: {  	s3 =	sadd.s32 s3, s9;
	s6 =	sadd.s32 @!p0 $0x88, s6;
	s7 =	simm.s32 @p2 $0x1082  }
0x22: {  	[simem:s7], [sflag:s8] =	dma.local @!p0 [hbm:s6], $0xF7A  }
0x23: {  	s9 =	sor.u32 $0xD0000000, s2;
	s6 =	simm.s32 $0x108;
	_ =	swait.ge @!p0 [sflag:s8], $0x0  }
0x24: {  	s3 =	sadd.s32 $0x88, s3;
	s6 =	simm.s32 @!p1 $0x1082;
	[sflag:s4] =	ssyncset.s32 $0xFFFFF086  }
0x25: {  	[simem:s6], [sflag:s4] =	dma.local [hbm:s3], $0xF7A  }
0x26: {  	[smem:$0x3F8C] =	sst s1;
	(tag) =	ssettag s2;
	_ =	strace s9  }
0x27: {  	s1 =	sld [smem:$0x3F9C]  }
0x28: {  	s2 =	sld [smem:$0x3F9D]  }
0x29: {  	s4 =	sld [smem:$0x3F9F]  }
0x2a: {  	p0 =	seq.s32 s5, $0x0;
	s5 =	sld [smem:$0x3FA0]  }
0x2b: {  	s6 =	sld [smem:$0x3FA1]  }
0x2c: {  	s7 =	sld [smem:$0x3FA2]  }
0x2d: {  	s3 =	simm.s32 $0x108;
	s8 =	sld [smem:$0x3FA3]  }
0x2e: {  	s3 =	simm.s32 @!p0 $0x1082;
	s9 =	sld [smem:$0x3FA4]  }
0x2f: {  	lr =	sadd.s32 s0, s3;
	s0 =	sld [smem:$0x3F9B]  }
0x30: {  	s3 =	sld [smem:$0x3F9E]  }
0x31: {  	[smem:$0x3FA7] =	sst s10  }
0x32: {  	s10 =	sld [smem:$0x3FA5];
	_ =	sdelay $0x3  }
0x33: {  	p0 =	seq.s32 s10, $0x1;
	s10 =	sld [smem:$0x3FA7];
	_ =	sdelay $0x3  }
0x34: {  	[smem:$0x3FA7] =	sst s10  }
0x35: {  	s10 =	sld [smem:$0x3FA6];
	_ =	sdelay $0x3  }
0x36: {  	p1 =	seq.s32 s10, $0x1;
	s10 =	sld [smem:$0x3FA7];
	_ =	sdelay $0x3  }
0x37: {  	[smem:$0x3FA7] =	sst s10  }
0x38: {  	s10 =	sld [smem:$0x3FA8]  }
0x39: {  	_ = 	snop;
	(pc) =	sbr.ind lr, $3  }
0x3a: {  	_ = 	snop  }
0x3b: {  	_ = 	snop  }
0x3c: {  	p2 =	seq.s32 s10, $0x1;
	s10 =	sld [smem:$0x3FA7]  }
0x3d: {  	_ =	shalt  }
0x3e: {  	_ =	shalt  }
0x3f: {  	_ =	shalt  }
0x40: {  	_ =	shalt  }
0x41: {  	_ =	shalt  }
0x42: {  	_ =	shalt  }
0x43: {  	_ =	shalt  }
0x44: {  	_ =	shalt  }
0x45: {  	_ =	shalt  }
0x46: {  	_ =	shalt  }
0x47: {  	_ =	shalt  }
0x48: {  	_ =	shalt  }
0x49: {  	_ =	shalt  }
0x4a: {  	_ =	shalt  }
0x4b: {  	_ =	shalt  }
0x4c: {  	_ =	shalt  }
0x4d: {  	_ =	shalt  }
0x4e: {  	_ =	shalt  }
0x4f: {  	_ =	shalt  }
0x50: {  	_ =	shalt  }
0x51: {  	_ =	shalt  }
0x52: {  	_ =	shalt  }
0x53: {  	_ =	shalt  }
0x54: {  	_ =	shalt  }
0x55: {  	_ =	shalt  }
0x56: {  	_ =	shalt  }
0x57: {  	_ =	shalt  }
0x58: {  	_ =	shalt  }
0x59: {  	_ =	shalt  }
0x5a: {  	_ =	shalt  }
0x5b: {  	_ =	shalt  }
0x5c: {  	_ =	shalt  }
0x5d: {  	_ =	shalt  }
0x5e: {  	_ =	shalt  }
0x5f: {  	_ =	shalt  }
0x60: {  	_ =	shalt  }
0x61: {  	_ =	shalt  }
0x62: {  	_ =	shalt  }
0x63: {  	_ =	shalt  }
0x64: {  	_ =	shalt  }
0x65: {  	_ =	shalt  }
0x66: {  	_ =	shalt  }
0x67: {  	_ =	shalt  }
0x68: {  	_ =	shalt  }
0x69: {  	_ =	shalt  }
0x6a: {  	_ =	shalt  }
0x6b: {  	_ =	shalt  }
0x6c: {  	_ =	shalt  }
0x6d: {  	_ =	shalt  }
0x6e: {  	_ =	shalt  }
0x6f: {  	_ =	shalt  }
0x70: {  	_ =	shalt  }
0x71: {  	_ =	shalt  }
0x72: {  	_ =	shalt  }
0x73: {  	_ =	shalt  }
0x74: {  	_ =	shalt  }
0x75: {  	_ =	shalt  }
0x76: {  	_ =	shalt  }
0x77: {  	_ =	shalt  }
0x78: {  	_ =	shalt  }
0x79: {  	_ =	shalt  }
0x7a: {  	_ =	shalt  }
0x7b: {  	_ =	shalt  }
0x7c: {  	_ =	shalt  }
0x7d: {  	_ =	shalt  }
0x7e: {  	_ =	shalt  }
0x7f: {  	_ =	shalt  }
0x80: {  	_ =	shalt  }
0x81: {  	_ =	shalt  }
0x82: {  	_ =	shalt  }
0x83: {  	_ =	shalt  }
0x84: {  	_ =	shalt  }
0x85: {  	_ =	shalt  }
0x86: {  	_ =	shalt  }
0x87: {  	_ =	shalt  }
.Lfunc_end0:
.L_simem_size_0:
called_computation_lowered:
.L_overlay_start_0:
0x88: {  	s2 =	sld [smem:$0x3FD9]  }
0x89: {  	s3 =	sld [smem:$0x3FFE];
	_ =	sdelay $0x1  }
0x8a: {  	s1 =	srdreg.scid  }
0x8b: {  	s0 =	sand.u32 $0x1, s1  }
0x8c: {  	s16 =	sshll.u32 s0, $0xA;
	s2 =	sadd.s32 s3, s2  }
0x8d: {  	s2 =	sadd.s32 s2, s16  }
0x8e: {  	[smem:$0x3FB3] =	sst s2  }
0x8f: {  	_ = 	snop  }
0x90: {  	(tm) =	ssettm $0x1  }
0x91: {  	s17 =	sld [smem:$0x3FFB];
	_ =	sdelay $0x3  }
0x92: {  	_ =	strace s17  }
0x93: {  	s2 =	sld [smem:$0x3FFC];
	_ =	sdelay $0x3  }
0x94: {  	_ =	strace s2  }
0x95: {  	s2 =	sld [smem:$0x3FFD];
	_ =	sdelay $0x3  }
0x96: {  	_ =	strace s2  }
0x97: {  	_ =	strace $0x8FFFFFFF  }
0x98: {  	s18 =	sld [smem:$0x3FDB];
	_ =	sdelay $0x1  }
0x99: {  	s19 =	simm.s32 $_scs_section_size  }
0x9a: {  	s4 =	simm.s32 $_size__tile_overlayer_lowered;
	s5 =	simm.s32 $_tile_overlayer_lowered  }
0x9b: {  	s22 =	simm.s32 $0x1BFF;
	s21 =	sshll.u32 s5, $0x1;
	s2 =	sadd.s32 s19, s18  }
0x9c: {  	s6 =	simm.s32 $0x0;
	s20 =	sshll.u32 s4, $0x1;
	s4 =	sadd.s32 s21, s2  }
0x9d: {  	[timem:s6], [sflag:s22] =	dma.local [hbm:s4], s20  }
0x9e: {  	_ =	swait.ge [sflag:s22], s20  }
0x9f: {  	s3 =	ssub.s32 $0x0, s20;
	[sflag:s22] =	ssyncset.done $0x0  }
0xa0: {  	[sflag:s22] =	ssyncadd.s32 s3;
	_ =	sdelay $0x1  }
0xa1: {  	s23 =	simm.s32 $0x1B8B  }
0xa2: {  	_ =	swait.ge [sflag:s23], $0x1  }
0xa3: {  	[sflag:s23] =	ssyncset.done $0x0  }
0xa4: {  	s25 =	simm.s32 $0x1B8E;
	s24 =	sld [smem:$0x3FFE];
	[sflag:s23] =	ssyncadd.s32 $0xFFFFFFFF  }
0xa5: {  	s26 =	simm.s32 $execute0_lowered;
	[smem:$0x3FD2] =	sst s25  }
0xa6: {  	s4 =	sshll.u32 s26, $0x1;
	_ =	strace $0x80000046;
	[dreg:$0x1] =	wrdreg $0xFFFFFFFF  }
0xa7: {  	s28 =	simm.s32 $_size_execute0_lowered;
	s2 =	sadd.s32 s2, s4;
	[dreg:$0x0] =	wrdreg $0x0  }
0xa8: {  	s4 =	sshll.u32 s28, $0x1;
	[dreg:$0x2] =	wrdreg s2  }
0xa9: {  	[dreg:$0x3] =	wrdreg s4  }
0xaa: {  	[dreg:$0x4] =	wrdreg $0xC0  }
0xab: {  	_ =	task [dreg:s6], $0x5FFFF  }
0xac: {  	[dreg:$0x1] =	wrdreg $0xFFFFFFFF  }
0xad: {  	[dreg:$0x0] =	wrdreg $0x60  }
0xae: {  	[dreg:$0x2] =	wrdreg s24  }
0xaf: {  	[dreg:$0x3] =	wrdreg $0x68000  }
0xb0: {  	[dreg:$0x4] =	wrdreg $0x9  }
0xb1: {  	_ =	task.clear_ibuf [dreg:s6], $0x5FFFF;
	_ =	strace $0x90000046  }
0xb2: {  	s29 =	simm.s32 $0x9;
	_ =	strace $0x80000048  }
0xb3: {  	_ =	swait.ge [sflag:s29], $0x1  }
0xb4: {  	[sflag:s29] =	ssyncadd.s32 $0xFFFFFFFF  }
0xb5: {  	_ =	strace $0x90000048  }
0xb6: {  	_ =	sfence  }
0xb7: {  	s30 =	sld [smem:$0x0];
	_ =	sdelay $0x2  }
0xb8: {  	s31 =	sshll.u32 s1, $0xD;
	s1 =	sshrl.u32 s1, $0x2  }
0xb9: {  	s3 =	sand.u32 $0x4000, s31;
	s1 =	sadd.s32 s1, s30  }
0xba: {  	s0 =	sor.u32 s3, s0;
	s1 =	sshll.u32 s1, $0x11  }
0xbb: {  	s0 =	sor.u32 s1, s0  }
0xbc: {  	s0 =	sadd.s32 $0x8F2B, s0  }
0xbd: {  	[sflag:s0] =	ssyncadd.remote.s32 $0x1  }
0xbe: {  	_ =	sfence.sel $0xFFFF  }
0xbf: {  	[dreg:$0x0] =	wrdreg $0xFFFFFFFF;
	(pc) =	sbr.abs _section_cstart, $3  }
0xc0: {  	[dreg:$0x1] =	wrdreg $0xFFFFFFFF  }
0xc1: {  	_ =	task.clear_ibuf [dreg:s6], $0x2FFFF;
	_ =	strace $0x9FFFFFFF  }
0xc2: {  	(tm) =	ssettm $0x7FFFFFFF  }
0xc3: {  	_ =	shalt  }
tec
execute0_lowered:
.L_overlay_start_1:
0x0: {  	(tag) =	ssettag $0x1  }
0x1: {  	s6 =	rddreg [dreg:$0x0]  }
0x2: {  	s2 =	rddreg [dreg:$0x1]  }
0x3: {  	s0 =	rddreg [dreg:$0x2];
	s4 =	srdreg.scid  }
0x4: {  	s3 =	simm.s32 $0x0;
	s1 =	stileid.u32;
	s18 =	simm.s32 $0x50  }
0x5: {  	s21 =	simm.s32 $0x0;
	s5 =	sand.u32 $0x1, s4;
	s29 =	smul.u32 $0xA000, s1  }
0x6: {  	s28 =	sshll.u32 s1, $0xC;
	[smem:$0x7FF] =	sst s3;
	s11 =	smul.u32 $0x28000, s1  }
0x7: {  	s9 =	sadd.s32 $0x24600, s6;
	s12 =	smul.u32 $0x1400, s1;
	s15 =	sadd.s32 $0x96000, s2  }
0x8: {  	p0 =	seq.s32 s1, $0xF;
	s19 =	sshll.u32 s1, $0x6;
	s7 =	sshll.u32 s5, $0xB  }
0x9: {  	s8 =	smul.u32 $0x140000, s5;
	_ =	strace $0x80000047;
	s5 =	ssub.s32 $0x2, s5  }
0xa: {  	s16 =	sshll.u32 @!p0 s1, $0x6;
	s15 =	sshrl.u32 @p0 s15, $0x3;
	s19 =	sor.u32 $0x1C01, s19  }
0xb: {  	s4 =	sor.u32 s7, s28;
	s30 =	sshrl.u32 s5, $0x1;
	s11 =	sshrl.u32 s11, $0x2  }
0xc: {  	s31 =	sshrl.u32 s29, $0x3;
	s16 =	sor.u32 @!p0 $0x1C01, s16;
	s10 =	sadd.s32 s4, s6  }
0xd: {  	s4 =	sadd.s32 $0x38800, s6;
	s8 =	sadd.s32 s29, s8;
	s14 =	ssub.s32 s5, s30  }
0xe: {  	s20 =	sadd.s32 s11, s2;
	s5 =	sadd.s32 s9, s12;
	s9 =	sadd.s32 s9, s31  }
0xf: {  	s8 =	sshrl.u32 s8, $0x3;
	s7 =	sadd.s32 $0x4600, s10;
	s10 =	sadd.s32 $0x14600, s10  }
0x10: {  	s12 =	smax.u32 s14, $0x1;
	s14 =	simm.s32 $0x1;
	s17 =	sshrl.u32 @!p0 s20, $0x3  }
0x11: {  	s20 =	sshrl.u32 s20, $0x3;
	s13 =	sadd.s32 s8, s6;
	s6 =	sadd.s32 $0x37200, s6  }
0x12: {  	s8 =	sadd.s32 $0x38E00, s13;
	s11 =	sadd.s32 $0x39600, s13;
	s13 =	simm.s32 $0x4000  }
.LBB2_1:
0x13: {  	[tilespmem:s13], [sflag:$0x1] =	stream.linear.gather [hbm4b:s4+s3], $0x2800, $0x38;
	[tilespmem:$0x10840] =	vst v63  }
0x14: {  	_ =	swait.ge [sflag:s14], $0x2800  }
0x15: {  	[sflag:s14] =	ssyncset.done $0x0  }
0x16: {  	s22 =	simm.s32 @p0 $0x1FC1;
	[sflag:s14] =	ssyncadd.s32 $0xFFFFD800  }
0x17: {  	[spmem:s15], [sflag:s22] =	dma.local @p0 [hbm:s6], $0x1480  }
0x18: {  	s22 =	simm.s32 @p0 $0x1  }
0x19: {  	_ =	swait.ge @p0 [sflag:s22], $0x1480  }
0x1a: {  	[sflag:s22] =	ssyncset.done @p0 $0x0  }
0x1b: {  	[sflag:s22] =	ssyncadd.s32 @p0 $0xFFFFEB80;
	s22 =	simm.s32 @!p0 $0x1  }
0x1c: {  	[spmem:s17], [sflag:s16] =	dma.local @!p0 [hbm:s5], $0x1400  }
0x1d: {  	_ =	swait.ge @!p0 [sflag:s22], $0x1400  }
0x1e: {  	[sflag:s22] =	ssyncset.done @!p0 $0x0  }
0x1f: {  	[sflag:s22] =	ssyncadd.s32 @!p0 $0xFFFFEC00  }
0x20: {  	[tilespmem:s3], [sflag:$0x1] =	stream.linear.gather [hbm4b:s7+s3], $0x3E80, $0x38;
	[tilespmem:$0x10840] =	vst v63  }
0x21: {  	_ =	swait.ge [sflag:s14], $0x3E80  }
0x22: {  	[sflag:s14] =	ssyncset.done $0x0  }
0x23: {  	[sflag:s14] =	ssyncadd.s32 $0xFFFFC180  }
0x24: {  	s31 =	simm.s32 $0x0;
	[bflag:$0x0] =	sbarrier.arrive $0xFFFF  }
0x25: {  	[spmem:s2] =	stream.indirect.scatter.add.f32 [tilespmem:s13], [sflag:$0x1], $0x80, s31, s18, $0xb8;
	[tilespmem:$0x10840] =	vst v63  }
0x26: {  	_ =	swait.ge [sflag:s14], $0x2800  }
0x27: {  	s22 =	simm.s32 $0x200;
	[sflag:s14] =	ssyncset.done $0x0  }
.LBB2_2:
0x28: {  	s23 =	sshra.s32 s22, $0x2;
	[sflag:s14] =	ssyncadd.s32 $0xFFFFD800;
	p1 =	sne.s32 s22, $0xF800  }
0x29: {  	[spmem:s2] =	stream.indirect.scatter.add.f32 [tilespmem:s13], [sflag:$0x1], $0x80, s23, s18, $0xb8;
	[tilespmem:$0x10840] =	vst v63  }
.Ltmp0:
0x2a: {  	_ = 	snop;
	(pc) =	sbr.rel @p1 .LBB2_2-.Ltmp0, $4  }
0x2b: {  	_ = 	snop  }
0x2c: {  	s22 =	sadd.s32 $0x200, s22  }
0x2d: {  	_ =	swait.ge [sflag:s14], $0x2800  }
0x2e: {  	[sflag:s14] =	ssyncset.done $0x0  }
0x2f: {  	[sflag:s14] =	ssyncadd.s32 $0xFFFFD800  }
0x30: {  	[bflag:$0x0] =	sbarrier.arrive $0xFFFF  }
0x31: {  	[hbm:s8], [sflag:s19] =	dma.local [spmem:s20], $0x1400  }
0x32: {  	_ =	swait.ge [sflag:s14], $0x1400  }
0x33: {  	[sflag:s14] =	ssyncset.done $0x0  }
0x34: {  	[sflag:s14] =	ssyncadd.s32 $0xFFFFEC00  }
0x35: {  	s22 =	simm.s32 @p0 $0x1;
	[bflag:$0x0] =	sbarrier.arrive $0xFFFF  }
0x36: {  	[spmem:s15], [sflag:s19] =	dma.local @p0 [hbm:s6], $0x1480  }
0x37: {  	_ =	swait.ge @p0 [sflag:s22], $0x1480  }
0x38: {  	[sflag:s22] =	ssyncset.done @p0 $0x0  }
0x39: {  	[sflag:s22] =	ssyncadd.s32 @p0 $0xFFFFEB80;
	s22 =	simm.s32 @!p0 $0x1  }
0x3a: {  	[spmem:s17], [sflag:s19] =	dma.local @!p0 [hbm:s9], $0x1400  }
0x3b: {  	_ =	swait.ge @!p0 [sflag:s22], $0x1400  }
0x3c: {  	[sflag:s22] =	ssyncset.done @!p0 $0x0  }
0x3d: {  	s30 =	simm.s32 $0x0;
	[sflag:s22] =	ssyncadd.s32 @!p0 $0xFFFFEC00  }
0x3e: {  	[tilespmem:s30], [sflag:$0x1] =	stream.linear.gather [hbm4b:s10+s30], $0x3E80, $0x38;
	[tilespmem:$0x10840] =	vst v63  }
0x3f: {  	_ =	swait.ge [sflag:s14], $0x3E80  }
0x40: {  	[sflag:s14] =	ssyncset.done $0x0  }
0x41: {  	[sflag:s14] =	ssyncadd.s32 $0xFFFFC180  }
0x42: {  	s31 =	simm.s32 $0x0;
	[bflag:$0x0] =	sbarrier.arrive $0xFFFF  }
0x43: {  	[spmem:s2] =	stream.indirect.scatter.add.f32 [tilespmem:s13], [sflag:$0x1], $0x80, s31, s18, $0xb8;
	[tilespmem:$0x10840] =	vst v63  }
0x44: {  	_ =	swait.ge [sflag:s14], $0x2800  }
0x45: {  	s22 =	simm.s32 $0x200;
	[sflag:s14] =	ssyncset.done $0x0  }
.LBB2_4:
0x46: {  	s23 =	sshra.s32 s22, $0x2;
	[sflag:s14] =	ssyncadd.s32 $0xFFFFD800;
	p1 =	sne.s32 s22, $0xF800  }
0x47: {  	[spmem:s2] =	stream.indirect.scatter.add.f32 [tilespmem:s13], [sflag:$0x1], $0x80, s23, s18, $0xb8;
	[tilespmem:$0x10840] =	vst v63  }
.Ltmp1:
0x48: {  	_ = 	snop;
	(pc) =	sbr.rel @p1 .LBB2_4-.Ltmp1, $4  }
0x49: {  	_ = 	snop  }
0x4a: {  	s22 =	sadd.s32 $0x200, s22  }
0x4b: {  	_ =	swait.ge [sflag:s14], $0x2800  }
0x4c: {  	[sflag:s14] =	ssyncset.done $0x0  }
0x4d: {  	[sflag:s14] =	ssyncadd.s32 $0xFFFFD800;
	s21 =	sadd.s32 $0x1, s21  }
0x4e: {  	[bflag:$0x0] =	sbarrier.arrive $0xFFFF;
	p1 =	sne.s32 s21, s12  }
0x4f: {  	[hbm:s11], [sflag:s19] =	dma.local [spmem:s20], $0x1400  }
.Ltmp2:
0x50: {  	_ =	swait.ge [sflag:s14], $0x1400;
	(pc) =	sbr.rel @p1 .LBB2_1-.Ltmp2, $3  }
0x51: {  	[sflag:s14] =	ssyncset.done $0x0  }
0x52: {  	[sflag:s14] =	ssyncadd.s32 $0xFFFFEC00  }
0x53: {  	[bflag:$0x0] =	sbarrier.arrive $0xFFFF;
	_ =	sdelay $0x1  }
0x54: {  	_ =	sfence.sel $0x180000  }
0x55: {  	[bflag:$0x0] =	sbarrier.arrive $0xFFFF  }
0x56: {  	p0 =	sne.s32 s1, $0x0;
	_ =	strace $0x90000047  }
0x57: {  	s0 =	sadd.s32 @!p0 $0x100000, s0;
	[bflag:$0x2] =	sbarrier.arrive $0xFFFF  }
0x58: {  	[sflag:s0] =	ssyncadd.tile.s32 @!p0 $0x1;
	_ =	shalt  }
.Lfunc_end2:
_tile_overlayer_lowered:
.L_overlay_start_2:
0x59: {  	(tag) =	ssettag $0x2  }
0x5a: {  	s0 =	rddreg [dreg:$0x0];
	s2 =	stileid.u32  }
0x5b: {  	s1 =	rddreg [dreg:$0x1];
	p0 =	sne.s32 s2, $0x0  }
0x5c: {  	s3 =	rddreg [dreg:$0x2];
	[bflag:$0x3] =	sbarrier.arrive $0xFFFF;
	s2 =	simm.s32 @!p0 $0x1C01  }
0x5d: {  	[timem:s3], [sflag:s2] =	dma.local @!p0 [hbm:s0], s1  }
0x5e: {  	s0 =	simm.s32 @!p0 $0x1  }
0x5f: {  	_ =	swait.ge @!p0 [sflag:s0], s1  }
0x60: {  	s1 =	ssub.s32 @!p0 $0x0, s1;
	[sflag:s0] =	ssyncset.done @!p0 $0x0  }
0x61: {  	[sflag:s0] =	ssyncadd.s32 @!p0 s1  }
0x62: {  	[bflag:$0x3] =	sbarrier.arrive $0xFFFF  }
0x63: {  	_ =	shalt  }

</sc_bundles>
